<compile_context>
chip_gen: v7x
topology: tpu7x:2x2x1
jax: 0.10.2.dev20260603
libtpu: 0.0.44.dev20260713+nightly
codegen_flags: <defaults>
</compile_context>

<pallas_src>
import functools

import jax
import jax.numpy as jnp
from jax import lax
from jax.experimental import pallas as pl
from jax.experimental.pallas import tpu as pltpu
from jax.experimental.pallas import tpu_sc as plsc

_T = 2048
_H = 768
_F = 1024
_E = 8
_JITTER = 0.01
_NEG = -1e30
_TILE = 512
_NT = 16
_NP = _NT * _TILE
_NW = 32
_APW = (2 * _T) // _NW
_TPW = _T // _NW


def _gelu_exact(v):
    return 0.5 * v * (1.0 + jax.lax.erf(v * 0.7071067811865476))


def _cumsum_rows(v):
    n = v.shape[0]
    k = 1
    while k < n:
        v = v + jnp.concatenate(
            [jnp.zeros((k, v.shape[1]), v.dtype), v[:n - k]], axis=0)
        k *= 2
    return v


def _excl_cumsum_lanes(v):
    n = v.shape[1]
    incl = v
    k = 1
    while k < n:
        incl = incl + jnp.concatenate(
            [jnp.zeros((1, k), v.dtype), incl[:, :n - k]], axis=1)
        k *= 2
    return incl - v


def _router_body(xf_ref, wg_ref, bg_ref, posm_ref, wsp_ref, meta_ref):
    logits = jax.lax.dot_general(
        xf_ref[...], wg_ref[...], (((1,), (1,)), ((), ())),
        preferred_element_type=jnp.float32) + bg_ref[...]
    m = jnp.max(logits, axis=1, keepdims=True)
    ex = jnp.exp(logits - m)
    scores = ex / jnp.sum(ex, axis=1, keepdims=True)
    iota = jax.lax.broadcasted_iota(jnp.int32, scores.shape, 1)
    max1 = jnp.max(scores, axis=1, keepdims=True)
    factor = jnp.maximum(jnp.abs(scores), max1)
    mask1 = ((max1 - scores) / factor) > (2.0 * _JITTER)
    mg1 = jnp.where(mask1, _NEG, scores)
    m1 = jnp.max(mg1, axis=1, keepdims=True)
    e1 = jnp.exp(mg1 - m1)
    p1 = e1 / jnp.sum(e1, axis=1, keepdims=True)
    mult1 = jnp.max(p1, axis=1, keepdims=True)
    sel1 = jnp.min(jnp.where(scores == max1, iota, _E), axis=1, keepdims=True)
    ms = jnp.where(iota == sel1, _NEG, scores)
    max2 = jnp.max(ms, axis=1, keepdims=True)
    factor2 = jnp.maximum(jnp.abs(scores), max2)
    mask2 = ((max2 - scores) / factor2) > (2.0 * _JITTER)
    mg2 = jnp.where(mask2, _NEG, ms)
    m2 = jnp.max(mg2, axis=1, keepdims=True)
    e2 = jnp.exp(mg2 - m2)
    p2 = e2 / jnp.sum(e2, axis=1, keepdims=True)
    mult2 = jnp.max(p2, axis=1, keepdims=True)
    sel2 = jnp.min(jnp.where(ms == max2, iota, _E), axis=1, keepdims=True)

    oh1 = (iota == sel1).astype(jnp.int32)
    oh2 = (iota == sel2).astype(jnp.int32)
    cnt1 = _cumsum_rows(oh1)
    cnt2 = _cumsum_rows(oh2)
    total1 = cnt1[_T - 1:_T, :]
    total2 = cnt2[_T - 1:_T, :]
    counts = total1 + total2
    ntiles = (counts + (_TILE - 1)) // _TILE
    offt = _excl_cumsum_lanes(ntiles)
    off = offt * _TILE
    ttot = jnp.sum(ntiles, axis=1, keepdims=True)

    pos0 = jnp.sum(oh1 * (off + cnt1 - 1), axis=1, keepdims=True)
    pos1 = jnp.sum(oh2 * (off + total1 + cnt2 - 1), axis=1, keepdims=True)

    posm_ref[...] = jnp.zeros_like(posm_ref)
    posm_ref[:, 0:1] = pos0
    posm_ref[:, 1:2] = pos1
    wsp_ref[0:_T, :] = jnp.broadcast_to(mult1, (_T, 16))
    wsp_ref[_T:2 * _T, :] = jnp.broadcast_to(mult2, (_T, 16))

    ti = jax.lax.broadcasted_iota(jnp.int32, (64, _E), 0)
    ei = jax.lax.broadcasted_iota(jnp.int32, (64, _E), 1)
    in_e = jnp.logical_and(ti >= offt, ti < offt + ntiles).astype(jnp.int32)
    te64 = jnp.sum(in_e * ei, axis=1, keepdims=True)
    ei1 = jax.lax.broadcasted_iota(jnp.int32, (1, _E), 1)
    te_last = jnp.max(jnp.where(ntiles > 0, ei1, 0), axis=1, keepdims=True)
    tcol = ti[:, 0:1]
    act64 = (tcol < ttot).astype(jnp.int32)
    te_ff = jnp.where(tcol < ttot, te64, te_last)
    fi64 = jnp.minimum(tcol, ttot - 1)
    meta_ref[...] = jnp.zeros_like(meta_ref)
    meta_ref[:, 0:1] = fi64
    meta_ref[:, 1:2] = te_ff
    meta_ref[:, 2:3] = act64


def _router_call(xf, Wg, bg2):
    return pl.pallas_call(
        _router_body,
        in_specs=[
            pl.BlockSpec((_T, _H), lambda: (0, 0)),
            pl.BlockSpec((_E, _H), lambda: (0, 0)),
            pl.BlockSpec((1, _E), lambda: (0, 0)),
        ],
        out_specs=[
            pl.BlockSpec((_T, _E), lambda: (0, 0)),
            pl.BlockSpec((2 * _T, 16), lambda: (0, 0)),
            pl.BlockSpec((64, _E), lambda: (0, 0)),
        ],
        out_shape=[
            jax.ShapeDtypeStruct((_T, _E), jnp.int32),
            jax.ShapeDtypeStruct((2 * _T, 16), jnp.float32),
            jax.ShapeDtypeStruct((64, _E), jnp.int32),
        ],
    )(xf, Wg, bg2)


def _dispatch_sc(xf, posm2):
    mesh = plsc.VectorSubcoreMesh(core_axis_name="c", subcore_axis_name="s")

    @functools.partial(
        pl.kernel, mesh=mesh,
        out_type=jax.ShapeDtypeStruct((_NP, _H), jnp.float32),
        scratch_types=[
            pltpu.VMEM((2, _APW // 2), jnp.int32),
            pltpu.VMEM((2, _APW // 2, _H), jnp.float32),
            pltpu.SemaphoreType.DMA,
            pltpu.SemaphoreType.DMA,
        ],
    )
    def k(x_hbm, pos_hbm, xs_hbm, idx_v, rows_v, lsem, ssem):
        wid = lax.axis_index("s") * 2 + lax.axis_index("c")
        tbase = (wid % 16) * _APW
        half = _APW // 2
        pltpu.sync_copy(pos_hbm.at[wid, pl.ds(0, half)], idx_v.at[0])
        pltpu.sync_copy(pos_hbm.at[wid, pl.ds(half, half)], idx_v.at[1])
        l0 = pltpu.async_copy(
            x_hbm.at[pl.ds(tbase, half), :], rows_v.at[0], lsem)
        l1 = pltpu.async_copy(
            x_hbm.at[pl.ds(tbase + half, half), :], rows_v.at[1], lsem)
        l0.wait()
        s0 = pltpu.async_copy(rows_v.at[0], xs_hbm.at[idx_v.at[0]], ssem)
        l1.wait()
        s1 = pltpu.async_copy(rows_v.at[1], xs_hbm.at[idx_v.at[1]], ssem)
        s0.wait()
        s1.wait()

    return k(xf, posm2)


def _expert_body(meta_ref, xs_ref, w1_ref, w2_ref, w3_ref, os_ref):
    i = pl.program_id(0)

    @pl.when(meta_ref[i, 2] == 1)
    def _():
        xb = xs_ref[...]
        h1 = jax.lax.dot_general(xb, w1_ref[0], (((1,), (1,)), ((), ())),
                                 preferred_element_type=jnp.float32)
        h3 = jax.lax.dot_general(xb, w3_ref[0], (((1,), (1,)), ((), ())),
                                 preferred_element_type=jnp.float32)
        hh = _gelu_exact(h1) * h3
        os_ref[...] = jax.lax.dot_general(
            hh, w2_ref[0], (((1,), (1,)), ((), ())),
            preferred_element_type=jnp.float32)


def _expert_call(meta, xs, W1, W2, W3):
    grid_spec = pltpu.PrefetchScalarGridSpec(
        num_scalar_prefetch=1,
        grid=(_NT,),
        in_specs=[
            pl.BlockSpec((_TILE, _H), lambda i, m: (m[i, 0], 0)),
            pl.BlockSpec((1, _F, _H), lambda i, m: (m[i, 1], 0, 0)),
            pl.BlockSpec((1, _H, _F), lambda i, m: (m[i, 1], 0, 0)),
            pl.BlockSpec((1, _F, _H), lambda i, m: (m[i, 1], 0, 0)),
        ],
        out_specs=pl.BlockSpec((_TILE, _H), lambda i, m: (m[i, 0], 0)),
    )
    return pl.pallas_call(
        _expert_body,
        grid_spec=grid_spec,
        out_shape=jax.ShapeDtypeStruct((_NP, _H), jnp.float32),
    )(meta, xs, W1, W2, W3)


def _combine_sc(os_, posm2, wspl):
    mesh = plsc.VectorSubcoreMesh(core_axis_name="c", subcore_axis_name="s")

    @functools.partial(
        pl.kernel, mesh=mesh,
        out_type=jax.ShapeDtypeStruct((_T, _H), jnp.float32),
        scratch_types=[
            pltpu.VMEM((_TPW,), jnp.int32),
            pltpu.VMEM((_TPW,), jnp.int32),
            pltpu.VMEM((_TPW, 16), jnp.float32),
            pltpu.VMEM((_TPW, 16), jnp.float32),
            pltpu.VMEM((_TPW, _H), jnp.float32),
            pltpu.VMEM((_TPW, _H), jnp.float32),
            pltpu.SemaphoreType.DMA,
        ],
    )
    def k(os_hbm, pos_hbm, wspl_hbm, out_hbm, i0, i1, a0, a1, r0, r1, sem):
        wid = lax.axis_index("s") * 2 + lax.axis_index("c")
        base = wid * _TPW
        row = wid // 2
        col = (wid % 2) * _TPW
        pltpu.sync_copy(pos_hbm.at[row, pl.ds(col, _TPW)], i0)
        pltpu.sync_copy(pos_hbm.at[16 + row, pl.ds(col, _TPW)], i1)
        pltpu.sync_copy(wspl_hbm.at[pl.ds(base, _TPW), :], a0)
        pltpu.sync_copy(wspl_hbm.at[pl.ds(_T + base, _TPW), :], a1)
        pltpu.async_copy(os_hbm.at[i0], r0, sem).wait()
        pltpu.async_copy(os_hbm.at[i1], r1, sem).wait()

        def body(t, carry):
            wa = jnp.reshape(a0[pl.ds(t, 1), :], (16,))
            wb = jnp.reshape(a1[pl.ds(t, 1), :], (16,))
            for j in range(_H // 16):
                sl = pl.ds(j * 16, 16)
                v0 = jnp.reshape(r0[pl.ds(t, 1), sl], (16,))
                v1 = jnp.reshape(r1[pl.ds(t, 1), sl], (16,))
                r0[pl.ds(t, 1), sl] = jnp.reshape(wa * v0 + wb * v1, (1, 16))
            return carry

        lax.fori_loop(0, _TPW, body, 0)
        pltpu.sync_copy(r0, out_hbm.at[pl.ds(base, _TPW), :])

    return k(os_, posm2, wspl)


@jax.jit
def kernel(x, Wg, bg, W1, W2, W3):
    b, s, h = x.shape
    xf = x.reshape(s, h)
    posm, wsp, meta = _router_call(xf, Wg, bg.reshape(1, _E))
    posflat = jnp.concatenate([posm[:, 0], posm[:, 1]], axis=0)
    posm2 = posflat.reshape(_NW, _APW)
    xs = _dispatch_sc(xf, posm2)
    os_ = _expert_call(meta, xs, W1, W2, W3)
    out = _combine_sc(os_, posm2, wsp)
    return out.reshape(b, s, h)

# --- scband reference (transcript-rebuilt; emitter-appended) ---
"""Pipeline reference for scband-grinmo-efeed-forward-5909874999584 (READ-ONLY COPY).

The authoritative reference and input builder live on the scoring server;
editing this copy changes nothing except your own understanding.
"""

import jax, jax.numpy as jnp
import numpy as np

HIDDEN = 768
FFN = 1024
E = 8
TOP_K = 2
JITTER = 0.01
B, S = 1, 2048


def setup_inputs(seed: int = 0):
    key = jax.random.key(seed)
    ks = jax.random.split(key, 6)
    x = jax.random.normal(ks[0], (B, S, HIDDEN), dtype=jnp.float32)
    Wg = jax.random.normal(ks[1], (E, HIDDEN), dtype=jnp.float32) * 0.02
    bg = jnp.zeros((E,), dtype=jnp.float32)
    W1 = jax.random.normal(ks[2], (E, FFN, HIDDEN), dtype=jnp.float32) * 0.02
    W2 = jax.random.normal(ks[3], (E, HIDDEN, FFN), dtype=jnp.float32) * 0.02
    W3 = jax.random.normal(ks[4], (E, FFN, HIDDEN), dtype=jnp.float32) * 0.02
    return {"x": x, "Wg": Wg, "bg": bg, "W1": W1, "W2": W2, "W3": W3}


def _sparsemixer_infer(scores, jitter_eps):
    # Inference (training=False) branch of GRIN's sparsemixer, top_k=2.
    # --- first expert ---
    max_val = jnp.max(scores, axis=-1, keepdims=True)
    factor = jnp.maximum(jnp.abs(scores), max_val)  # scores.abs().clamp(min=max)
    mask = ((max_val - scores) / factor) > (2.0 * jitter_eps)
    masked_gates = jnp.where(mask, -jnp.inf, scores)
    sel1 = jnp.argmax(scores, axis=-1, keepdims=True)
    probs1 = jax.nn.softmax(masked_gates, axis=-1)
    mult1 = jnp.take_along_axis(probs1, sel1, axis=-1)
    # --- second expert: mask out the first selection ---
    onehot1 = jax.nn.one_hot(sel1[..., 0], scores.shape[-1], dtype=bool)
    masked_scores = jnp.where(onehot1, -jnp.inf, scores)
    max_val2 = jnp.max(masked_scores, axis=-1, keepdims=True)
    factor2 = jnp.maximum(jnp.abs(scores), max_val2)
    mask2 = ((max_val2 - scores) / factor2) > (2.0 * jitter_eps)
    masked_gates2 = jnp.where(mask2, -jnp.inf, masked_scores)
    sel2 = jnp.argmax(masked_scores, axis=-1, keepdims=True)
    probs2 = jax.nn.softmax(masked_gates2, axis=-1)
    mult2 = jnp.take_along_axis(probs2, sel2, axis=-1)
    routing_weights = jnp.concatenate([mult1, mult2], axis=-1)
    selected_experts = jnp.concatenate([sel1, sel2], axis=-1)
    return routing_weights, selected_experts


def reference(x, Wg, bg, W1, W2, W3):
    b, s, h = x.shape
    xf = x.reshape(-1, h)
    # GatingNetwork: softmax(Linear(x))
    router_logits = jax.nn.softmax(xf @ Wg.T + bg, axis=-1)
    routing_weights, selected_experts = _sparsemixer_infer(router_logits, JITTER)
    out = jnp.zeros_like(xf)
    for e in range(E):
        # GRINMoEBlockSparseTop2MLP: w2( gelu(w1 x) * w3 x ), bias=False, exact gelu
        h1 = jax.nn.gelu(xf @ W1[e].T, approximate=False)
        h3 = xf @ W3[e].T
        oe = (h1 * h3) @ W2[e].T
        # weight for tokens routed to expert e (sum over top-k slots); equivalent to index_add over gathered tokens
        we = jnp.sum(routing_weights * (selected_experts == e).astype(routing_weights.dtype), axis=-1)
        out = out + oe * we[:, None]
    return out.reshape(b, s, h)

if __name__ == "__main__":
    import jax
    _d = setup_inputs()
    print(jax.jit(kernel)(*tuple(_d.values())))

</pallas_src>

<mosaic_0001>
#map = affine_map<(d0, d1) -> (0, 0)>
module attributes {stable_mosaic.version = 14 : i64} {
  func.func @k(%arg0: i32, %arg1: i32, %arg2: memref<8192x768xf32, #tpu.memory_space<hbm>>, %arg3: memref<32x128xi32, #tpu.memory_space<hbm>>, %arg4: memref<4096x16xf32, #tpu.memory_space<hbm>>, %arg5: memref<2048x768xf32, #tpu.memory_space<hbm>>, %arg6: memref<64xi32, #tpu.memory_space<vmem>>, %arg7: memref<64xi32, #tpu.memory_space<vmem>>, %arg8: memref<64x16xf32, #tpu.memory_space<vmem>>, %arg9: memref<64x16xf32, #tpu.memory_space<vmem>>, %arg10: memref<64x768xf32, #tpu.memory_space<vmem>>, %arg11: memref<64x768xf32, #tpu.memory_space<vmem>>, %arg12: memref<!tpu.dma_semaphore, #tpu.memory_space<semaphore_mem>>) attributes {dimension_semantics = [#tpu.dimension_semantics<core_parallel>, #tpu.dimension_semantics<subcore_parallel>], iteration_bounds = array<i64: 2, 16>, scalar_prefetch = 0 : i64, scratch_operands = 7 : i64, tpu.core_type = #tpu.core_type<sc_vector_subcore>, window_params = [{transform_indices = #map}, {transform_indices = #map}, {transform_indices = #map}, {transform_indices = #map}]} {
    %mul3A = arith.constant 2 : i32
    %mul3A_0 = arith.muli %arg1, %mul3A : i32
    %add3A = arith.addi %mul3A_0, %arg0 : i32
    %mul3A_1 = arith.constant 64 : i32
    %mul3A_2 = arith.muli %add3A, %mul3A_1 : i32
    %jit3A = arith.constant 2 : i32
    %div3A = arith.divsi %add3A, %jit3A : i32
    %sign3A = arith.constant 0 : i32
    %sign3A_3 = arith.cmpi sgt, %add3A, %sign3A : i32
    %sign3A_4 = arith.extui %sign3A_3 : i1 to i32
    %sign3A_5 = arith.constant 0 : i32
    %sign3A_6 = arith.cmpi slt, %add3A, %sign3A_5 : i32
    %sign3A_7 = arith.extui %sign3A_6 : i1 to i32
    %sign3A_8 = arith.subi %sign3A_4, %sign3A_7 : i32
    %sign3A_9 = arith.constant 0 : i32
    %sign3A_10 = arith.cmpi sgt, %jit3A, %sign3A_9 : i32
    %sign3A_11 = arith.extui %sign3A_10 : i1 to i32
    %sign3A_12 = arith.constant 0 : i32
    %sign3A_13 = arith.cmpi slt, %jit3A, %sign3A_12 : i32
    %sign3A_14 = arith.extui %sign3A_13 : i1 to i32
    %sign3A_15 = arith.subi %sign3A_11, %sign3A_14 : i32
    %ne3A = arith.cmpi ne, %sign3A_8, %sign3A_15 : i32
    %rem3A = arith.remsi %add3A, %jit3A : i32
    %ne3A_16 = arith.constant 0 : i32
    %ne3A_17 = arith.cmpi ne, %rem3A, %ne3A_16 : i32
    %and3A = arith.andi %ne3A, %ne3A_17 : i1
    %sub3A = arith.constant 1 : i32
    %sub3A_18 = arith.subi %div3A, %sub3A : i32
    %select_n3A = arith.select %and3A, %sub3A_18, %div3A : i32
    %jit3A_19 = arith.constant 2 : i32
    %eq3A = arith.constant 0 : i32
    %eq3A_20 = arith.cmpi eq, %jit3A_19, %eq3A : i32
    %jit3A_21 = arith.constant 1 : i32
    %select_n3A_22 = arith.select %eq3A_20, %jit3A_21, %jit3A_19 : i32
    %rem3A_23 = arith.remsi %add3A, %select_n3A_22 : i32
    %ne3A_24 = arith.constant 0 : i32
    %ne3A_25 = arith.cmpi ne, %rem3A_23, %ne3A_24 : i32
    %lt3A = arith.constant 0 : i32
    %lt3A_26 = arith.cmpi slt, %rem3A_23, %lt3A : i32
    %lt3A_27 = arith.constant 0 : i32
    %lt3A_28 = arith.cmpi slt, %select_n3A_22, %lt3A_27 : i32
    %ne3A_29 = arith.xori %lt3A_26, %lt3A_28 : i1
    %and3A_30 = arith.andi %ne3A_29, %ne3A_25 : i1
    %add3A_31 = arith.addi %rem3A_23, %select_n3A_22 : i32
    %select_n3A_32 = arith.select %and3A_30, %add3A_31, %rem3A_23 : i32
    %mul3A_33 = arith.constant 64 : i32
    %mul3A_34 = arith.muli %select_n3A_32, %mul3A_33 : i32
    "tpu.region"() ({
      %run_scoped3A = tpu.sem_alloc : memref<!tpu.dma_semaphore, #tpu.memory_space<semaphore_mem>>
      %dma_start3A_54 = tpu.memref_slice %arg3[%select_n3A, %mul3A_34] : memref<32x128xi32, #tpu.memory_space<hbm>> -> memref<1x64xi32, #tpu.memory_space<hbm>>
      %dma_start3A_55 = tpu.memref_squeeze %dma_start3A_54 : memref<1x64xi32, #tpu.memory_space<hbm>> -> memref<64xi32, #tpu.memory_space<hbm>>
      %dma_start3A_56 = tpu.memref_slice %arg3[%select_n3A, %mul3A_34] : memref<32x128xi32, #tpu.memory_space<hbm>> -> memref<1x64xi32, #tpu.memory_space<hbm>>
      %dma_start3A_57 = tpu.memref_squeeze %dma_start3A_56 : memref<1x64xi32, #tpu.memory_space<hbm>> -> memref<64xi32, #tpu.memory_space<hbm>>
      tpu.enqueue_dma source(%dma_start3A_57 : memref<64xi32, #tpu.memory_space<hbm>>) target(%arg6 : memref<64xi32, #tpu.memory_space<vmem>>) target_semaphore(%run_scoped3A : memref<!tpu.dma_semaphore, #tpu.memory_space<semaphore_mem>>)
      %dma_wait3A_58 = tpu.memref_slice %arg3[%select_n3A, %mul3A_34] : memref<32x128xi32, #tpu.memory_space<hbm>> -> memref<1x64xi32, #tpu.memory_space<hbm>>
      %dma_wait3A_59 = tpu.memref_squeeze %dma_wait3A_58 : memref<1x64xi32, #tpu.memory_space<hbm>> -> memref<64xi32, #tpu.memory_space<hbm>>
      %dma_wait3A_60 = tpu.memref_slice %arg3[%select_n3A, %mul3A_34] : memref<32x128xi32, #tpu.memory_space<hbm>> -> memref<1x64xi32, #tpu.memory_space<hbm>>
      %dma_wait3A_61 = tpu.memref_squeeze %dma_wait3A_60 : memref<1x64xi32, #tpu.memory_space<hbm>> -> memref<64xi32, #tpu.memory_space<hbm>>
      tpu.wait_dma2 semaphore(%run_scoped3A : memref<!tpu.dma_semaphore, #tpu.memory_space<semaphore_mem>>) src(%dma_wait3A_61 : memref<64xi32, #tpu.memory_space<hbm>>) dst(%arg6 : memref<64xi32, #tpu.memory_space<vmem>>)
      tpu.yield
    }) : () -> ()
    %add3A_35 = arith.constant 16 : i32
    %add3A_36 = arith.addi %add3A_35, %select_n3A : i32
    "tpu.region"() ({
      %run_scoped3A = tpu.sem_alloc : memref<!tpu.dma_semaphore, #tpu.memory_space<semaphore_mem>>
      %dma_start3A_54 = tpu.memref_slice %arg3[%add3A_36, %mul3A_34] : memref<32x128xi32, #tpu.memory_space<hbm>> -> memref<1x64xi32, #tpu.memory_space<hbm>>
      %dma_start3A_55 = tpu.memref_squeeze %dma_start3A_54 : memref<1x64xi32, #tpu.memory_space<hbm>> -> memref<64xi32, #tpu.memory_space<hbm>>
      %dma_start3A_56 = tpu.memref_slice %arg3[%add3A_36, %mul3A_34] : memref<32x128xi32, #tpu.memory_space<hbm>> -> memref<1x64xi32, #tpu.memory_space<hbm>>
      %dma_start3A_57 = tpu.memref_squeeze %dma_start3A_56 : memref<1x64xi32, #tpu.memory_space<hbm>> -> memref<64xi32, #tpu.memory_space<hbm>>
      tpu.enqueue_dma source(%dma_start3A_57 : memref<64xi32, #tpu.memory_space<hbm>>) target(%arg7 : memref<64xi32, #tpu.memory_space<vmem>>) target_semaphore(%run_scoped3A : memref<!tpu.dma_semaphore, #tpu.memory_space<semaphore_mem>>)
      %dma_wait3A_58 = tpu.memref_slice %arg3[%add3A_36, %mul3A_34] : memref<32x128xi32, #tpu.memory_space<hbm>> -> memref<1x64xi32, #tpu.memory_space<hbm>>
      %dma_wait3A_59 = tpu.memref_squeeze %dma_wait3A_58 : memref<1x64xi32, #tpu.memory_space<hbm>> -> memref<64xi32, #tpu.memory_space<hbm>>
      %dma_wait3A_60 = tpu.memref_slice %arg3[%add3A_36, %mul3A_34] : memref<32x128xi32, #tpu.memory_space<hbm>> -> memref<1x64xi32, #tpu.memory_space<hbm>>
      %dma_wait3A_61 = tpu.memref_squeeze %dma_wait3A_60 : memref<1x64xi32, #tpu.memory_space<hbm>> -> memref<64xi32, #tpu.memory_space<hbm>>
      tpu.wait_dma2 semaphore(%run_scoped3A : memref<!tpu.dma_semaphore, #tpu.memory_space<semaphore_mem>>) src(%dma_wait3A_61 : memref<64xi32, #tpu.memory_space<hbm>>) dst(%arg7 : memref<64xi32, #tpu.memory_space<vmem>>)
      tpu.yield
    }) : () -> ()
    "tpu.region"() ({
      %run_scoped3A = tpu.sem_alloc : memref<!tpu.dma_semaphore, #tpu.memory_space<semaphore_mem>>
      %dma_start3A_54 = arith.constant 0 : i32
      %dma_start3A_55 = tpu.memref_slice %arg4[%mul3A_2, %dma_start3A_54] : memref<4096x16xf32, #tpu.memory_space<hbm>> -> memref<64x16xf32, #tpu.memory_space<hbm>>
      %dma_start3A_56 = arith.constant 0 : i32
      %dma_start3A_57 = tpu.memref_slice %arg4[%mul3A_2, %dma_start3A_56] : memref<4096x16xf32, #tpu.memory_space<hbm>> -> memref<64x16xf32, #tpu.memory_space<hbm>>
      tpu.enqueue_dma source(%dma_start3A_57 : memref<64x16xf32, #tpu.memory_space<hbm>>) target(%arg8 : memref<64x16xf32, #tpu.memory_space<vmem>>) target_semaphore(%run_scoped3A : memref<!tpu.dma_semaphore, #tpu.memory_space<semaphore_mem>>)
      %dma_wait3A_58 = arith.constant 0 : i32
      %dma_wait3A_59 = tpu.memref_slice %arg4[%mul3A_2, %dma_wait3A_58] : memref<4096x16xf32, #tpu.memory_space<hbm>> -> memref<64x16xf32, #tpu.memory_space<hbm>>
      %dma_wait3A_60 = arith.constant 0 : i32
      %dma_wait3A_61 = tpu.memref_slice %arg4[%mul3A_2, %dma_wait3A_60] : memref<4096x16xf32, #tpu.memory_space<hbm>> -> memref<64x16xf32, #tpu.memory_space<hbm>>
      tpu.wait_dma2 semaphore(%run_scoped3A : memref<!tpu.dma_semaphore, #tpu.memory_space<semaphore_mem>>) src(%dma_wait3A_61 : memref<64x16xf32, #tpu.memory_space<hbm>>) dst(%arg8 : memref<64x16xf32, #tpu.memory_space<vmem>>)
      tpu.yield
    }) : () -> ()
    %add3A_37 = arith.constant 2048 : i32
    %add3A_38 = arith.addi %add3A_37, %mul3A_2 : i32
    "tpu.region"() ({
      %run_scoped3A = tpu.sem_alloc : memref<!tpu.dma_semaphore, #tpu.memory_space<semaphore_mem>>
      %dma_start3A_54 = arith.constant 0 : i32
      %dma_start3A_55 = tpu.memref_slice %arg4[%add3A_38, %dma_start3A_54] : memref<4096x16xf32, #tpu.memory_space<hbm>> -> memref<64x16xf32, #tpu.memory_space<hbm>>
      %dma_start3A_56 = arith.constant 0 : i32
      %dma_start3A_57 = tpu.memref_slice %arg4[%add3A_38, %dma_start3A_56] : memref<4096x16xf32, #tpu.memory_space<hbm>> -> memref<64x16xf32, #tpu.memory_space<hbm>>
      tpu.enqueue_dma source(%dma_start3A_57 : memref<64x16xf32, #tpu.memory_space<hbm>>) target(%arg9 : memref<64x16xf32, #tpu.memory_space<vmem>>) target_semaphore(%run_scoped3A : memref<!tpu.dma_semaphore, #tpu.memory_space<semaphore_mem>>)
      %dma_wait3A_58 = arith.constant 0 : i32
      %dma_wait3A_59 = tpu.memref_slice %arg4[%add3A_38, %dma_wait3A_58] : memref<4096x16xf32, #tpu.memory_space<hbm>> -> memref<64x16xf32, #tpu.memory_space<hbm>>
      %dma_wait3A_60 = arith.constant 0 : i32
      %dma_wait3A_61 = tpu.memref_slice %arg4[%add3A_38, %dma_wait3A_60] : memref<4096x16xf32, #tpu.memory_space<hbm>> -> memref<64x16xf32, #tpu.memory_space<hbm>>
      tpu.wait_dma2 semaphore(%run_scoped3A : memref<!tpu.dma_semaphore, #tpu.memory_space<semaphore_mem>>) src(%dma_wait3A_61 : memref<64x16xf32, #tpu.memory_space<hbm>>) dst(%arg9 : memref<64x16xf32, #tpu.memory_space<vmem>>)
      tpu.yield
    }) : () -> ()
    %dma_start3A = arith.constant 0 : i32
    %dma_start3A_39 = arith.constant 0 : i32
    %dma_start3A_40 = tpu.memref_slice %arg2[%dma_start3A, %dma_start3A_39] : memref<8192x768xf32, #tpu.memory_space<hbm>> -> memref<8192x768xf32, #tpu.memory_space<hbm>>
    tpu.enqueue_indirect_dma source(%dma_start3A_40 : memref<8192x768xf32, #tpu.memory_space<hbm>>) target(%arg10 : memref<64x768xf32, #tpu.memory_space<vmem>>) offsets(%arg6 : memref<64xi32, #tpu.memory_space<vmem>>) semaphore(%arg12 : memref<!tpu.dma_semaphore, #tpu.memory_space<semaphore_mem>>)
    %dma_wait3A = arith.constant 0 : i32
    %dma_wait3A_41 = arith.constant 0 : i32
    %dma_wait3A_42 = tpu.memref_slice %arg2[%dma_wait3A, %dma_wait3A_41] : memref<8192x768xf32, #tpu.memory_space<hbm>> -> memref<8192x768xf32, #tpu.memory_space<hbm>>
    tpu.wait_indirect_dma semaphore(%arg12 : memref<!tpu.dma_semaphore, #tpu.memory_space<semaphore_mem>>) src(%dma_wait3A_42 : memref<8192x768xf32, #tpu.memory_space<hbm>>) dst(%arg10 : memref<64x768xf32, #tpu.memory_space<vmem>>)
    %dma_start3A_43 = arith.constant 0 : i32
    %dma_start3A_44 = arith.constant 0 : i32
    %dma_start3A_45 = tpu.memref_slice %arg2[%dma_start3A_43, %dma_start3A_44] : memref<8192x768xf32, #tpu.memory_space<hbm>> -> memref<8192x768xf32, #tpu.memory_space<hbm>>
    tpu.enqueue_indirect_dma source(%dma_start3A_45 : memref<8192x768xf32, #tpu.memory_space<hbm>>) target(%arg11 : memref<64x768xf32, #tpu.memory_space<vmem>>) offsets(%arg7 : memref<64xi32, #tpu.memory_space<vmem>>) semaphore(%arg12 : memref<!tpu.dma_semaphore, #tpu.memory_space<semaphore_mem>>)
    %dma_wait3A_46 = arith.constant 0 : i32
    %dma_wait3A_47 = arith.constant 0 : i32
    %dma_wait3A_48 = tpu.memref_slice %arg2[%dma_wait3A_46, %dma_wait3A_47] : memref<8192x768xf32, #tpu.memory_space<hbm>> -> memref<8192x768xf32, #tpu.memory_space<hbm>>
    tpu.wait_indirect_dma semaphore(%arg12 : memref<!tpu.dma_semaphore, #tpu.memory_space<semaphore_mem>>) src(%dma_wait3A_48 : memref<8192x768xf32, #tpu.memory_space<hbm>>) dst(%arg11 : memref<64x768xf32, #tpu.memory_space<vmem>>)
    %scan3A = arith.constant 0 : i32
    %scan3A_49 = arith.constant 0 : i32
    %scan3A_50 = arith.constant 64 : i32
    %scan3A_51 = arith.addi %scan3A_49, %scan3A_50 : i32
    %scan3A_52 = arith.constant 1 : i32
    scf.for %scan3A_54 = %scan3A_49 to %scan3A_51 step %scan3A_52  : i32 {
      %get3A = arith.index_cast %scan3A_54 : i32 to index
      %get3A_55 = arith.constant 0 : index
      %get3A_56 = tpu.vector_load %arg8[%get3A, %get3A_55] {strides = array<i32>} : memref<64x16xf32, #tpu.memory_space<vmem>>, vector<1x16xf32>,
      %get3A_57 = vector.shape_cast %get3A_56 : vector<1x16xf32> to vector<1x16xf32>
      %reshape3A = vector.shape_cast %get3A_57 : vector<1x16xf32> to vector<16xf32>
      %get3A_58 = arith.index_cast %scan3A_54 : i32 to index
      %get3A_59 = arith.constant 0 : index
      %get3A_60 = tpu.vector_load %arg9[%get3A_58, %get3A_59] {strides = array<i32>} : memref<64x16xf32, #tpu.memory_space<vmem>>, vector<1x16xf32>,
      %get3A_61 = vector.shape_cast %get3A_60 : vector<1x16xf32> to vector<1x16xf32>
      %reshape3A_62 = vector.shape_cast %get3A_61 : vector<1x16xf32> to vector<16xf32>
      %get3A_63 = arith.index_cast %scan3A_54 : i32 to index
      %get3A_64 = arith.constant 0 : index
      %get3A_65 = tpu.vector_load %arg10[%get3A_63, %get3A_64] {strides = array<i32>} : memref<64x768xf32, #tpu.memory_space<vmem>>, vector<1x16xf32>,
      %get3A_66 = vector.shape_cast %get3A_65 : vector<1x16xf32> to vector<1x16xf32>
      %reshape3A_67 = vector.shape_cast %get3A_66 : vector<1x16xf32> to vector<16xf32>
      %get3A_68 = arith.index_cast %scan3A_54 : i32 to index
      %get3A_69 = arith.constant 0 : index
      %get3A_70 = tpu.vector_load %arg11[%get3A_68, %get3A_69] {strides = array<i32>} : memref<64x768xf32, #tpu.memory_space<vmem>>, vector<1x16xf32>,
      %get3A_71 = vector.shape_cast %get3A_70 : vector<1x16xf32> to vector<1x16xf32>
      %reshape3A_72 = vector.shape_cast %get3A_71 : vector<1x16xf32> to vector<16xf32>
      %mul3A_73 = arith.mulf %reshape3A, %reshape3A_67 : vector<16xf32>
      %mul3A_74 = arith.mulf %reshape3A_62, %reshape3A_72 : vector<16xf32>
      %add3A_75 = arith.addf %mul3A_73, %mul3A_74 : vector<16xf32>
      %reshape3A_76 = vector.shape_cast %add3A_75 : vector<16xf32> to vector<1x16xf32>
      %swap3A = arith.index_cast %scan3A_54 : i32 to index
      %swap3A_77 = arith.constant 0 : index
      %swap3A_78 = tpu.vector_load %arg10[%swap3A, %swap3A_77] {strides = array<i32>} : memref<64x768xf32, #tpu.memory_space<vmem>>, vector<1x16xf32>,
      %swap3A_79 = vector.shape_cast %swap3A_78 : vector<1x16xf32> to vector<1x16xf32>
      %swap3A_80 = vector.shape_cast %reshape3A_76 : vector<1x16xf32> to vector<1x16xf32>
      tpu.vector_store %arg10[%swap3A, %swap3A_77], %swap3A_80 {strides = array<i32>} : memref<64x768xf32, #tpu.memory_space<vmem>>, vector<1x16xf32>,
      %get3A_81 = arith.index_cast %scan3A_54 : i32 to index
      %get3A_82 = arith.constant 16 : index
      %get3A_83 = tpu.vector_load %arg10[%get3A_81, %get3A_82] {strides = array<i32>} : memref<64x768xf32, #tpu.memory_space<vmem>>, vector<1x16xf32>,
      %get3A_84 = vector.shape_cast %get3A_83 : vector<1x16xf32> to vector<1x16xf32>
      %reshape3A_85 = vector.shape_cast %get3A_84 : vector<1x16xf32> to vector<16xf32>
      %get3A_86 = arith.index_cast %scan3A_54 : i32 to index
      %get3A_87 = arith.constant 16 : index
      %get3A_88 = tpu.vector_load %arg11[%get3A_86, %get3A_87] {strides = array<i32>} : memref<64x768xf32, #tpu.memory_space<vmem>>, vector<1x16xf32>,
      %get3A_89 = vector.shape_cast %get3A_88 : vector<1x16xf32> to vector<1x16xf32>
      %reshape3A_90 = vector.shape_cast %get3A_89 : vector<1x16xf32> to vector<16xf32>
      %mul3A_91 = arith.mulf %reshape3A, %reshape3A_85 : vector<16xf32>
      %mul3A_92 = arith.mulf %reshape3A_62, %reshape3A_90 : vector<16xf32>
      %add3A_93 = arith.addf %mul3A_91, %mul3A_92 : vector<16xf32>
      %reshape3A_94 = vector.shape_cast %add3A_93 : vector<16xf32> to vector<1x16xf32>
      %swap3A_95 = arith.index_cast %scan3A_54 : i32 to index
      %swap3A_96 = arith.constant 16 : index
      %swap3A_97 = tpu.vector_load %arg10[%swap3A_95, %swap3A_96] {strides = array<i32>} : memref<64x768xf32, #tpu.memory_space<vmem>>, vector<1x16xf32>,
      %swap3A_98 = vector.shape_cast %swap3A_97 : vector<1x16xf32> to vector<1x16xf32>
      %swap3A_99 = vector.shape_cast %reshape3A_94 : vector<1x16xf32> to vector<1x16xf32>
      tpu.vector_store %arg10[%swap3A_95, %swap3A_96], %swap3A_99 {strides = array<i32>} : memref<64x768xf32, #tpu.memory_space<vmem>>, vector<1x16xf32>,
      %get3A_100 = arith.index_cast %scan3A_54 : i32 to index
      %get3A_101 = arith.constant 32 : index
      %get3A_102 = tpu.vector_load %arg10[%get3A_100, %get3A_101] {strides = array<i32>} : memref<64x768xf32, #tpu.memory_space<vmem>>, vector<1x16xf32>,
      %get3A_103 = vector.shape_cast %get3A_102 : vector<1x16xf32> to vector<1x16xf32>
      %reshape3A_104 = vector.shape_cast %get3A_103 : vector<1x16xf32> to vector<16xf32>
      %get3A_105 = arith.index_cast %scan3A_54 : i32 to index
      %get3A_106 = arith.constant 32 : index
      %get3A_107 = tpu.vector_load %arg11[%get3A_105, %get3A_106] {strides = array<i32>} : memref<64x768xf32, #tpu.memory_space<vmem>>, vector<1x16xf32>,
      %get3A_108 = vector.shape_cast %get3A_107 : vector<1x16xf32> to vector<1x16xf32>
      %reshape3A_109 = vector.shape_cast %get3A_108 : vector<1x16xf32> to vector<16xf32>
      %mul3A_110 = arith.mulf %reshape3A, %reshape3A_104 : vector<16xf32>
      %mul3A_111 = arith.mulf %reshape3A_62, %reshape3A_109 : vector<16xf32>
      %add3A_112 = arith.addf %mul3A_110, %mul3A_111 : vector<16xf32>
      %reshape3A_113 = vector.shape_cast %add3A_112 : vector<16xf32> to vector<1x16xf32>
      %swap3A_114 = arith.index_cast %scan3A_54 : i32 to index
      %swap3A_115 = arith.constant 32 : index
      %swap3A_116 = tpu.vector_load %arg10[%swap3A_114, %swap3A_115] {strides = array<i32>} : memref<64x768xf32, #tpu.memory_space<vmem>>, vector<1x16xf32>,
      %swap3A_117 = vector.shape_cast %swap3A_116 : vector<1x16xf32> to vector<1x16xf32>
      %swap3A_118 = vector.shape_cast %reshape3A_113 : vector<1x16xf32> to vector<1x16xf32>
      tpu.vector_store %arg10[%swap3A_114, %swap3A_115], %swap3A_118 {strides = array<i32>} : memref<64x768xf32, #tpu.memory_space<vmem>>, vector<1x16xf32>,
      %get3A_119 = arith.index_cast %scan3A_54 : i32 to index
      %get3A_120 = arith.constant 48 : index
      %get3A_121 = tpu.vector_load %arg10[%get3A_119, %get3A_120] {strides = array<i32>} : memref<64x768xf32, #tpu.memory_space<vmem>>, vector<1x16xf32>,
      %get3A_122 = vector.shape_cast %get3A_121 : vector<1x16xf32> to vector<1x16xf32>
      %reshape3A_123 = vector.shape_cast %get3A_122 : vector<1x16xf32> to vector<16xf32>
      %get3A_124 = arith.index_cast %scan3A_54 : i32 to index
      %get3A_125 = arith.constant 48 : index
      %get3A_126 = tpu.vector_load %arg11[%get3A_124, %get3A_125] {strides = array<i32>} : memref<64x768xf32, #tpu.memory_space<vmem>>, vector<1x16xf32>,
      %get3A_127 = vector.shape_cast %get3A_126 : vector<1x16xf32> to vector<1x16xf32>
      %reshape3A_128 = vector.shape_cast %get3A_127 : vector<1x16xf32> to vector<16xf32>
      %mul3A_129 = arith.mulf %reshape3A, %reshape3A_123 : vector<16xf32>
      %mul3A_130 = arith.mulf %reshape3A_62, %reshape3A_128 : vector<16xf32>
      %add3A_131 = arith.addf %mul3A_129, %mul3A_130 : vector<16xf32>
      %reshape3A_132 = vector.shape_cast %add3A_131 : vector<16xf32> to vector<1x16xf32>
      %swap3A_133 = arith.index_cast %scan3A_54 : i32 to index
      %swap3A_134 = arith.constant 48 : index
      %swap3A_135 = tpu.vector_load %arg10[%swap3A_133, %swap3A_134] {strides = array<i32>} : memref<64x768xf32, #tpu.memory_space<vmem>>, vector<1x16xf32>,
      %swap3A_136 = vector.shape_cast %swap3A_135 : vector<1x16xf32> to vector<1x16xf32>
      %swap3A_137 = vector.shape_cast %reshape3A_132 : vector<1x16xf32> to vector<1x16xf32>
      tpu.vector_store %arg10[%swap3A_133, %swap3A_134], %swap3A_137 {strides = array<i32>} : memref<64x768xf32, #tpu.memory_space<vmem>>, vector<1x16xf32>,
      %get3A_138 = arith.index_cast %scan3A_54 : i32 to index
      %get3A_139 = arith.constant 64 : index
      %get3A_140 = tpu.vector_load %arg10[%get3A_138, %get3A_139] {strides = array<i32>} : memref<64x768xf32, #tpu.memory_space<vmem>>, vector<1x16xf32>,
      %get3A_141 = vector.shape_cast %get3A_140 : vector<1x16xf32> to vector<1x16xf32>
      %reshape3A_142 = vector.shape_cast %get3A_141 : vector<1x16xf32> to vector<16xf32>
      %get3A_143 = arith.index_cast %scan3A_54 : i32 to index
      %get3A_144 = arith.constant 64 : index
      %get3A_145 = tpu.vector_load %arg11[%get3A_143, %get3A_144] {strides = array<i32>} : memref<64x768xf32, #tpu.memory_space<vmem>>, vector<1x16xf32>,
      %get3A_146 = vector.shape_cast %get3A_145 : vector<1x16xf32> to vector<1x16xf32>
      %reshape3A_147 = vector.shape_cast %get3A_146 : vector<1x16xf32> to vector<16xf32>
      %mul3A_148 = arith.mulf %reshape3A, %reshape3A_142 : vector<16xf32>
      %mul3A_149 = arith.mulf %reshape3A_62, %reshape3A_147 : vector<16xf32>
      %add3A_150 = arith.addf %mul3A_148, %mul3A_149 : vector<16xf32>
      %reshape3A_151 = vector.shape_cast %add3A_150 : vector<16xf32> to vector<1x16xf32>
      %swap3A_152 = arith.index_cast %scan3A_54 : i32 to index
      %swap3A_153 = arith.constant 64 : index
      %swap3A_154 = tpu.vector_load %arg10[%swap3A_152, %swap3A_153] {strides = array<i32>} : memref<64x768xf32, #tpu.memory_space<vmem>>, vector<1x16xf32>,
      %swap3A_155 = vector.shape_cast %swap3A_154 : vector<1x16xf32> to vector<1x16xf32>
      %swap3A_156 = vector.shape_cast %reshape3A_151 : vector<1x16xf32> to vector<1x16xf32>
      tpu.vector_store %arg10[%swap3A_152, %swap3A_153], %swap3A_156 {strides = array<i32>} : memref<64x768xf32, #tpu.memory_space<vmem>>, vector<1x16xf32>,
      %get3A_157 = arith.index_cast %scan3A_54 : i32 to index
      %get3A_158 = arith.constant 80 : index
      %get3A_159 = tpu.vector_load %arg10[%get3A_157, %get3A_158] {strides = array<i32>} : memref<64x768xf32, #tpu.memory_space<vmem>>, vector<1x16xf32>,
      %get3A_160 = vector.shape_cast %get3A_159 : vector<1x16xf32> to vector<1x16xf32>
      %reshape3A_161 = vector.shape_cast %get3A_160 : vector<1x16xf32> to vector<16xf32>
      %get3A_162 = arith.index_cast %scan3A_54 : i32 to index
      %get3A_163 = arith.constant 80 : index
      %get3A_164 = tpu.vector_load %arg11[%get3A_162, %get3A_163] {strides = array<i32>} : memref<64x768xf32, #tpu.memory_space<vmem>>, vector<1x16xf32>,
      %get3A_165 = vector.shape_cast %get3A_164 : vector<1x16xf32> to vector<1x16xf32>
      %reshape3A_166 = vector.shape_cast %get3A_165 : vector<1x16xf32> to vector<16xf32>
      %mul3A_167 = arith.mulf %reshape3A, %reshape3A_161 : vector<16xf32>
      %mul3A_168 = arith.mulf %reshape3A_62, %reshape3A_166 : vector<16xf32>
      %add3A_169 = arith.addf %mul3A_167, %mul3A_168 : vector<16xf32>
      %reshape3A_170 = vector.shape_cast %add3A_169 : vector<16xf32> to vector<1x16xf32>
      %swap3A_171 = arith.index_cast %scan3A_54 : i32 to index
      %swap3A_172 = arith.constant 80 : index
      %swap3A_173 = tpu.vector_load %arg10[%swap3A_171, %swap3A_172] {strides = array<i32>} : memref<64x768xf32, #tpu.memory_space<vmem>>, vector<1x16xf32>,
      %swap3A_174 = vector.shape_cast %swap3A_173 : vector<1x16xf32> to vector<1x16xf32>
      %swap3A_175 = vector.shape_cast %reshape3A_170 : vector<1x16xf32> to vector<1x16xf32>
      tpu.vector_store %arg10[%swap3A_171, %swap3A_172], %swap3A_175 {strides = array<i32>} : memref<64x768xf32, #tpu.memory_space<vmem>>, vector<1x16xf32>,
      %get3A_176 = arith.index_cast %scan3A_54 : i32 to index
      %get3A_177 = arith.constant 96 : index
      %get3A_178 = tpu.vector_load %arg10[%get3A_176, %get3A_177] {strides = array<i32>} : memref<64x768xf32, #tpu.memory_space<vmem>>, vector<1x16xf32>,
      %get3A_179 = vector.shape_cast %get3A_178 : vector<1x16xf32> to vector<1x16xf32>
      %reshape3A_180 = vector.shape_cast %get3A_179 : vector<1x16xf32> to vector<16xf32>
      %get3A_181 = arith.index_cast %scan3A_54 : i32 to index
      %get3A_182 = arith.constant 96 : index
      %get3A_183 = tpu.vector_load %arg11[%get3A_181, %get3A_182] {strides = array<i32>} : memref<64x768xf32, #tpu.memory_space<vmem>>, vector<1x16xf32>,
      %get3A_184 = vector.shape_cast %get3A_183 : vector<1x16xf32> to vector<1x16xf32>
      %reshape3A_185 = vector.shape_cast %get3A_184 : vector<1x16xf32> to vector<16xf32>
      %mul3A_186 = arith.mulf %reshape3A, %reshape3A_180 : vector<16xf32>
      %mul3A_187 = arith.mulf %reshape3A_62, %reshape3A_185 : vector<16xf32>
      %add3A_188 = arith.addf %mul3A_186, %mul3A_187 : vector<16xf32>
      %reshape3A_189 = vector.shape_cast %add3A_188 : vector<16xf32> to vector<1x16xf32>
      %swap3A_190 = arith.index_cast %scan3A_54 : i32 to index
      %swap3A_191 = arith.constant 96 : index
      %swap3A_192 = tpu.vector_load %arg10[%swap3A_190, %swap3A_191] {strides = array<i32>} : memref<64x768xf32, #tpu.memory_space<vmem>>, vector<1x16xf32>,
      %swap3A_193 = vector.shape_cast %swap3A_192 : vector<1x16xf32> to vector<1x16xf32>
      %swap3A_194 = vector.shape_cast %reshape3A_189 : vector<1x16xf32> to vector<1x16xf32>
      tpu.vector_store %arg10[%swap3A_190, %swap3A_191], %swap3A_194 {strides = array<i32>} : memref<64x768xf32, #tpu.memory_space<vmem>>, vector<1x16xf32>,
      %get3A_195 = arith.index_cast %scan3A_54 : i32 to index
      %get3A_196 = arith.constant 112 : index
      %get3A_197 = tpu.vector_load %arg10[%get3A_195, %get3A_196] {strides = array<i32>} : memref<64x768xf32, #tpu.memory_space<vmem>>, vector<1x16xf32>,
      %get3A_198 = vector.shape_cast %get3A_197 : vector<1x16xf32> to vector<1x16xf32>
      %reshape3A_199 = vector.shape_cast %get3A_198 : vector<1x16xf32> to vector<16xf32>
      %get3A_200 = arith.index_cast %scan3A_54 : i32 to index
      %get3A_201 = arith.constant 112 : index
      %get3A_202 = tpu.vector_load %arg11[%get3A_200, %get3A_201] {strides = array<i32>} : memref<64x768xf32, #tpu.memory_space<vmem>>, vector<1x16xf32>,
      %get3A_203 = vector.shape_cast %get3A_202 : vector<1x16xf32> to vector<1x16xf32>
      %reshape3A_204 = vector.shape_cast %get3A_203 : vector<1x16xf32> to vector<16xf32>
      %mul3A_205 = arith.mulf %reshape3A, %reshape3A_199 : vector<16xf32>
      %mul3A_206 = arith.mulf %reshape3A_62, %reshape3A_204 : vector<16xf32>
      %add3A_207 = arith.addf %mul3A_205, %mul3A_206 : vector<16xf32>
      %reshape3A_208 = vector.shape_cast %add3A_207 : vector<16xf32> to vector<1x16xf32>
      %swap3A_209 = arith.index_cast %scan3A_54 : i32 to index
      %swap3A_210 = arith.constant 112 : index
      %swap3A_211 = tpu.vector_load %arg10[%swap3A_209, %swap3A_210] {strides = array<i32>} : memref<64x768xf32, #tpu.memory_space<vmem>>, vector<1x16xf32>,
      %swap3A_212 = vector.shape_cast %swap3A_211 : vector<1x16xf32> to vector<1x16xf32>
      %swap3A_213 = vector.shape_cast %reshape3A_208 : vector<1x16xf32> to vector<1x16xf32>
      tpu.vector_store %arg10[%swap3A_209, %swap3A_210], %swap3A_213 {strides = array<i32>} : memref<64x768xf32, #tpu.memory_space<vmem>>, vector<1x16xf32>,
      %get3A_214 = arith.index_cast %scan3A_54 : i32 to index
      %get3A_215 = arith.constant 128 : index
      %get3A_216 = tpu.vector_load %arg10[%get3A_214, %get3A_215] {strides = array<i32>} : memref<64x768xf32, #tpu.memory_space<vmem>>, vector<1x16xf32>,
      %get3A_217 = vector.shape_cast %get3A_216 : vector<1x16xf32> to vector<1x16xf32>
      %reshape3A_218 = vector.shape_cast %get3A_217 : vector<1x16xf32> to vector<16xf32>
      %get3A_219 = arith.index_cast %scan3A_54 : i32 to index
      %get3A_220 = arith.constant 128 : index
      %get3A_221 = tpu.vector_load %arg11[%get3A_219, %get3A_220] {strides = array<i32>} : memref<64x768xf32, #tpu.memory_space<vmem>>, vector<1x16xf32>,
      %get3A_222 = vector.shape_cast %get3A_221 : vector<1x16xf32> to vector<1x16xf32>
      %reshape3A_223 = vector.shape_cast %get3A_222 : vector<1x16xf32> to vector<16xf32>
      %mul3A_224 = arith.mulf %reshape3A, %reshape3A_218 : vector<16xf32>
      %mul3A_225 = arith.mulf %reshape3A_62, %reshape3A_223 : vector<16xf32>
      %add3A_226 = arith.addf %mul3A_224, %mul3A_225 : vector<16xf32>
      %reshape3A_227 = vector.shape_cast %add3A_226 : vector<16xf32> to vector<1x16xf32>
      %swap3A_228 = arith.index_cast %scan3A_54 : i32 to index
      %swap3A_229 = arith.constant 128 : index
      %swap3A_230 = tpu.vector_load %arg10[%swap3A_228, %swap3A_229] {strides = array<i32>} : memref<64x768xf32, #tpu.memory_space<vmem>>, vector<1x16xf32>,
      %swap3A_231 = vector.shape_cast %swap3A_230 : vector<1x16xf32> to vector<1x16xf32>
      %swap3A_232 = vector.shape_cast %reshape3A_227 : vector<1x16xf32> to vector<1x16xf32>
      tpu.vector_store %arg10[%swap3A_228, %swap3A_229], %swap3A_232 {strides = array<i32>} : memref<64x768xf32, #tpu.memory_space<vmem>>, vector<1x16xf32>,
      %get3A_233 = arith.index_cast %scan3A_54 : i32 to index
      %get3A_234 = arith.constant 144 : index
      %get3A_235 = tpu.vector_load %arg10[%get3A_233, %get3A_234] {strides = array<i32>} : memref<64x768xf32, #tpu.memory_space<vmem>>, vector<1x16xf32>,
      %get3A_236 = vector.shape_cast %get3A_235 : vector<1x16xf32> to vector<1x16xf32>
      %reshape3A_237 = vector.shape_cast %get3A_236 : vector<1x16xf32> to vector<16xf32>
      %get3A_238 = arith.index_cast %scan3A_54 : i32 to index
      %get3A_239 = arith.constant 144 : index
      %get3A_240 = tpu.vector_load %arg11[%get3A_238, %get3A_239] {strides = array<i32>} : memref<64x768xf32, #tpu.memory_space<vmem>>, vector<1x16xf32>,
      %get3A_241 = vector.shape_cast %get3A_240 : vector<1x16xf32> to vector<1x16xf32>
      %reshape3A_242 = vector.shape_cast %get3A_241 : vector<1x16xf32> to vector<16xf32>
      %mul3A_243 = arith.mulf %reshape3A, %reshape3A_237 : vector<16xf32>
      %mul3A_244 = arith.mulf %reshape3A_62, %reshape3A_242 : vector<16xf32>
      %add3A_245 = arith.addf %mul3A_243, %mul3A_244 : vector<16xf32>
      %reshape3A_246 = vector.shape_cast %add3A_245 : vector<16xf32> to vector<1x16xf32>
      %swap3A_247 = arith.index_cast %scan3A_54 : i32 to index
      %swap3A_248 = arith.constant 144 : index
      %swap3A_249 = tpu.vector_load %arg10[%swap3A_247, %swap3A_248] {strides = array<i32>} : memref<64x768xf32, #tpu.memory_space<vmem>>, vector<1x16xf32>,
      %swap3A_250 = vector.shape_cast %swap3A_249 : vector<1x16xf32> to vector<1x16xf32>
      %swap3A_251 = vector.shape_cast %reshape3A_246 : vector<1x16xf32> to vector<1x16xf32>
      tpu.vector_store %arg10[%swap3A_247, %swap3A_248], %swap3A_251 {strides = array<i32>} : memref<64x768xf32, #tpu.memory_space<vmem>>, vector<1x16xf32>,
      %get3A_252 = arith.index_cast %scan3A_54 : i32 to index
      %get3A_253 = arith.constant 160 : index
      %get3A_254 = tpu.vector_load %arg10[%get3A_252, %get3A_253] {strides = array<i32>} : memref<64x768xf32, #tpu.memory_space<vmem>>, vector<1x16xf32>,
      %get3A_255 = vector.shape_cast %get3A_254 : vector<1x16xf32> to vector<1x16xf32>
      %reshape3A_256 = vector.shape_cast %get3A_255 : vector<1x16xf32> to vector<16xf32>
      %get3A_257 = arith.index_cast %scan3A_54 : i32 to index
      %get3A_258 = arith.constant 160 : index
      %get3A_259 = tpu.vector_load %arg11[%get3A_257, %get3A_258] {strides = array<i32>} : memref<64x768xf32, #tpu.memory_space<vmem>>, vector<1x16xf32>,
      %get3A_260 = vector.shape_cast %get3A_259 : vector<1x16xf32> to vector<1x16xf32>
      %reshape3A_261 = vector.shape_cast %get3A_260 : vector<1x16xf32> to vector<16xf32>
      %mul3A_262 = arith.mulf %reshape3A, %reshape3A_256 : vector<16xf32>
      %mul3A_263 = arith.mulf %reshape3A_62, %reshape3A_261 : vector<16xf32>
      %add3A_264 = arith.addf %mul3A_262, %mul3A_263 : vector<16xf32>
      %reshape3A_265 = vector.shape_cast %add3A_264 : vector<16xf32> to vector<1x16xf32>
      %swap3A_266 = arith.index_cast %scan3A_54 : i32 to index
      %swap3A_267 = arith.constant 160 : index
      %swap3A_268 = tpu.vector_load %arg10[%swap3A_266, %swap3A_267] {strides = array<i32>} : memref<64x768xf32, #tpu.memory_space<vmem>>, vector<1x16xf32>,
      %swap3A_269 = vector.shape_cast %swap3A_268 : vector<1x16xf32> to vector<1x16xf32>
      %swap3A_270 = vector.shape_cast %reshape3A_265 : vector<1x16xf32> to vector<1x16xf32>
      tpu.vector_store %arg10[%swap3A_266, %swap3A_267], %swap3A_270 {strides = array<i32>} : memref<64x768xf32, #tpu.memory_space<vmem>>, vector<1x16xf32>,
      %get3A_271 = arith.index_cast %scan3A_54 : i32 to index
      %get3A_272 = arith.constant 176 : index
      %get3A_273 = tpu.vector_load %arg10[%get3A_271, %get3A_272] {strides = array<i32>} : memref<64x768xf32, #tpu.memory_space<vmem>>, vector<1x16xf32>,
      %get3A_274 = vector.shape_cast %get3A_273 : vector<1x16xf32> to vector<1x16xf32>
      %reshape3A_275 = vector.shape_cast %get3A_274 : vector<1x16xf32> to vector<16xf32>
      %get3A_276 = arith.index_cast %scan3A_54 : i32 to index
      %get3A_277 = arith.constant 176 : index
      %get3A_278 = tpu.vector_load %arg11[%get3A_276, %get3A_277] {strides = array<i32>} : memref<64x768xf32, #tpu.memory_space<vmem>>, vector<1x16xf32>,
      %get3A_279 = vector.shape_cast %get3A_278 : vector<1x16xf32> to vector<1x16xf32>
      %reshape3A_280 = vector.shape_cast %get3A_279 : vector<1x16xf32> to vector<16xf32>
      %mul3A_281 = arith.mulf %reshape3A, %reshape3A_275 : vector<16xf32>
      %mul3A_282 = arith.mulf %reshape3A_62, %reshape3A_280 : vector<16xf32>
      %add3A_283 = arith.addf %mul3A_281, %mul3A_282 : vector<16xf32>
      %reshape3A_284 = vector.shape_cast %add3A_283 : vector<16xf32> to vector<1x16xf32>
      %swap3A_285 = arith.index_cast %scan3A_54 : i32 to index
      %swap3A_286 = arith.constant 176 : index
      %swap3A_287 = tpu.vector_load %arg10[%swap3A_285, %swap3A_286] {strides = array<i32>} : memref<64x768xf32, #tpu.memory_space<vmem>>, vector<1x16xf32>,
      %swap3A_288 = vector.shape_cast %swap3A_287 : vector<1x16xf32> to vector<1x16xf32>
      %swap3A_289 = vector.shape_cast %reshape3A_284 : vector<1x16xf32> to vector<1x16xf32>
      tpu.vector_store %arg10[%swap3A_285, %swap3A_286], %swap3A_289 {strides = array<i32>} : memref<64x768xf32, #tpu.memory_space<vmem>>, vector<1x16xf32>,
      %get3A_290 = arith.index_cast %scan3A_54 : i32 to index
      %get3A_291 = arith.constant 192 : index
      %get3A_292 = tpu.vector_load %arg10[%get3A_290, %get3A_291] {strides = array<i32>} : memref<64x768xf32, #tpu.memory_space<vmem>>, vector<1x16xf32>,
      %get3A_293 = vector.shape_cast %get3A_292 : vector<1x16xf32> to vector<1x16xf32>
      %reshape3A_294 = vector.shape_cast %get3A_293 : vector<1x16xf32> to vector<16xf32>
      %get3A_295 = arith.index_cast %scan3A_54 : i32 to index
      %get3A_296 = arith.constant 192 : index
      %get3A_297 = tpu.vector_load %arg11[%get3A_295, %get3A_296] {strides = array<i32>} : memref<64x768xf32, #tpu.memory_space<vmem>>, vector<1x16xf32>,
      %get3A_298 = vector.shape_cast %get3A_297 : vector<1x16xf32> to vector<1x16xf32>
      %reshape3A_299 = vector.shape_cast %get3A_298 : vector<1x16xf32> to vector<16xf32>
      %mul3A_300 = arith.mulf %reshape3A, %reshape3A_294 : vector<16xf32>
      %mul3A_301 = arith.mulf %reshape3A_62, %reshape3A_299 : vector<16xf32>
      %add3A_302 = arith.addf %mul3A_300, %mul3A_301 : vector<16xf32>
      %reshape3A_303 = vector.shape_cast %add3A_302 : vector<16xf32> to vector<1x16xf32>
      %swap3A_304 = arith.index_cast %scan3A_54 : i32 to index
      %swap3A_305 = arith.constant 192 : index
      %swap3A_306 = tpu.vector_load %arg10[%swap3A_304, %swap3A_305] {strides = array<i32>} : memref<64x768xf32, #tpu.memory_space<vmem>>, vector<1x16xf32>,
      %swap3A_307 = vector.shape_cast %swap3A_306 : vector<1x16xf32> to vector<1x16xf32>
      %swap3A_308 = vector.shape_cast %reshape3A_303 : vector<1x16xf32> to vector<1x16xf32>
      tpu.vector_store %arg10[%swap3A_304, %swap3A_305], %swap3A_308 {strides = array<i32>} : memref<64x768xf32, #tpu.memory_space<vmem>>, vector<1x16xf32>,
      %get3A_309 = arith.index_cast %scan3A_54 : i32 to index
      %get3A_310 = arith.constant 208 : index
      %get3A_311 = tpu.vector_load %arg10[%get3A_309, %get3A_310] {strides = array<i32>} : memref<64x768xf32, #tpu.memory_space<vmem>>, vector<1x16xf32>,
      %get3A_312 = vector.shape_cast %get3A_311 : vector<1x16xf32> to vector<1x16xf32>
      %reshape3A_313 = vector.shape_cast %get3A_312 : vector<1x16xf32> to vector<16xf32>
      %get3A_314 = arith.index_cast %scan3A_54 : i32 to index
      %get3A_315 = arith.constant 208 : index
      %get3A_316 = tpu.vector_load %arg11[%get3A_314, %get3A_315] {strides = array<i32>} : memref<64x768xf32, #tpu.memory_space<vmem>>, vector<1x16xf32>,
      %get3A_317 = vector.shape_cast %get3A_316 : vector<1x16xf32> to vector<1x16xf32>
      %reshape3A_318 = vector.shape_cast %get3A_317 : vector<1x16xf32> to vector<16xf32>
      %mul3A_319 = arith.mulf %reshape3A, %reshape3A_313 : vector<16xf32>
      %mul3A_320 = arith.mulf %reshape3A_62, %reshape3A_318 : vector<16xf32>
      %add3A_321 = arith.addf %mul3A_319, %mul3A_320 : vector<16xf32>
      %reshape3A_322 = vector.shape_cast %add3A_321 : vector<16xf32> to vector<1x16xf32>
      %swap3A_323 = arith.index_cast %scan3A_54 : i32 to index
      %swap3A_324 = arith.constant 208 : index
      %swap3A_325 = tpu.vector_load %arg10[%swap3A_323, %swap3A_324] {strides = array<i32>} : memref<64x768xf32, #tpu.memory_space<vmem>>, vector<1x16xf32>,
      %swap3A_326 = vector.shape_cast %swap3A_325 : vector<1x16xf32> to vector<1x16xf32>
      %swap3A_327 = vector.shape_cast %reshape3A_322 : vector<1x16xf32> to vector<1x16xf32>
      tpu.vector_store %arg10[%swap3A_323, %swap3A_324], %swap3A_327 {strides = array<i32>} : memref<64x768xf32, #tpu.memory_space<vmem>>, vector<1x16xf32>,
      %get3A_328 = arith.index_cast %scan3A_54 : i32 to index
      %get3A_329 = arith.constant 224 : index
      %get3A_330 = tpu.vector_load %arg10[%get3A_328, %get3A_329] {strides = array<i32>} : memref<64x768xf32, #tpu.memory_space<vmem>>, vector<1x16xf32>,
      %get3A_331 = vector.shape_cast %get3A_330 : vector<1x16xf32> to vector<1x16xf32>
      %reshape3A_332 = vector.shape_cast %get3A_331 : vector<1x16xf32> to vector<16xf32>
      %get3A_333 = arith.index_cast %scan3A_54 : i32 to index
      %get3A_334 = arith.constant 224 : index
      %get3A_335 = tpu.vector_load %arg11[%get3A_333, %get3A_334] {strides = array<i32>} : memref<64x768xf32, #tpu.memory_space<vmem>>, vector<1x16xf32>,
      %get3A_336 = vector.shape_cast %get3A_335 : vector<1x16xf32> to vector<1x16xf32>
      %reshape3A_337 = vector.shape_cast %get3A_336 : vector<1x16xf32> to vector<16xf32>
      %mul3A_338 = arith.mulf %reshape3A, %reshape3A_332 : vector<16xf32>
      %mul3A_339 = arith.mulf %reshape3A_62, %reshape3A_337 : vector<16xf32>
      %add3A_340 = arith.addf %mul3A_338, %mul3A_339 : vector<16xf32>
      %reshape3A_341 = vector.shape_cast %add3A_340 : vector<16xf32> to vector<1x16xf32>
      %swap3A_342 = arith.index_cast %scan3A_54 : i32 to index
      %swap3A_343 = arith.constant 224 : index
      %swap3A_344 = tpu.vector_load %arg10[%swap3A_342, %swap3A_343] {strides = array<i32>} : memref<64x768xf32, #tpu.memory_space<vmem>>, vector<1x16xf32>,
      %swap3A_345 = vector.shape_cast %swap3A_344 : vector<1x16xf32> to vector<1x16xf32>
      %swap3A_346 = vector.shape_cast %reshape3A_341 : vector<1x16xf32> to vector<1x16xf32>
      tpu.vector_store %arg10[%swap3A_342, %swap3A_343], %swap3A_346 {strides = array<i32>} : memref<64x768xf32, #tpu.memory_space<vmem>>, vector<1x16xf32>,
      %get3A_347 = arith.index_cast %scan3A_54 : i32 to index
      %get3A_348 = arith.constant 240 : index
      %get3A_349 = tpu.vector_load %arg10[%get3A_347, %get3A_348] {strides = array<i32>} : memref<64x768xf32, #tpu.memory_space<vmem>>, vector<1x16xf32>,
      %get3A_350 = vector.shape_cast %get3A_349 : vector<1x16xf32> to vector<1x16xf32>
      %reshape3A_351 = vector.shape_cast %get3A_350 : vector<1x16xf32> to vector<16xf32>
      %get3A_352 = arith.index_cast %scan3A_54 : i32 to index
      %get3A_353 = arith.constant 240 : index
      %get3A_354 = tpu.vector_load %arg11[%get3A_352, %get3A_353] {strides = array<i32>} : memref<64x768xf32, #tpu.memory_space<vmem>>, vector<1x16xf32>,
      %get3A_355 = vector.shape_cast %get3A_354 : vector<1x16xf32> to vector<1x16xf32>
      %reshape3A_356 = vector.shape_cast %get3A_355 : vector<1x16xf32> to vector<16xf32>
      %mul3A_357 = arith.mulf %reshape3A, %reshape3A_351 : vector<16xf32>
      %mul3A_358 = arith.mulf %reshape3A_62, %reshape3A_356 : vector<16xf32>
      %add3A_359 = arith.addf %mul3A_357, %mul3A_358 : vector<16xf32>
      %reshape3A_360 = vector.shape_cast %add3A_359 : vector<16xf32> to vector<1x16xf32>
      %swap3A_361 = arith.index_cast %scan3A_54 : i32 to index
      %swap3A_362 = arith.constant 240 : index
      %swap3A_363 = tpu.vector_load %arg10[%swap3A_361, %swap3A_362] {strides = array<i32>} : memref<64x768xf32, #tpu.memory_space<vmem>>, vector<1x16xf32>,
      %swap3A_364 = vector.shape_cast %swap3A_363 : vector<1x16xf32> to vector<1x16xf32>
      %swap3A_365 = vector.shape_cast %reshape3A_360 : vector<1x16xf32> to vector<1x16xf32>
      tpu.vector_store %arg10[%swap3A_361, %swap3A_362], %swap3A_365 {strides = array<i32>} : memref<64x768xf32, #tpu.memory_space<vmem>>, vector<1x16xf32>,
      %get3A_366 = arith.index_cast %scan3A_54 : i32 to index
      %get3A_367 = arith.constant 256 : index
      %get3A_368 = tpu.vector_load %arg10[%get3A_366, %get3A_367] {strides = array<i32>} : memref<64x768xf32, #tpu.memory_space<vmem>>, vector<1x16xf32>,
      %get3A_369 = vector.shape_cast %get3A_368 : vector<1x16xf32> to vector<1x16xf32>
      %reshape3A_370 = vector.shape_cast %get3A_369 : vector<1x16xf32> to vector<16xf32>
      %get3A_371 = arith.index_cast %scan3A_54 : i32 to index
      %get3A_372 = arith.constant 256 : index
      %get3A_373 = tpu.vector_load %arg11[%get3A_371, %get3A_372] {strides = array<i32>} : memref<64x768xf32, #tpu.memory_space<vmem>>, vector<1x16xf32>,
      %get3A_374 = vector.shape_cast %get3A_373 : vector<1x16xf32> to vector<1x16xf32>
      %reshape3A_375 = vector.shape_cast %get3A_374 : vector<1x16xf32> to vector<16xf32>
      %mul3A_376 = arith.mulf %reshape3A, %reshape3A_370 : vector<16xf32>
      %mul3A_377 = arith.mulf %reshape3A_62, %reshape3A_375 : vector<16xf32>
      %add3A_378 = arith.addf %mul3A_376, %mul3A_377 : vector<16xf32>
      %reshape3A_379 = vector.shape_cast %add3A_378 : vector<16xf32> to vector<1x16xf32>
      %swap3A_380 = arith.index_cast %scan3A_54 : i32 to index
      %swap3A_381 = arith.constant 256 : index
      %swap3A_382 = tpu.vector_load %arg10[%swap3A_380, %swap3A_381] {strides = array<i32>} : memref<64x768xf32, #tpu.memory_space<vmem>>, vector<1x16xf32>,
      %swap3A_383 = vector.shape_cast %swap3A_382 : vector<1x16xf32> to vector<1x16xf32>
      %swap3A_384 = vector.shape_cast %reshape3A_379 : vector<1x16xf32> to vector<1x16xf32>
      tpu.vector_store %arg10[%swap3A_380, %swap3A_381], %swap3A_384 {strides = array<i32>} : memref<64x768xf32, #tpu.memory_space<vmem>>, vector<1x16xf32>,
      %get3A_385 = arith.index_cast %scan3A_54 : i32 to index
      %get3A_386 = arith.constant 272 : index
      %get3A_387 = tpu.vector_load %arg10[%get3A_385, %get3A_386] {strides = array<i32>} : memref<64x768xf32, #tpu.memory_space<vmem>>, vector<1x16xf32>,
      %get3A_388 = vector.shape_cast %get3A_387 : vector<1x16xf32> to vector<1x16xf32>
      %reshape3A_389 = vector.shape_cast %get3A_388 : vector<1x16xf32> to vector<16xf32>
      %get3A_390 = arith.index_cast %scan3A_54 : i32 to index
      %get3A_391 = arith.constant 272 : index
      %get3A_392 = tpu.vector_load %arg11[%get3A_390, %get3A_391] {strides = array<i32>} : memref<64x768xf32, #tpu.memory_space<vmem>>, vector<1x16xf32>,
      %get3A_393 = vector.shape_cast %get3A_392 : vector<1x16xf32> to vector<1x16xf32>
      %reshape3A_394 = vector.shape_cast %get3A_393 : vector<1x16xf32> to vector<16xf32>
      %mul3A_395 = arith.mulf %reshape3A, %reshape3A_389 : vector<16xf32>
      %mul3A_396 = arith.mulf %reshape3A_62, %reshape3A_394 : vector<16xf32>
      %add3A_397 = arith.addf %mul3A_395, %mul3A_396 : vector<16xf32>
      %reshape3A_398 = vector.shape_cast %add3A_397 : vector<16xf32> to vector<1x16xf32>
      %swap3A_399 = arith.index_cast %scan3A_54 : i32 to index
      %swap3A_400 = arith.constant 272 : index
      %swap3A_401 = tpu.vector_load %arg10[%swap3A_399, %swap3A_400] {strides = array<i32>} : memref<64x768xf32, #tpu.memory_space<vmem>>, vector<1x16xf32>,
      %swap3A_402 = vector.shape_cast %swap3A_401 : vector<1x16xf32> to vector<1x16xf32>
      %swap3A_403 = vector.shape_cast %reshape3A_398 : vector<1x16xf32> to vector<1x16xf32>
      tpu.vector_store %arg10[%swap3A_399, %swap3A_400], %swap3A_403 {strides = array<i32>} : memref<64x768xf32, #tpu.memory_space<vmem>>, vector<1x16xf32>,
      %get3A_404 = arith.index_cast %scan3A_54 : i32 to index
      %get3A_405 = arith.constant 288 : index
      %get3A_406 = tpu.vector_load %arg10[%get3A_404, %get3A_405] {strides = array<i32>} : memref<64x768xf32, #tpu.memory_space<vmem>>, vector<1x16xf32>,
      %get3A_407 = vector.shape_cast %get3A_406 : vector<1x16xf32> to vector<1x16xf32>
      %reshape3A_408 = vector.shape_cast %get3A_407 : vector<1x16xf32> to vector<16xf32>
      %get3A_409 = arith.index_cast %scan3A_54 : i32 to index
      %get3A_410 = arith.constant 288 : index
      %get3A_411 = tpu.vector_load %arg11[%get3A_409, %get3A_410] {strides = array<i32>} : memref<64x768xf32, #tpu.memory_space<vmem>>, vector<1x16xf32>,
      %get3A_412 = vector.shape_cast %get3A_411 : vector<1x16xf32> to vector<1x16xf32>
      %reshape3A_413 = vector.shape_cast %get3A_412 : vector<1x16xf32> to vector<16xf32>
      %mul3A_414 = arith.mulf %reshape3A, %reshape3A_408 : vector<16xf32>
      %mul3A_415 = arith.mulf %reshape3A_62, %reshape3A_413 : vector<16xf32>
      %add3A_416 = arith.addf %mul3A_414, %mul3A_415 : vector<16xf32>
      %reshape3A_417 = vector.shape_cast %add3A_416 : vector<16xf32> to vector<1x16xf32>
      %swap3A_418 = arith.index_cast %scan3A_54 : i32 to index
      %swap3A_419 = arith.constant 288 : index
      %swap3A_420 = tpu.vector_load %arg10[%swap3A_418, %swap3A_419] {strides = array<i32>} : memref<64x768xf32, #tpu.memory_space<vmem>>, vector<1x16xf32>,
      %swap3A_421 = vector.shape_cast %swap3A_420 : vector<1x16xf32> to vector<1x16xf32>
      %swap3A_422 = vector.shape_cast %reshape3A_417 : vector<1x16xf32> to vector<1x16xf32>
      tpu.vector_store %arg10[%swap3A_418, %swap3A_419], %swap3A_422 {strides = array<i32>} : memref<64x768xf32, #tpu.memory_space<vmem>>, vector<1x16xf32>,
      %get3A_423 = arith.index_cast %scan3A_54 : i32 to index
      %get3A_424 = arith.constant 304 : index
      %get3A_425 = tpu.vector_load %arg10[%get3A_423, %get3A_424] {strides = array<i32>} : memref<64x768xf32, #tpu.memory_space<vmem>>, vector<1x16xf32>,
      %get3A_426 = vector.shape_cast %get3A_425 : vector<1x16xf32> to vector<1x16xf32>
      %reshape3A_427 = vector.shape_cast %get3A_426 : vector<1x16xf32> to vector<16xf32>
      %get3A_428 = arith.index_cast %scan3A_54 : i32 to index
      %get3A_429 = arith.constant 304 : index
      %get3A_430 = tpu.vector_load %arg11[%get3A_428, %get3A_429] {strides = array<i32>} : memref<64x768xf32, #tpu.memory_space<vmem>>, vector<1x16xf32>,
      %get3A_431 = vector.shape_cast %get3A_430 : vector<1x16xf32> to vector<1x16xf32>
      %reshape3A_432 = vector.shape_cast %get3A_431 : vector<1x16xf32> to vector<16xf32>
      %mul3A_433 = arith.mulf %reshape3A, %reshape3A_427 : vector<16xf32>
      %mul3A_434 = arith.mulf %reshape3A_62, %reshape3A_432 : vector<16xf32>
      %add3A_435 = arith.addf %mul3A_433, %mul3A_434 : vector<16xf32>
      %reshape3A_436 = vector.shape_cast %add3A_435 : vector<16xf32> to vector<1x16xf32>
      %swap3A_437 = arith.index_cast %scan3A_54 : i32 to index
      %swap3A_438 = arith.constant 304 : index
      %swap3A_439 = tpu.vector_load %arg10[%swap3A_437, %swap3A_438] {strides = array<i32>} : memref<64x768xf32, #tpu.memory_space<vmem>>, vector<1x16xf32>,
      %swap3A_440 = vector.shape_cast %swap3A_439 : vector<1x16xf32> to vector<1x16xf32>
      %swap3A_441 = vector.shape_cast %reshape3A_436 : vector<1x16xf32> to vector<1x16xf32>
      tpu.vector_store %arg10[%swap3A_437, %swap3A_438], %swap3A_441 {strides = array<i32>} : memref<64x768xf32, #tpu.memory_space<vmem>>, vector<1x16xf32>,
      %get3A_442 = arith.index_cast %scan3A_54 : i32 to index
      %get3A_443 = arith.constant 320 : index
      %get3A_444 = tpu.vector_load %arg10[%get3A_442, %get3A_443] {strides = array<i32>} : memref<64x768xf32, #tpu.memory_space<vmem>>, vector<1x16xf32>,
      %get3A_445 = vector.shape_cast %get3A_444 : vector<1x16xf32> to vector<1x16xf32>
      %reshape3A_446 = vector.shape_cast %get3A_445 : vector<1x16xf32> to vector<16xf32>
      %get3A_447 = arith.index_cast %scan3A_54 : i32 to index
      %get3A_448 = arith.constant 320 : index
      %get3A_449 = tpu.vector_load %arg11[%get3A_447, %get3A_448] {strides = array<i32>} : memref<64x768xf32, #tpu.memory_space<vmem>>, vector<1x16xf32>,
      %get3A_450 = vector.shape_cast %get3A_449 : vector<1x16xf32> to vector<1x16xf32>
      %reshape3A_451 = vector.shape_cast %get3A_450 : vector<1x16xf32> to vector<16xf32>
      %mul3A_452 = arith.mulf %reshape3A, %reshape3A_446 : vector<16xf32>
      %mul3A_453 = arith.mulf %reshape3A_62, %reshape3A_451 : vector<16xf32>
      %add3A_454 = arith.addf %mul3A_452, %mul3A_453 : vector<16xf32>
      %reshape3A_455 = vector.shape_cast %add3A_454 : vector<16xf32> to vector<1x16xf32>
      %swap3A_456 = arith.index_cast %scan3A_54 : i32 to index
      %swap3A_457 = arith.constant 320 : index
      %swap3A_458 = tpu.vector_load %arg10[%swap3A_456, %swap3A_457] {strides = array<i32>} : memref<64x768xf32, #tpu.memory_space<vmem>>, vector<1x16xf32>,
      %swap3A_459 = vector.shape_cast %swap3A_458 : vector<1x16xf32> to vector<1x16xf32>
      %swap3A_460 = vector.shape_cast %reshape3A_455 : vector<1x16xf32> to vector<1x16xf32>
      tpu.vector_store %arg10[%swap3A_456, %swap3A_457], %swap3A_460 {strides = array<i32>} : memref<64x768xf32, #tpu.memory_space<vmem>>, vector<1x16xf32>,
      %get3A_461 = arith.index_cast %scan3A_54 : i32 to index
      %get3A_462 = arith.constant 336 : index
      %get3A_463 = tpu.vector_load %arg10[%get3A_461, %get3A_462] {strides = array<i32>} : memref<64x768xf32, #tpu.memory_space<vmem>>, vector<1x16xf32>,
      %get3A_464 = vector.shape_cast %get3A_463 : vector<1x16xf32> to vector<1x16xf32>
      %reshape3A_465 = vector.shape_cast %get3A_464 : vector<1x16xf32> to vector<16xf32>
      %get3A_466 = arith.index_cast %scan3A_54 : i32 to index
      %get3A_467 = arith.constant 336 : index
      %get3A_468 = tpu.vector_load %arg11[%get3A_466, %get3A_467] {strides = array<i32>} : memref<64x768xf32, #tpu.memory_space<vmem>>, vector<1x16xf32>,
      %get3A_469 = vector.shape_cast %get3A_468 : vector<1x16xf32> to vector<1x16xf32>
      %reshape3A_470 = vector.shape_cast %get3A_469 : vector<1x16xf32> to vector<16xf32>
      %mul3A_471 = arith.mulf %reshape3A, %reshape3A_465 : vector<16xf32>
      %mul3A_472 = arith.mulf %reshape3A_62, %reshape3A_470 : vector<16xf32>
      %add3A_473 = arith.addf %mul3A_471, %mul3A_472 : vector<16xf32>
      %reshape3A_474 = vector.shape_cast %add3A_473 : vector<16xf32> to vector<1x16xf32>
      %swap3A_475 = arith.index_cast %scan3A_54 : i32 to index
      %swap3A_476 = arith.constant 336 : index
      %swap3A_477 = tpu.vector_load %arg10[%swap3A_475, %swap3A_476] {strides = array<i32>} : memref<64x768xf32, #tpu.memory_space<vmem>>, vector<1x16xf32>,
      %swap3A_478 = vector.shape_cast %swap3A_477 : vector<1x16xf32> to vector<1x16xf32>
      %swap3A_479 = vector.shape_cast %reshape3A_474 : vector<1x16xf32> to vector<1x16xf32>
      tpu.vector_store %arg10[%swap3A_475, %swap3A_476], %swap3A_479 {strides = array<i32>} : memref<64x768xf32, #tpu.memory_space<vmem>>, vector<1x16xf32>,
      %get3A_480 = arith.index_cast %scan3A_54 : i32 to index
      %get3A_481 = arith.constant 352 : index
      %get3A_482 = tpu.vector_load %arg10[%get3A_480, %get3A_481] {strides = array<i32>} : memref<64x768xf32, #tpu.memory_space<vmem>>, vector<1x16xf32>,
      %get3A_483 = vector.shape_cast %get3A_482 : vector<1x16xf32> to vector<1x16xf32>
      %reshape3A_484 = vector.shape_cast %get3A_483 : vector<1x16xf32> to vector<16xf32>
      %get3A_485 = arith.index_cast %scan3A_54 : i32 to index
      %get3A_486 = arith.constant 352 : index
      %get3A_487 = tpu.vector_load %arg11[%get3A_485, %get3A_486] {strides = array<i32>} : memref<64x768xf32, #tpu.memory_space<vmem>>, vector<1x16xf32>,
      %get3A_488 = vector.shape_cast %get3A_487 : vector<1x16xf32> to vector<1x16xf32>
      %reshape3A_489 = vector.shape_cast %get3A_488 : vector<1x16xf32> to vector<16xf32>
      %mul3A_490 = arith.mulf %reshape3A, %reshape3A_484 : vector<16xf32>
      %mul3A_491 = arith.mulf %reshape3A_62, %reshape3A_489 : vector<16xf32>
      %add3A_492 = arith.addf %mul3A_490, %mul3A_491 : vector<16xf32>
      %reshape3A_493 = vector.shape_cast %add3A_492 : vector<16xf32> to vector<1x16xf32>
      %swap3A_494 = arith.index_cast %scan3A_54 : i32 to index
      %swap3A_495 = arith.constant 352 : index
      %swap3A_496 = tpu.vector_load %arg10[%swap3A_494, %swap3A_495] {strides = array<i32>} : memref<64x768xf32, #tpu.memory_space<vmem>>, vector<1x16xf32>,
      %swap3A_497 = vector.shape_cast %swap3A_496 : vector<1x16xf32> to vector<1x16xf32>
      %swap3A_498 = vector.shape_cast %reshape3A_493 : vector<1x16xf32> to vector<1x16xf32>
      tpu.vector_store %arg10[%swap3A_494, %swap3A_495], %swap3A_498 {strides = array<i32>} : memref<64x768xf32, #tpu.memory_space<vmem>>, vector<1x16xf32>,
      %get3A_499 = arith.index_cast %scan3A_54 : i32 to index
      %get3A_500 = arith.constant 368 : index
      %get3A_501 = tpu.vector_load %arg10[%get3A_499, %get3A_500] {strides = array<i32>} : memref<64x768xf32, #tpu.memory_space<vmem>>, vector<1x16xf32>,
      %get3A_502 = vector.shape_cast %get3A_501 : vector<1x16xf32> to vector<1x16xf32>
      %reshape3A_503 = vector.shape_cast %get3A_502 : vector<1x16xf32> to vector<16xf32>
      %get3A_504 = arith.index_cast %scan3A_54 : i32 to index
      %get3A_505 = arith.constant 368 : index
      %get3A_506 = tpu.vector_load %arg11[%get3A_504, %get3A_505] {strides = array<i32>} : memref<64x768xf32, #tpu.memory_space<vmem>>, vector<1x16xf32>,
      %get3A_507 = vector.shape_cast %get3A_506 : vector<1x16xf32> to vector<1x16xf32>
      %reshape3A_508 = vector.shape_cast %get3A_507 : vector<1x16xf32> to vector<16xf32>
      %mul3A_509 = arith.mulf %reshape3A, %reshape3A_503 : vector<16xf32>
      %mul3A_510 = arith.mulf %reshape3A_62, %reshape3A_508 : vector<16xf32>
      %add3A_511 = arith.addf %mul3A_509, %mul3A_510 : vector<16xf32>
      %reshape3A_512 = vector.shape_cast %add3A_511 : vector<16xf32> to vector<1x16xf32>
      %swap3A_513 = arith.index_cast %scan3A_54 : i32 to index
      %swap3A_514 = arith.constant 368 : index
      %swap3A_515 = tpu.vector_load %arg10[%swap3A_513, %swap3A_514] {strides = array<i32>} : memref<64x768xf32, #tpu.memory_space<vmem>>, vector<1x16xf32>,
      %swap3A_516 = vector.shape_cast %swap3A_515 : vector<1x16xf32> to vector<1x16xf32>
      %swap3A_517 = vector.shape_cast %reshape3A_512 : vector<1x16xf32> to vector<1x16xf32>
      tpu.vector_store %arg10[%swap3A_513, %swap3A_514], %swap3A_517 {strides = array<i32>} : memref<64x768xf32, #tpu.memory_space<vmem>>, vector<1x16xf32>,
      %get3A_518 = arith.index_cast %scan3A_54 : i32 to index
      %get3A_519 = arith.constant 384 : index
      %get3A_520 = tpu.vector_load %arg10[%get3A_518, %get3A_519] {strides = array<i32>} : memref<64x768xf32, #tpu.memory_space<vmem>>, vector<1x16xf32>,
      %get3A_521 = vector.shape_cast %get3A_520 : vector<1x16xf32> to vector<1x16xf32>
      %reshape3A_522 = vector.shape_cast %get3A_521 : vector<1x16xf32> to vector<16xf32>
      %get3A_523 = arith.index_cast %scan3A_54 : i32 to index
      %get3A_524 = arith.constant 384 : index
      %get3A_525 = tpu.vector_load %arg11[%get3A_523, %get3A_524] {strides = array<i32>} : memref<64x768xf32, #tpu.memory_space<vmem>>, vector<1x16xf32>,
      %get3A_526 = vector.shape_cast %get3A_525 : vector<1x16xf32> to vector<1x16xf32>
      %reshape3A_527 = vector.shape_cast %get3A_526 : vector<1x16xf32> to vector<16xf32>
      %mul3A_528 = arith.mulf %reshape3A, %reshape3A_522 : vector<16xf32>
      %mul3A_529 = arith.mulf %reshape3A_62, %reshape3A_527 : vector<16xf32>
      %add3A_530 = arith.addf %mul3A_528, %mul3A_529 : vector<16xf32>
      %reshape3A_531 = vector.shape_cast %add3A_530 : vector<16xf32> to vector<1x16xf32>
      %swap3A_532 = arith.index_cast %scan3A_54 : i32 to index
      %swap3A_533 = arith.constant 384 : index
      %swap3A_534 = tpu.vector_load %arg10[%swap3A_532, %swap3A_533] {strides = array<i32>} : memref<64x768xf32, #tpu.memory_space<vmem>>, vector<1x16xf32>,
      %swap3A_535 = vector.shape_cast %swap3A_534 : vector<1x16xf32> to vector<1x16xf32>
      %swap3A_536 = vector.shape_cast %reshape3A_531 : vector<1x16xf32> to vector<1x16xf32>
      tpu.vector_store %arg10[%swap3A_532, %swap3A_533], %swap3A_536 {strides = array<i32>} : memref<64x768xf32, #tpu.memory_space<vmem>>, vector<1x16xf32>,
      %get3A_537 = arith.index_cast %scan3A_54 : i32 to index
      %get3A_538 = arith.constant 400 : index
      %get3A_539 = tpu.vector_load %arg10[%get3A_537, %get3A_538] {strides = array<i32>} : memref<64x768xf32, #tpu.memory_space<vmem>>, vector<1x16xf32>,
      %get3A_540 = vector.shape_cast %get3A_539 : vector<1x16xf32> to vector<1x16xf32>
      %reshape3A_541 = vector.shape_cast %get3A_540 : vector<1x16xf32> to vector<16xf32>
      %get3A_542 = arith.index_cast %scan3A_54 : i32 to index
      %get3A_543 = arith.constant 400 : index
      %get3A_544 = tpu.vector_load %arg11[%get3A_542, %get3A_543] {strides = array<i32>} : memref<64x768xf32, #tpu.memory_space<vmem>>, vector<1x16xf32>,
      %get3A_545 = vector.shape_cast %get3A_544 : vector<1x16xf32> to vector<1x16xf32>
      %reshape3A_546 = vector.shape_cast %get3A_545 : vector<1x16xf32> to vector<16xf32>
      %mul3A_547 = arith.mulf %reshape3A, %reshape3A_541 : vector<16xf32>
      %mul3A_548 = arith.mulf %reshape3A_62, %reshape3A_546 : vector<16xf32>
      %add3A_549 = arith.addf %mul3A_547, %mul3A_548 : vector<16xf32>
      %reshape3A_550 = vector.shape_cast %add3A_549 : vector<16xf32> to vector<1x16xf32>
      %swap3A_551 = arith.index_cast %scan3A_54 : i32 to index
      %swap3A_552 = arith.constant 400 : index
      %swap3A_553 = tpu.vector_load %arg10[%swap3A_551, %swap3A_552] {strides = array<i32>} : memref<64x768xf32, #tpu.memory_space<vmem>>, vector<1x16xf32>,
      %swap3A_554 = vector.shape_cast %swap3A_553 : vector<1x16xf32> to vector<1x16xf32>
      %swap3A_555 = vector.shape_cast %reshape3A_550 : vector<1x16xf32> to vector<1x16xf32>
      tpu.vector_store %arg10[%swap3A_551, %swap3A_552], %swap3A_555 {strides = array<i32>} : memref<64x768xf32, #tpu.memory_space<vmem>>, vector<1x16xf32>,
      %get3A_556 = arith.index_cast %scan3A_54 : i32 to index
      %get3A_557 = arith.constant 416 : index
      %get3A_558 = tpu.vector_load %arg10[%get3A_556, %get3A_557] {strides = array<i32>} : memref<64x768xf32, #tpu.memory_space<vmem>>, vector<1x16xf32>,
      %get3A_559 = vector.shape_cast %get3A_558 : vector<1x16xf32> to vector<1x16xf32>
      %reshape3A_560 = vector.shape_cast %get3A_559 : vector<1x16xf32> to vector<16xf32>
      %get3A_561 = arith.index_cast %scan3A_54 : i32 to index
      %get3A_562 = arith.constant 416 : index
      %get3A_563 = tpu.vector_load %arg11[%get3A_561, %get3A_562] {strides = array<i32>} : memref<64x768xf32, #tpu.memory_space<vmem>>, vector<1x16xf32>,
      %get3A_564 = vector.shape_cast %get3A_563 : vector<1x16xf32> to vector<1x16xf32>
      %reshape3A_565 = vector.shape_cast %get3A_564 : vector<1x16xf32> to vector<16xf32>
      %mul3A_566 = arith.mulf %reshape3A, %reshape3A_560 : vector<16xf32>
      %mul3A_567 = arith.mulf %reshape3A_62, %reshape3A_565 : vector<16xf32>
      %add3A_568 = arith.addf %mul3A_566, %mul3A_567 : vector<16xf32>
      %reshape3A_569 = vector.shape_cast %add3A_568 : vector<16xf32> to vector<1x16xf32>
      %swap3A_570 = arith.index_cast %scan3A_54 : i32 to index
      %swap3A_571 = arith.constant 416 : index
      %swap3A_572 = tpu.vector_load %arg10[%swap3A_570, %swap3A_571] {strides = array<i32>} : memref<64x768xf32, #tpu.memory_space<vmem>>, vector<1x16xf32>,
      %swap3A_573 = vector.shape_cast %swap3A_572 : vector<1x16xf32> to vector<1x16xf32>
      %swap3A_574 = vector.shape_cast %reshape3A_569 : vector<1x16xf32> to vector<1x16xf32>
      tpu.vector_store %arg10[%swap3A_570, %swap3A_571], %swap3A_574 {strides = array<i32>} : memref<64x768xf32, #tpu.memory_space<vmem>>, vector<1x16xf32>,
      %get3A_575 = arith.index_cast %scan3A_54 : i32 to index
      %get3A_576 = arith.constant 432 : index
      %get3A_577 = tpu.vector_load %arg10[%get3A_575, %get3A_576] {strides = array<i32>} : memref<64x768xf32, #tpu.memory_space<vmem>>, vector<1x16xf32>,
      %get3A_578 = vector.shape_cast %get3A_577 : vector<1x16xf32> to vector<1x16xf32>
      %reshape3A_579 = vector.shape_cast %get3A_578 : vector<1x16xf32> to vector<16xf32>
      %get3A_580 = arith.index_cast %scan3A_54 : i32 to index
      %get3A_581 = arith.constant 432 : index
      %get3A_582 = tpu.vector_load %arg11[%get3A_580, %get3A_581] {strides = array<i32>} : memref<64x768xf32, #tpu.memory_space<vmem>>, vector<1x16xf32>,
      %get3A_583 = vector.shape_cast %get3A_582 : vector<1x16xf32> to vector<1x16xf32>
      %reshape3A_584 = vector.shape_cast %get3A_583 : vector<1x16xf32> to vector<16xf32>
      %mul3A_585 = arith.mulf %reshape3A, %reshape3A_579 : vector<16xf32>
      %mul3A_586 = arith.mulf %reshape3A_62, %reshape3A_584 : vector<16xf32>
      %add3A_587 = arith.addf %mul3A_585, %mul3A_586 : vector<16xf32>
      %reshape3A_588 = vector.shape_cast %add3A_587 : vector<16xf32> to vector<1x16xf32>
      %swap3A_589 = arith.index_cast %scan3A_54 : i32 to index
      %swap3A_590 = arith.constant 432 : index
      %swap3A_591 = tpu.vector_load %arg10[%swap3A_589, %swap3A_590] {strides = array<i32>} : memref<64x768xf32, #tpu.memory_space<vmem>>, vector<1x16xf32>,
      %swap3A_592 = vector.shape_cast %swap3A_591 : vector<1x16xf32> to vector<1x16xf32>
      %swap3A_593 = vector.shape_cast %reshape3A_588 : vector<1x16xf32> to vector<1x16xf32>
      tpu.vector_store %arg10[%swap3A_589, %swap3A_590], %swap3A_593 {strides = array<i32>} : memref<64x768xf32, #tpu.memory_space<vmem>>, vector<1x16xf32>,
      %get3A_594 = arith.index_cast %scan3A_54 : i32 to index
      %get3A_595 = arith.constant 448 : index
      %get3A_596 = tpu.vector_load %arg10[%get3A_594, %get3A_595] {strides = array<i32>} : memref<64x768xf32, #tpu.memory_space<vmem>>, vector<1x16xf32>,
      %get3A_597 = vector.shape_cast %get3A_596 : vector<1x16xf32> to vector<1x16xf32>
      %reshape3A_598 = vector.shape_cast %get3A_597 : vector<1x16xf32> to vector<16xf32>
      %get3A_599 = arith.index_cast %scan3A_54 : i32 to index
      %get3A_600 = arith.constant 448 : index
      %get3A_601 = tpu.vector_load %arg11[%get3A_599, %get3A_600] {strides = array<i32>} : memref<64x768xf32, #tpu.memory_space<vmem>>, vector<1x16xf32>,
      %get3A_602 = vector.shape_cast %get3A_601 : vector<1x16xf32> to vector<1x16xf32>
      %reshape3A_603 = vector.shape_cast %get3A_602 : vector<1x16xf32> to vector<16xf32>
      %mul3A_604 = arith.mulf %reshape3A, %reshape3A_598 : vector<16xf32>
      %mul3A_605 = arith.mulf %reshape3A_62, %reshape3A_603 : vector<16xf32>
      %add3A_606 = arith.addf %mul3A_604, %mul3A_605 : vector<16xf32>
      %reshape3A_607 = vector.shape_cast %add3A_606 : vector<16xf32> to vector<1x16xf32>
      %swap3A_608 = arith.index_cast %scan3A_54 : i32 to index
      %swap3A_609 = arith.constant 448 : index
      %swap3A_610 = tpu.vector_load %arg10[%swap3A_608, %swap3A_609] {strides = array<i32>} : memref<64x768xf32, #tpu.memory_space<vmem>>, vector<1x16xf32>,
      %swap3A_611 = vector.shape_cast %swap3A_610 : vector<1x16xf32> to vector<1x16xf32>
      %swap3A_612 = vector.shape_cast %reshape3A_607 : vector<1x16xf32> to vector<1x16xf32>
      tpu.vector_store %arg10[%swap3A_608, %swap3A_609], %swap3A_612 {strides = array<i32>} : memref<64x768xf32, #tpu.memory_space<vmem>>, vector<1x16xf32>,
      %get3A_613 = arith.index_cast %scan3A_54 : i32 to index
      %get3A_614 = arith.constant 464 : index
      %get3A_615 = tpu.vector_load %arg10[%get3A_613, %get3A_614] {strides = array<i32>} : memref<64x768xf32, #tpu.memory_space<vmem>>, vector<1x16xf32>,
      %get3A_616 = vector.shape_cast %get3A_615 : vector<1x16xf32> to vector<1x16xf32>
      %reshape3A_617 = vector.shape_cast %get3A_616 : vector<1x16xf32> to vector<16xf32>
      %get3A_618 = arith.index_cast %scan3A_54 : i32 to index
      %get3A_619 = arith.constant 464 : index
      %get3A_620 = tpu.vector_load %arg11[%get3A_618, %get3A_619] {strides = array<i32>} : memref<64x768xf32, #tpu.memory_space<vmem>>, vector<1x16xf32>,
      %get3A_621 = vector.shape_cast %get3A_620 : vector<1x16xf32> to vector<1x16xf32>
      %reshape3A_622 = vector.shape_cast %get3A_621 : vector<1x16xf32> to vector<16xf32>
      %mul3A_623 = arith.mulf %reshape3A, %reshape3A_617 : vector<16xf32>
      %mul3A_624 = arith.mulf %reshape3A_62, %reshape3A_622 : vector<16xf32>
      %add3A_625 = arith.addf %mul3A_623, %mul3A_624 : vector<16xf32>
      %reshape3A_626 = vector.shape_cast %add3A_625 : vector<16xf32> to vector<1x16xf32>
      %swap3A_627 = arith.index_cast %scan3A_54 : i32 to index
      %swap3A_628 = arith.constant 464 : index
      %swap3A_629 = tpu.vector_load %arg10[%swap3A_627, %swap3A_628] {strides = array<i32>} : memref<64x768xf32, #tpu.memory_space<vmem>>, vector<1x16xf32>,
      %swap3A_630 = vector.shape_cast %swap3A_629 : vector<1x16xf32> to vector<1x16xf32>
      %swap3A_631 = vector.shape_cast %reshape3A_626 : vector<1x16xf32> to vector<1x16xf32>
      tpu.vector_store %arg10[%swap3A_627, %swap3A_628], %swap3A_631 {strides = array<i32>} : memref<64x768xf32, #tpu.memory_space<vmem>>, vector<1x16xf32>,
      %get3A_632 = arith.index_cast %scan3A_54 : i32 to index
      %get3A_633 = arith.constant 480 : index
      %get3A_634 = tpu.vector_load %arg10[%get3A_632, %get3A_633] {strides = array<i32>} : memref<64x768xf32, #tpu.memory_space<vmem>>, vector<1x16xf32>,
      %get3A_635 = vector.shape_cast %get3A_634 : vector<1x16xf32> to vector<1x16xf32>
      %reshape3A_636 = vector.shape_cast %get3A_635 : vector<1x16xf32> to vector<16xf32>
      %get3A_637 = arith.index_cast %scan3A_54 : i32 to index
      %get3A_638 = arith.constant 480 : index
      %get3A_639 = tpu.vector_load %arg11[%get3A_637, %get3A_638] {strides = array<i32>} : memref<64x768xf32, #tpu.memory_space<vmem>>, vector<1x16xf32>,
      %get3A_640 = vector.shape_cast %get3A_639 : vector<1x16xf32> to vector<1x16xf32>
      %reshape3A_641 = vector.shape_cast %get3A_640 : vector<1x16xf32> to vector<16xf32>
      %mul3A_642 = arith.mulf %reshape3A, %reshape3A_636 : vector<16xf32>
      %mul3A_643 = arith.mulf %reshape3A_62, %reshape3A_641 : vector<16xf32>
      %add3A_644 = arith.addf %mul3A_642, %mul3A_643 : vector<16xf32>
      %reshape3A_645 = vector.shape_cast %add3A_644 : vector<16xf32> to vector<1x16xf32>
      %swap3A_646 = arith.index_cast %scan3A_54 : i32 to index
      %swap3A_647 = arith.constant 480 : index
      %swap3A_648 = tpu.vector_load %arg10[%swap3A_646, %swap3A_647] {strides = array<i32>} : memref<64x768xf32, #tpu.memory_space<vmem>>, vector<1x16xf32>,
      %swap3A_649 = vector.shape_cast %swap3A_648 : vector<1x16xf32> to vector<1x16xf32>
      %swap3A_650 = vector.shape_cast %reshape3A_645 : vector<1x16xf32> to vector<1x16xf32>
      tpu.vector_store %arg10[%swap3A_646, %swap3A_647], %swap3A_650 {strides = array<i32>} : memref<64x768xf32, #tpu.memory_space<vmem>>, vector<1x16xf32>,
      %get3A_651 = arith.index_cast %scan3A_54 : i32 to index
      %get3A_652 = arith.constant 496 : index
      %get3A_653 = tpu.vector_load %arg10[%get3A_651, %get3A_652] {strides = array<i32>} : memref<64x768xf32, #tpu.memory_space<vmem>>, vector<1x16xf32>,
      %get3A_654 = vector.shape_cast %get3A_653 : vector<1x16xf32> to vector<1x16xf32>
      %reshape3A_655 = vector.shape_cast %get3A_654 : vector<1x16xf32> to vector<16xf32>
      %get3A_656 = arith.index_cast %scan3A_54 : i32 to index
      %get3A_657 = arith.constant 496 : index
      %get3A_658 = tpu.vector_load %arg11[%get3A_656, %get3A_657] {strides = array<i32>} : memref<64x768xf32, #tpu.memory_space<vmem>>, vector<1x16xf32>,
      %get3A_659 = vector.shape_cast %get3A_658 : vector<1x16xf32> to vector<1x16xf32>
      %reshape3A_660 = vector.shape_cast %get3A_659 : vector<1x16xf32> to vector<16xf32>
      %mul3A_661 = arith.mulf %reshape3A, %reshape3A_655 : vector<16xf32>
      %mul3A_662 = arith.mulf %reshape3A_62, %reshape3A_660 : vector<16xf32>
      %add3A_663 = arith.addf %mul3A_661, %mul3A_662 : vector<16xf32>
      %reshape3A_664 = vector.shape_cast %add3A_663 : vector<16xf32> to vector<1x16xf32>
      %swap3A_665 = arith.index_cast %scan3A_54 : i32 to index
      %swap3A_666 = arith.constant 496 : index
      %swap3A_667 = tpu.vector_load %arg10[%swap3A_665, %swap3A_666] {strides = array<i32>} : memref<64x768xf32, #tpu.memory_space<vmem>>, vector<1x16xf32>,
      %swap3A_668 = vector.shape_cast %swap3A_667 : vector<1x16xf32> to vector<1x16xf32>
      %swap3A_669 = vector.shape_cast %reshape3A_664 : vector<1x16xf32> to vector<1x16xf32>
      tpu.vector_store %arg10[%swap3A_665, %swap3A_666], %swap3A_669 {strides = array<i32>} : memref<64x768xf32, #tpu.memory_space<vmem>>, vector<1x16xf32>,
      %get3A_670 = arith.index_cast %scan3A_54 : i32 to index
      %get3A_671 = arith.constant 512 : index
      %get3A_672 = tpu.vector_load %arg10[%get3A_670, %get3A_671] {strides = array<i32>} : memref<64x768xf32, #tpu.memory_space<vmem>>, vector<1x16xf32>,
      %get3A_673 = vector.shape_cast %get3A_672 : vector<1x16xf32> to vector<1x16xf32>
      %reshape3A_674 = vector.shape_cast %get3A_673 : vector<1x16xf32> to vector<16xf32>
      %get3A_675 = arith.index_cast %scan3A_54 : i32 to index
      %get3A_676 = arith.constant 512 : index
      %get3A_677 = tpu.vector_load %arg11[%get3A_675, %get3A_676] {strides = array<i32>} : memref<64x768xf32, #tpu.memory_space<vmem>>, vector<1x16xf32>,
      %get3A_678 = vector.shape_cast %get3A_677 : vector<1x16xf32> to vector<1x16xf32>
      %reshape3A_679 = vector.shape_cast %get3A_678 : vector<1x16xf32> to vector<16xf32>
      %mul3A_680 = arith.mulf %reshape3A, %reshape3A_674 : vector<16xf32>
      %mul3A_681 = arith.mulf %reshape3A_62, %reshape3A_679 : vector<16xf32>
      %add3A_682 = arith.addf %mul3A_680, %mul3A_681 : vector<16xf32>
      %reshape3A_683 = vector.shape_cast %add3A_682 : vector<16xf32> to vector<1x16xf32>
      %swap3A_684 = arith.index_cast %scan3A_54 : i32 to index
      %swap3A_685 = arith.constant 512 : index
      %swap3A_686 = tpu.vector_load %arg10[%swap3A_684, %swap3A_685] {strides = array<i32>} : memref<64x768xf32, #tpu.memory_space<vmem>>, vector<1x16xf32>,
      %swap3A_687 = vector.shape_cast %swap3A_686 : vector<1x16xf32> to vector<1x16xf32>
      %swap3A_688 = vector.shape_cast %reshape3A_683 : vector<1x16xf32> to vector<1x16xf32>
      tpu.vector_store %arg10[%swap3A_684, %swap3A_685], %swap3A_688 {strides = array<i32>} : memref<64x768xf32, #tpu.memory_space<vmem>>, vector<1x16xf32>,
      %get3A_689 = arith.index_cast %scan3A_54 : i32 to index
      %get3A_690 = arith.constant 528 : index
      %get3A_691 = tpu.vector_load %arg10[%get3A_689, %get3A_690] {strides = array<i32>} : memref<64x768xf32, #tpu.memory_space<vmem>>, vector<1x16xf32>,
      %get3A_692 = vector.shape_cast %get3A_691 : vector<1x16xf32> to vector<1x16xf32>
      %reshape3A_693 = vector.shape_cast %get3A_692 : vector<1x16xf32> to vector<16xf32>
      %get3A_694 = arith.index_cast %scan3A_54 : i32 to index
      %get3A_695 = arith.constant 528 : index
      %get3A_696 = tpu.vector_load %arg11[%get3A_694, %get3A_695] {strides = array<i32>} : memref<64x768xf32, #tpu.memory_space<vmem>>, vector<1x16xf32>,
      %get3A_697 = vector.shape_cast %get3A_696 : vector<1x16xf32> to vector<1x16xf32>
      %reshape3A_698 = vector.shape_cast %get3A_697 : vector<1x16xf32> to vector<16xf32>
      %mul3A_699 = arith.mulf %reshape3A, %reshape3A_693 : vector<16xf32>
      %mul3A_700 = arith.mulf %reshape3A_62, %reshape3A_698 : vector<16xf32>
      %add3A_701 = arith.addf %mul3A_699, %mul3A_700 : vector<16xf32>
      %reshape3A_702 = vector.shape_cast %add3A_701 : vector<16xf32> to vector<1x16xf32>
      %swap3A_703 = arith.index_cast %scan3A_54 : i32 to index
      %swap3A_704 = arith.constant 528 : index
      %swap3A_705 = tpu.vector_load %arg10[%swap3A_703, %swap3A_704] {strides = array<i32>} : memref<64x768xf32, #tpu.memory_space<vmem>>, vector<1x16xf32>,
      %swap3A_706 = vector.shape_cast %swap3A_705 : vector<1x16xf32> to vector<1x16xf32>
      %swap3A_707 = vector.shape_cast %reshape3A_702 : vector<1x16xf32> to vector<1x16xf32>
      tpu.vector_store %arg10[%swap3A_703, %swap3A_704], %swap3A_707 {strides = array<i32>} : memref<64x768xf32, #tpu.memory_space<vmem>>, vector<1x16xf32>,
      %get3A_708 = arith.index_cast %scan3A_54 : i32 to index
      %get3A_709 = arith.constant 544 : index
      %get3A_710 = tpu.vector_load %arg10[%get3A_708, %get3A_709] {strides = array<i32>} : memref<64x768xf32, #tpu.memory_space<vmem>>, vector<1x16xf32>,
      %get3A_711 = vector.shape_cast %get3A_710 : vector<1x16xf32> to vector<1x16xf32>
      %reshape3A_712 = vector.shape_cast %get3A_711 : vector<1x16xf32> to vector<16xf32>
      %get3A_713 = arith.index_cast %scan3A_54 : i32 to index
      %get3A_714 = arith.constant 544 : index
      %get3A_715 = tpu.vector_load %arg11[%get3A_713, %get3A_714] {strides = array<i32>} : memref<64x768xf32, #tpu.memory_space<vmem>>, vector<1x16xf32>,
      %get3A_716 = vector.shape_cast %get3A_715 : vector<1x16xf32> to vector<1x16xf32>
      %reshape3A_717 = vector.shape_cast %get3A_716 : vector<1x16xf32> to vector<16xf32>
      %mul3A_718 = arith.mulf %reshape3A, %reshape3A_712 : vector<16xf32>
      %mul3A_719 = arith.mulf %reshape3A_62, %reshape3A_717 : vector<16xf32>
      %add3A_720 = arith.addf %mul3A_718, %mul3A_719 : vector<16xf32>
      %reshape3A_721 = vector.shape_cast %add3A_720 : vector<16xf32> to vector<1x16xf32>
      %swap3A_722 = arith.index_cast %scan3A_54 : i32 to index
      %swap3A_723 = arith.constant 544 : index
      %swap3A_724 = tpu.vector_load %arg10[%swap3A_722, %swap3A_723] {strides = array<i32>} : memref<64x768xf32, #tpu.memory_space<vmem>>, vector<1x16xf32>,
      %swap3A_725 = vector.shape_cast %swap3A_724 : vector<1x16xf32> to vector<1x16xf32>
      %swap3A_726 = vector.shape_cast %reshape3A_721 : vector<1x16xf32> to vector<1x16xf32>
      tpu.vector_store %arg10[%swap3A_722, %swap3A_723], %swap3A_726 {strides = array<i32>} : memref<64x768xf32, #tpu.memory_space<vmem>>, vector<1x16xf32>,
      %get3A_727 = arith.index_cast %scan3A_54 : i32 to index
      %get3A_728 = arith.constant 560 : index
      %get3A_729 = tpu.vector_load %arg10[%get3A_727, %get3A_728] {strides = array<i32>} : memref<64x768xf32, #tpu.memory_space<vmem>>, vector<1x16xf32>,
      %get3A_730 = vector.shape_cast %get3A_729 : vector<1x16xf32> to vector<1x16xf32>
      %reshape3A_731 = vector.shape_cast %get3A_730 : vector<1x16xf32> to vector<16xf32>
      %get3A_732 = arith.index_cast %scan3A_54 : i32 to index
      %get3A_733 = arith.constant 560 : index
      %get3A_734 = tpu.vector_load %arg11[%get3A_732, %get3A_733] {strides = array<i32>} : memref<64x768xf32, #tpu.memory_space<vmem>>, vector<1x16xf32>,
      %get3A_735 = vector.shape_cast %get3A_734 : vector<1x16xf32> to vector<1x16xf32>
      %reshape3A_736 = vector.shape_cast %get3A_735 : vector<1x16xf32> to vector<16xf32>
      %mul3A_737 = arith.mulf %reshape3A, %reshape3A_731 : vector<16xf32>
      %mul3A_738 = arith.mulf %reshape3A_62, %reshape3A_736 : vector<16xf32>
      %add3A_739 = arith.addf %mul3A_737, %mul3A_738 : vector<16xf32>
      %reshape3A_740 = vector.shape_cast %add3A_739 : vector<16xf32> to vector<1x16xf32>
      %swap3A_741 = arith.index_cast %scan3A_54 : i32 to index
      %swap3A_742 = arith.constant 560 : index
      %swap3A_743 = tpu.vector_load %arg10[%swap3A_741, %swap3A_742] {strides = array<i32>} : memref<64x768xf32, #tpu.memory_space<vmem>>, vector<1x16xf32>,
      %swap3A_744 = vector.shape_cast %swap3A_743 : vector<1x16xf32> to vector<1x16xf32>
      %swap3A_745 = vector.shape_cast %reshape3A_740 : vector<1x16xf32> to vector<1x16xf32>
      tpu.vector_store %arg10[%swap3A_741, %swap3A_742], %swap3A_745 {strides = array<i32>} : memref<64x768xf32, #tpu.memory_space<vmem>>, vector<1x16xf32>,
      %get3A_746 = arith.index_cast %scan3A_54 : i32 to index
      %get3A_747 = arith.constant 576 : index
      %get3A_748 = tpu.vector_load %arg10[%get3A_746, %get3A_747] {strides = array<i32>} : memref<64x768xf32, #tpu.memory_space<vmem>>, vector<1x16xf32>,
      %get3A_749 = vector.shape_cast %get3A_748 : vector<1x16xf32> to vector<1x16xf32>
      %reshape3A_750 = vector.shape_cast %get3A_749 : vector<1x16xf32> to vector<16xf32>
      %get3A_751 = arith.index_cast %scan3A_54 : i32 to index
      %get3A_752 = arith.constant 576 : index
      %get3A_753 = tpu.vector_load %arg11[%get3A_751, %get3A_752] {strides = array<i32>} : memref<64x768xf32, #tpu.memory_space<vmem>>, vector<1x16xf32>,
      %get3A_754 = vector.shape_cast %get3A_753 : vector<1x16xf32> to vector<1x16xf32>
      %reshape3A_755 = vector.shape_cast %get3A_754 : vector<1x16xf32> to vector<16xf32>
      %mul3A_756 = arith.mulf %reshape3A, %reshape3A_750 : vector<16xf32>
      %mul3A_757 = arith.mulf %reshape3A_62, %reshape3A_755 : vector<16xf32>
      %add3A_758 = arith.addf %mul3A_756, %mul3A_757 : vector<16xf32>
      %reshape3A_759 = vector.shape_cast %add3A_758 : vector<16xf32> to vector<1x16xf32>
      %swap3A_760 = arith.index_cast %scan3A_54 : i32 to index
      %swap3A_761 = arith.constant 576 : index
      %swap3A_762 = tpu.vector_load %arg10[%swap3A_760, %swap3A_761] {strides = array<i32>} : memref<64x768xf32, #tpu.memory_space<vmem>>, vector<1x16xf32>,
      %swap3A_763 = vector.shape_cast %swap3A_762 : vector<1x16xf32> to vector<1x16xf32>
      %swap3A_764 = vector.shape_cast %reshape3A_759 : vector<1x16xf32> to vector<1x16xf32>
      tpu.vector_store %arg10[%swap3A_760, %swap3A_761], %swap3A_764 {strides = array<i32>} : memref<64x768xf32, #tpu.memory_space<vmem>>, vector<1x16xf32>,
      %get3A_765 = arith.index_cast %scan3A_54 : i32 to index
      %get3A_766 = arith.constant 592 : index
      %get3A_767 = tpu.vector_load %arg10[%get3A_765, %get3A_766] {strides = array<i32>} : memref<64x768xf32, #tpu.memory_space<vmem>>, vector<1x16xf32>,
      %get3A_768 = vector.shape_cast %get3A_767 : vector<1x16xf32> to vector<1x16xf32>
      %reshape3A_769 = vector.shape_cast %get3A_768 : vector<1x16xf32> to vector<16xf32>
      %get3A_770 = arith.index_cast %scan3A_54 : i32 to index
      %get3A_771 = arith.constant 592 : index
      %get3A_772 = tpu.vector_load %arg11[%get3A_770, %get3A_771] {strides = array<i32>} : memref<64x768xf32, #tpu.memory_space<vmem>>, vector<1x16xf32>,
      %get3A_773 = vector.shape_cast %get3A_772 : vector<1x16xf32> to vector<1x16xf32>
      %reshape3A_774 = vector.shape_cast %get3A_773 : vector<1x16xf32> to vector<16xf32>
      %mul3A_775 = arith.mulf %reshape3A, %reshape3A_769 : vector<16xf32>
      %mul3A_776 = arith.mulf %reshape3A_62, %reshape3A_774 : vector<16xf32>
      %add3A_777 = arith.addf %mul3A_775, %mul3A_776 : vector<16xf32>
      %reshape3A_778 = vector.shape_cast %add3A_777 : vector<16xf32> to vector<1x16xf32>
      %swap3A_779 = arith.index_cast %scan3A_54 : i32 to index
      %swap3A_780 = arith.constant 592 : index
      %swap3A_781 = tpu.vector_load %arg10[%swap3A_779, %swap3A_780] {strides = array<i32>} : memref<64x768xf32, #tpu.memory_space<vmem>>, vector<1x16xf32>,
      %swap3A_782 = vector.shape_cast %swap3A_781 : vector<1x16xf32> to vector<1x16xf32>
      %swap3A_783 = vector.shape_cast %reshape3A_778 : vector<1x16xf32> to vector<1x16xf32>
      tpu.vector_store %arg10[%swap3A_779, %swap3A_780], %swap3A_783 {strides = array<i32>} : memref<64x768xf32, #tpu.memory_space<vmem>>, vector<1x16xf32>,
      %get3A_784 = arith.index_cast %scan3A_54 : i32 to index
      %get3A_785 = arith.constant 608 : index
      %get3A_786 = tpu.vector_load %arg10[%get3A_784, %get3A_785] {strides = array<i32>} : memref<64x768xf32, #tpu.memory_space<vmem>>, vector<1x16xf32>,
      %get3A_787 = vector.shape_cast %get3A_786 : vector<1x16xf32> to vector<1x16xf32>
      %reshape3A_788 = vector.shape_cast %get3A_787 : vector<1x16xf32> to vector<16xf32>
      %get3A_789 = arith.index_cast %scan3A_54 : i32 to index
      %get3A_790 = arith.constant 608 : index
      %get3A_791 = tpu.vector_load %arg11[%get3A_789, %get3A_790] {strides = array<i32>} : memref<64x768xf32, #tpu.memory_space<vmem>>, vector<1x16xf32>,
      %get3A_792 = vector.shape_cast %get3A_791 : vector<1x16xf32> to vector<1x16xf32>
      %reshape3A_793 = vector.shape_cast %get3A_792 : vector<1x16xf32> to vector<16xf32>
      %mul3A_794 = arith.mulf %reshape3A, %reshape3A_788 : vector<16xf32>
      %mul3A_795 = arith.mulf %reshape3A_62, %reshape3A_793 : vector<16xf32>
      %add3A_796 = arith.addf %mul3A_794, %mul3A_795 : vector<16xf32>
      %reshape3A_797 = vector.shape_cast %add3A_796 : vector<16xf32> to vector<1x16xf32>
      %swap3A_798 = arith.index_cast %scan3A_54 : i32 to index
      %swap3A_799 = arith.constant 608 : index
      %swap3A_800 = tpu.vector_load %arg10[%swap3A_798, %swap3A_799] {strides = array<i32>} : memref<64x768xf32, #tpu.memory_space<vmem>>, vector<1x16xf32>,
      %swap3A_801 = vector.shape_cast %swap3A_800 : vector<1x16xf32> to vector<1x16xf32>
      %swap3A_802 = vector.shape_cast %reshape3A_797 : vector<1x16xf32> to vector<1x16xf32>
      tpu.vector_store %arg10[%swap3A_798, %swap3A_799], %swap3A_802 {strides = array<i32>} : memref<64x768xf32, #tpu.memory_space<vmem>>, vector<1x16xf32>,
      %get3A_803 = arith.index_cast %scan3A_54 : i32 to index
      %get3A_804 = arith.constant 624 : index
      %get3A_805 = tpu.vector_load %arg10[%get3A_803, %get3A_804] {strides = array<i32>} : memref<64x768xf32, #tpu.memory_space<vmem>>, vector<1x16xf32>,
      %get3A_806 = vector.shape_cast %get3A_805 : vector<1x16xf32> to vector<1x16xf32>
      %reshape3A_807 = vector.shape_cast %get3A_806 : vector<1x16xf32> to vector<16xf32>
      %get3A_808 = arith.index_cast %scan3A_54 : i32 to index
      %get3A_809 = arith.constant 624 : index
      %get3A_810 = tpu.vector_load %arg11[%get3A_808, %get3A_809] {strides = array<i32>} : memref<64x768xf32, #tpu.memory_space<vmem>>, vector<1x16xf32>,
      %get3A_811 = vector.shape_cast %get3A_810 : vector<1x16xf32> to vector<1x16xf32>
      %reshape3A_812 = vector.shape_cast %get3A_811 : vector<1x16xf32> to vector<16xf32>
      %mul3A_813 = arith.mulf %reshape3A, %reshape3A_807 : vector<16xf32>
      %mul3A_814 = arith.mulf %reshape3A_62, %reshape3A_812 : vector<16xf32>
      %add3A_815 = arith.addf %mul3A_813, %mul3A_814 : vector<16xf32>
      %reshape3A_816 = vector.shape_cast %add3A_815 : vector<16xf32> to vector<1x16xf32>
      %swap3A_817 = arith.index_cast %scan3A_54 : i32 to index
      %swap3A_818 = arith.constant 624 : index
      %swap3A_819 = tpu.vector_load %arg10[%swap3A_817, %swap3A_818] {strides = array<i32>} : memref<64x768xf32, #tpu.memory_space<vmem>>, vector<1x16xf32>,
      %swap3A_820 = vector.shape_cast %swap3A_819 : vector<1x16xf32> to vector<1x16xf32>
      %swap3A_821 = vector.shape_cast %reshape3A_816 : vector<1x16xf32> to vector<1x16xf32>
      tpu.vector_store %arg10[%swap3A_817, %swap3A_818], %swap3A_821 {strides = array<i32>} : memref<64x768xf32, #tpu.memory_space<vmem>>, vector<1x16xf32>,
      %get3A_822 = arith.index_cast %scan3A_54 : i32 to index
      %get3A_823 = arith.constant 640 : index
      %get3A_824 = tpu.vector_load %arg10[%get3A_822, %get3A_823] {strides = array<i32>} : memref<64x768xf32, #tpu.memory_space<vmem>>, vector<1x16xf32>,
      %get3A_825 = vector.shape_cast %get3A_824 : vector<1x16xf32> to vector<1x16xf32>
      %reshape3A_826 = vector.shape_cast %get3A_825 : vector<1x16xf32> to vector<16xf32>
      %get3A_827 = arith.index_cast %scan3A_54 : i32 to index
      %get3A_828 = arith.constant 640 : index
      %get3A_829 = tpu.vector_load %arg11[%get3A_827, %get3A_828] {strides = array<i32>} : memref<64x768xf32, #tpu.memory_space<vmem>>, vector<1x16xf32>,
      %get3A_830 = vector.shape_cast %get3A_829 : vector<1x16xf32> to vector<1x16xf32>
      %reshape3A_831 = vector.shape_cast %get3A_830 : vector<1x16xf32> to vector<16xf32>
      %mul3A_832 = arith.mulf %reshape3A, %reshape3A_826 : vector<16xf32>
      %mul3A_833 = arith.mulf %reshape3A_62, %reshape3A_831 : vector<16xf32>
      %add3A_834 = arith.addf %mul3A_832, %mul3A_833 : vector<16xf32>
      %reshape3A_835 = vector.shape_cast %add3A_834 : vector<16xf32> to vector<1x16xf32>
      %swap3A_836 = arith.index_cast %scan3A_54 : i32 to index
      %swap3A_837 = arith.constant 640 : index
      %swap3A_838 = tpu.vector_load %arg10[%swap3A_836, %swap3A_837] {strides = array<i32>} : memref<64x768xf32, #tpu.memory_space<vmem>>, vector<1x16xf32>,
      %swap3A_839 = vector.shape_cast %swap3A_838 : vector<1x16xf32> to vector<1x16xf32>
      %swap3A_840 = vector.shape_cast %reshape3A_835 : vector<1x16xf32> to vector<1x16xf32>
      tpu.vector_store %arg10[%swap3A_836, %swap3A_837], %swap3A_840 {strides = array<i32>} : memref<64x768xf32, #tpu.memory_space<vmem>>, vector<1x16xf32>,
      %get3A_841 = arith.index_cast %scan3A_54 : i32 to index
      %get3A_842 = arith.constant 656 : index
      %get3A_843 = tpu.vector_load %arg10[%get3A_841, %get3A_842] {strides = array<i32>} : memref<64x768xf32, #tpu.memory_space<vmem>>, vector<1x16xf32>,
      %get3A_844 = vector.shape_cast %get3A_843 : vector<1x16xf32> to vector<1x16xf32>
      %reshape3A_845 = vector.shape_cast %get3A_844 : vector<1x16xf32> to vector<16xf32>
      %get3A_846 = arith.index_cast %scan3A_54 : i32 to index
      %get3A_847 = arith.constant 656 : index
      %get3A_848 = tpu.vector_load %arg11[%get3A_846, %get3A_847] {strides = array<i32>} : memref<64x768xf32, #tpu.memory_space<vmem>>, vector<1x16xf32>,
      %get3A_849 = vector.shape_cast %get3A_848 : vector<1x16xf32> to vector<1x16xf32>
      %reshape3A_850 = vector.shape_cast %get3A_849 : vector<1x16xf32> to vector<16xf32>
      %mul3A_851 = arith.mulf %reshape3A, %reshape3A_845 : vector<16xf32>
      %mul3A_852 = arith.mulf %reshape3A_62, %reshape3A_850 : vector<16xf32>
      %add3A_853 = arith.addf %mul3A_851, %mul3A_852 : vector<16xf32>
      %reshape3A_854 = vector.shape_cast %add3A_853 : vector<16xf32> to vector<1x16xf32>
      %swap3A_855 = arith.index_cast %scan3A_54 : i32 to index
      %swap3A_856 = arith.constant 656 : index
      %swap3A_857 = tpu.vector_load %arg10[%swap3A_855, %swap3A_856] {strides = array<i32>} : memref<64x768xf32, #tpu.memory_space<vmem>>, vector<1x16xf32>,
      %swap3A_858 = vector.shape_cast %swap3A_857 : vector<1x16xf32> to vector<1x16xf32>
      %swap3A_859 = vector.shape_cast %reshape3A_854 : vector<1x16xf32> to vector<1x16xf32>
      tpu.vector_store %arg10[%swap3A_855, %swap3A_856], %swap3A_859 {strides = array<i32>} : memref<64x768xf32, #tpu.memory_space<vmem>>, vector<1x16xf32>,
      %get3A_860 = arith.index_cast %scan3A_54 : i32 to index
      %get3A_861 = arith.constant 672 : index
      %get3A_862 = tpu.vector_load %arg10[%get3A_860, %get3A_861] {strides = array<i32>} : memref<64x768xf32, #tpu.memory_space<vmem>>, vector<1x16xf32>,
      %get3A_863 = vector.shape_cast %get3A_862 : vector<1x16xf32> to vector<1x16xf32>
      %reshape3A_864 = vector.shape_cast %get3A_863 : vector<1x16xf32> to vector<16xf32>
      %get3A_865 = arith.index_cast %scan3A_54 : i32 to index
      %get3A_866 = arith.constant 672 : index
      %get3A_867 = tpu.vector_load %arg11[%get3A_865, %get3A_866] {strides = array<i32>} : memref<64x768xf32, #tpu.memory_space<vmem>>, vector<1x16xf32>,
      %get3A_868 = vector.shape_cast %get3A_867 : vector<1x16xf32> to vector<1x16xf32>
      %reshape3A_869 = vector.shape_cast %get3A_868 : vector<1x16xf32> to vector<16xf32>
      %mul3A_870 = arith.mulf %reshape3A, %reshape3A_864 : vector<16xf32>
      %mul3A_871 = arith.mulf %reshape3A_62, %reshape3A_869 : vector<16xf32>
      %add3A_872 = arith.addf %mul3A_870, %mul3A_871 : vector<16xf32>
      %reshape3A_873 = vector.shape_cast %add3A_872 : vector<16xf32> to vector<1x16xf32>
      %swap3A_874 = arith.index_cast %scan3A_54 : i32 to index
      %swap3A_875 = arith.constant 672 : index
      %swap3A_876 = tpu.vector_load %arg10[%swap3A_874, %swap3A_875] {strides = array<i32>} : memref<64x768xf32, #tpu.memory_space<vmem>>, vector<1x16xf32>,
      %swap3A_877 = vector.shape_cast %swap3A_876 : vector<1x16xf32> to vector<1x16xf32>
      %swap3A_878 = vector.shape_cast %reshape3A_873 : vector<1x16xf32> to vector<1x16xf32>
      tpu.vector_store %arg10[%swap3A_874, %swap3A_875], %swap3A_878 {strides = array<i32>} : memref<64x768xf32, #tpu.memory_space<vmem>>, vector<1x16xf32>,
      %get3A_879 = arith.index_cast %scan3A_54 : i32 to index
      %get3A_880 = arith.constant 688 : index
      %get3A_881 = tpu.vector_load %arg10[%get3A_879, %get3A_880] {strides = array<i32>} : memref<64x768xf32, #tpu.memory_space<vmem>>, vector<1x16xf32>,
      %get3A_882 = vector.shape_cast %get3A_881 : vector<1x16xf32> to vector<1x16xf32>
      %reshape3A_883 = vector.shape_cast %get3A_882 : vector<1x16xf32> to vector<16xf32>
      %get3A_884 = arith.index_cast %scan3A_54 : i32 to index
      %get3A_885 = arith.constant 688 : index
      %get3A_886 = tpu.vector_load %arg11[%get3A_884, %get3A_885] {strides = array<i32>} : memref<64x768xf32, #tpu.memory_space<vmem>>, vector<1x16xf32>,
      %get3A_887 = vector.shape_cast %get3A_886 : vector<1x16xf32> to vector<1x16xf32>
      %reshape3A_888 = vector.shape_cast %get3A_887 : vector<1x16xf32> to vector<16xf32>
      %mul3A_889 = arith.mulf %reshape3A, %reshape3A_883 : vector<16xf32>
      %mul3A_890 = arith.mulf %reshape3A_62, %reshape3A_888 : vector<16xf32>
      %add3A_891 = arith.addf %mul3A_889, %mul3A_890 : vector<16xf32>
      %reshape3A_892 = vector.shape_cast %add3A_891 : vector<16xf32> to vector<1x16xf32>
      %swap3A_893 = arith.index_cast %scan3A_54 : i32 to index
      %swap3A_894 = arith.constant 688 : index
      %swap3A_895 = tpu.vector_load %arg10[%swap3A_893, %swap3A_894] {strides = array<i32>} : memref<64x768xf32, #tpu.memory_space<vmem>>, vector<1x16xf32>,
      %swap3A_896 = vector.shape_cast %swap3A_895 : vector<1x16xf32> to vector<1x16xf32>
      %swap3A_897 = vector.shape_cast %reshape3A_892 : vector<1x16xf32> to vector<1x16xf32>
      tpu.vector_store %arg10[%swap3A_893, %swap3A_894], %swap3A_897 {strides = array<i32>} : memref<64x768xf32, #tpu.memory_space<vmem>>, vector<1x16xf32>,
      %get3A_898 = arith.index_cast %scan3A_54 : i32 to index
      %get3A_899 = arith.constant 704 : index
      %get3A_900 = tpu.vector_load %arg10[%get3A_898, %get3A_899] {strides = array<i32>} : memref<64x768xf32, #tpu.memory_space<vmem>>, vector<1x16xf32>,
      %get3A_901 = vector.shape_cast %get3A_900 : vector<1x16xf32> to vector<1x16xf32>
      %reshape3A_902 = vector.shape_cast %get3A_901 : vector<1x16xf32> to vector<16xf32>
      %get3A_903 = arith.index_cast %scan3A_54 : i32 to index
      %get3A_904 = arith.constant 704 : index
      %get3A_905 = tpu.vector_load %arg11[%get3A_903, %get3A_904] {strides = array<i32>} : memref<64x768xf32, #tpu.memory_space<vmem>>, vector<1x16xf32>,
      %get3A_906 = vector.shape_cast %get3A_905 : vector<1x16xf32> to vector<1x16xf32>
      %reshape3A_907 = vector.shape_cast %get3A_906 : vector<1x16xf32> to vector<16xf32>
      %mul3A_908 = arith.mulf %reshape3A, %reshape3A_902 : vector<16xf32>
      %mul3A_909 = arith.mulf %reshape3A_62, %reshape3A_907 : vector<16xf32>
      %add3A_910 = arith.addf %mul3A_908, %mul3A_909 : vector<16xf32>
      %reshape3A_911 = vector.shape_cast %add3A_910 : vector<16xf32> to vector<1x16xf32>
      %swap3A_912 = arith.index_cast %scan3A_54 : i32 to index
      %swap3A_913 = arith.constant 704 : index
      %swap3A_914 = tpu.vector_load %arg10[%swap3A_912, %swap3A_913] {strides = array<i32>} : memref<64x768xf32, #tpu.memory_space<vmem>>, vector<1x16xf32>,
      %swap3A_915 = vector.shape_cast %swap3A_914 : vector<1x16xf32> to vector<1x16xf32>
      %swap3A_916 = vector.shape_cast %reshape3A_911 : vector<1x16xf32> to vector<1x16xf32>
      tpu.vector_store %arg10[%swap3A_912, %swap3A_913], %swap3A_916 {strides = array<i32>} : memref<64x768xf32, #tpu.memory_space<vmem>>, vector<1x16xf32>,
      %get3A_917 = arith.index_cast %scan3A_54 : i32 to index
      %get3A_918 = arith.constant 720 : index
      %get3A_919 = tpu.vector_load %arg10[%get3A_917, %get3A_918] {strides = array<i32>} : memref<64x768xf32, #tpu.memory_space<vmem>>, vector<1x16xf32>,
      %get3A_920 = vector.shape_cast %get3A_919 : vector<1x16xf32> to vector<1x16xf32>
      %reshape3A_921 = vector.shape_cast %get3A_920 : vector<1x16xf32> to vector<16xf32>
      %get3A_922 = arith.index_cast %scan3A_54 : i32 to index
      %get3A_923 = arith.constant 720 : index
      %get3A_924 = tpu.vector_load %arg11[%get3A_922, %get3A_923] {strides = array<i32>} : memref<64x768xf32, #tpu.memory_space<vmem>>, vector<1x16xf32>,
      %get3A_925 = vector.shape_cast %get3A_924 : vector<1x16xf32> to vector<1x16xf32>
      %reshape3A_926 = vector.shape_cast %get3A_925 : vector<1x16xf32> to vector<16xf32>
      %mul3A_927 = arith.mulf %reshape3A, %reshape3A_921 : vector<16xf32>
      %mul3A_928 = arith.mulf %reshape3A_62, %reshape3A_926 : vector<16xf32>
      %add3A_929 = arith.addf %mul3A_927, %mul3A_928 : vector<16xf32>
      %reshape3A_930 = vector.shape_cast %add3A_929 : vector<16xf32> to vector<1x16xf32>
      %swap3A_931 = arith.index_cast %scan3A_54 : i32 to index
      %swap3A_932 = arith.constant 720 : index
      %swap3A_933 = tpu.vector_load %arg10[%swap3A_931, %swap3A_932] {strides = array<i32>} : memref<64x768xf32, #tpu.memory_space<vmem>>, vector<1x16xf32>,
      %swap3A_934 = vector.shape_cast %swap3A_933 : vector<1x16xf32> to vector<1x16xf32>
      %swap3A_935 = vector.shape_cast %reshape3A_930 : vector<1x16xf32> to vector<1x16xf32>
      tpu.vector_store %arg10[%swap3A_931, %swap3A_932], %swap3A_935 {strides = array<i32>} : memref<64x768xf32, #tpu.memory_space<vmem>>, vector<1x16xf32>,
      %get3A_936 = arith.index_cast %scan3A_54 : i32 to index
      %get3A_937 = arith.constant 736 : index
      %get3A_938 = tpu.vector_load %arg10[%get3A_936, %get3A_937] {strides = array<i32>} : memref<64x768xf32, #tpu.memory_space<vmem>>, vector<1x16xf32>,
      %get3A_939 = vector.shape_cast %get3A_938 : vector<1x16xf32> to vector<1x16xf32>
      %reshape3A_940 = vector.shape_cast %get3A_939 : vector<1x16xf32> to vector<16xf32>
      %get3A_941 = arith.index_cast %scan3A_54 : i32 to index
      %get3A_942 = arith.constant 736 : index
      %get3A_943 = tpu.vector_load %arg11[%get3A_941, %get3A_942] {strides = array<i32>} : memref<64x768xf32, #tpu.memory_space<vmem>>, vector<1x16xf32>,
      %get3A_944 = vector.shape_cast %get3A_943 : vector<1x16xf32> to vector<1x16xf32>
      %reshape3A_945 = vector.shape_cast %get3A_944 : vector<1x16xf32> to vector<16xf32>
      %mul3A_946 = arith.mulf %reshape3A, %reshape3A_940 : vector<16xf32>
      %mul3A_947 = arith.mulf %reshape3A_62, %reshape3A_945 : vector<16xf32>
      %add3A_948 = arith.addf %mul3A_946, %mul3A_947 : vector<16xf32>
      %reshape3A_949 = vector.shape_cast %add3A_948 : vector<16xf32> to vector<1x16xf32>
      %swap3A_950 = arith.index_cast %scan3A_54 : i32 to index
      %swap3A_951 = arith.constant 736 : index
      %swap3A_952 = tpu.vector_load %arg10[%swap3A_950, %swap3A_951] {strides = array<i32>} : memref<64x768xf32, #tpu.memory_space<vmem>>, vector<1x16xf32>,
      %swap3A_953 = vector.shape_cast %swap3A_952 : vector<1x16xf32> to vector<1x16xf32>
      %swap3A_954 = vector.shape_cast %reshape3A_949 : vector<1x16xf32> to vector<1x16xf32>
      tpu.vector_store %arg10[%swap3A_950, %swap3A_951], %swap3A_954 {strides = array<i32>} : memref<64x768xf32, #tpu.memory_space<vmem>>, vector<1x16xf32>,
      %get3A_955 = arith.index_cast %scan3A_54 : i32 to index
      %get3A_956 = arith.constant 752 : index
      %get3A_957 = tpu.vector_load %arg10[%get3A_955, %get3A_956] {strides = array<i32>} : memref<64x768xf32, #tpu.memory_space<vmem>>, vector<1x16xf32>,
      %get3A_958 = vector.shape_cast %get3A_957 : vector<1x16xf32> to vector<1x16xf32>
      %reshape3A_959 = vector.shape_cast %get3A_958 : vector<1x16xf32> to vector<16xf32>
      %get3A_960 = arith.index_cast %scan3A_54 : i32 to index
      %get3A_961 = arith.constant 752 : index
      %get3A_962 = tpu.vector_load %arg11[%get3A_960, %get3A_961] {strides = array<i32>} : memref<64x768xf32, #tpu.memory_space<vmem>>, vector<1x16xf32>,
      %get3A_963 = vector.shape_cast %get3A_962 : vector<1x16xf32> to vector<1x16xf32>
      %reshape3A_964 = vector.shape_cast %get3A_963 : vector<1x16xf32> to vector<16xf32>
      %mul3A_965 = arith.mulf %reshape3A, %reshape3A_959 : vector<16xf32>
      %mul3A_966 = arith.mulf %reshape3A_62, %reshape3A_964 : vector<16xf32>
      %add3A_967 = arith.addf %mul3A_965, %mul3A_966 : vector<16xf32>
      %reshape3A_968 = vector.shape_cast %add3A_967 : vector<16xf32> to vector<1x16xf32>
      %swap3A_969 = arith.index_cast %scan3A_54 : i32 to index
      %swap3A_970 = arith.constant 752 : index
      %swap3A_971 = tpu.vector_load %arg10[%swap3A_969, %swap3A_970] {strides = array<i32>} : memref<64x768xf32, #tpu.memory_space<vmem>>, vector<1x16xf32>,
      %swap3A_972 = vector.shape_cast %swap3A_971 : vector<1x16xf32> to vector<1x16xf32>
      %swap3A_973 = vector.shape_cast %reshape3A_968 : vector<1x16xf32> to vector<1x16xf32>
      tpu.vector_store %arg10[%swap3A_969, %swap3A_970], %swap3A_973 {strides = array<i32>} : memref<64x768xf32, #tpu.memory_space<vmem>>, vector<1x16xf32>,
    }
    %scan3A_53 = arith.constant 64 : i32
    "tpu.region"() ({
      %run_scoped3A = tpu.sem_alloc : memref<!tpu.dma_semaphore, #tpu.memory_space<semaphore_mem>>
      %dma_start3A_54 = arith.constant 0 : i32
      %dma_start3A_55 = tpu.memref_slice %arg5[%mul3A_2, %dma_start3A_54] : memref<2048x768xf32, #tpu.memory_space<hbm>> -> memref<64x768xf32, #tpu.memory_space<hbm>>
      %dma_start3A_56 = arith.constant 0 : i32
      %dma_start3A_57 = tpu.memref_slice %arg5[%mul3A_2, %dma_start3A_56] : memref<2048x768xf32, #tpu.memory_space<hbm>> -> memref<64x768xf32, #tpu.memory_space<hbm>>
      tpu.enqueue_dma source(%arg10 : memref<64x768xf32, #tpu.memory_space<vmem>>) target(%dma_start3A_57 : memref<64x768xf32, #tpu.memory_space<hbm>>) target_semaphore(%run_scoped3A : memref<!tpu.dma_semaphore, #tpu.memory_space<semaphore_mem>>)
      %dma_wait3A_58 = arith.constant 0 : i32
      %dma_wait3A_59 = tpu.memref_slice %arg5[%mul3A_2, %dma_wait3A_58] : memref<2048x768xf32, #tpu.memory_space<hbm>> -> memref<64x768xf32, #tpu.memory_space<hbm>>
      %dma_wait3A_60 = arith.constant 0 : i32
      %dma_wait3A_61 = tpu.memref_slice %arg5[%mul3A_2, %dma_wait3A_60] : memref<2048x768xf32, #tpu.memory_space<hbm>> -> memref<64x768xf32, #tpu.memory_space<hbm>>
      tpu.wait_dma2 semaphore(%run_scoped3A : memref<!tpu.dma_semaphore, #tpu.memory_space<semaphore_mem>>) src(%arg10 : memref<64x768xf32, #tpu.memory_space<vmem>>) dst(%dma_wait3A_61 : memref<64x768xf32, #tpu.memory_space<hbm>>)
      tpu.yield
    }) : () -> ()
    return
  }
}

#map = affine_map<(d0, d1) -> (0, 0)>
module attributes {stable_mosaic.version = 14 : i64} {
  func.func @k(%arg0: i32, %arg1: i32, %arg2: memref<2048x768xf32, #tpu.memory_space<hbm>>, %arg3: memref<32x128xi32, #tpu.memory_space<hbm>>, %arg4: memref<8192x768xf32, #tpu.memory_space<hbm>>, %arg5: memref<2x64xi32, #tpu.memory_space<vmem>>, %arg6: memref<2x64x768xf32, #tpu.memory_space<vmem>>, %arg7: memref<!tpu.dma_semaphore, #tpu.memory_space<semaphore_mem>>, %arg8: memref<!tpu.dma_semaphore, #tpu.memory_space<semaphore_mem>>) attributes {dimension_semantics = [#tpu.dimension_semantics<core_parallel>, #tpu.dimension_semantics<subcore_parallel>], iteration_bounds = array<i64: 2, 16>, scalar_prefetch = 0 : i64, scratch_operands = 4 : i64, tpu.core_type = #tpu.core_type<sc_vector_subcore>, window_params = [{transform_indices = #map}, {transform_indices = #map}, {transform_indices = #map}]} {
    %mul3A = arith.constant 2 : i32
    %mul3A_0 = arith.muli %arg1, %mul3A : i32
    %add3A = arith.addi %mul3A_0, %arg0 : i32
    %jit3A = arith.constant 16 : i32
    %eq3A = arith.constant 0 : i32
    %eq3A_1 = arith.cmpi eq, %jit3A, %eq3A : i32
    %jit3A_2 = arith.constant 1 : i32
    %select_n3A = arith.select %eq3A_1, %jit3A_2, %jit3A : i32
    %rem3A = arith.remsi %add3A, %select_n3A : i32
    %ne3A = arith.constant 0 : i32
    %ne3A_3 = arith.cmpi ne, %rem3A, %ne3A : i32
    %lt3A = arith.constant 0 : i32
    %lt3A_4 = arith.cmpi slt, %rem3A, %lt3A : i32
    %lt3A_5 = arith.constant 0 : i32
    %lt3A_6 = arith.cmpi slt, %select_n3A, %lt3A_5 : i32
    %ne3A_7 = arith.xori %lt3A_4, %lt3A_6 : i1
    %and3A = arith.andi %ne3A_7, %ne3A_3 : i1
    %add3A_8 = arith.addi %rem3A, %select_n3A : i32
    %select_n3A_9 = arith.select %and3A, %add3A_8, %rem3A : i32
    %mul3A_10 = arith.constant 128 : i32
    %mul3A_11 = arith.muli %select_n3A_9, %mul3A_10 : i32
    %run_scoped3A = arith.constant 0 : i32
    "tpu.region"() ({
      %run_scoped3A_113 = tpu.sem_alloc : memref<!tpu.dma_semaphore, #tpu.memory_space<semaphore_mem>>
      %dma_start3A_114 = arith.constant 0 : i32
      %dma_start3A_115 = tpu.memref_slice %arg5[%run_scoped3A, %dma_start3A_114] : memref<2x64xi32, #tpu.memory_space<vmem>> -> memref<1x64xi32, #tpu.memory_space<vmem>>
      %dma_start3A_116 = tpu.memref_squeeze %dma_start3A_115 : memref<1x64xi32, #tpu.memory_space<vmem>> -> memref<64xi32, #tpu.memory_space<vmem>>
      %dma_start3A_117 = arith.constant 0 : i32
      %dma_start3A_118 = tpu.memref_slice %arg3[%add3A, %dma_start3A_117] : memref<32x128xi32, #tpu.memory_space<hbm>> -> memref<1x64xi32, #tpu.memory_space<hbm>>
      %dma_start3A_119 = tpu.memref_squeeze %dma_start3A_118 : memref<1x64xi32, #tpu.memory_space<hbm>> -> memref<64xi32, #tpu.memory_space<hbm>>
      %dma_start3A_120 = arith.constant 0 : i32
      %dma_start3A_121 = tpu.memref_slice %arg5[%run_scoped3A, %dma_start3A_120] : memref<2x64xi32, #tpu.memory_space<vmem>> -> memref<1x64xi32, #tpu.memory_space<vmem>>
      %dma_start3A_122 = tpu.memref_squeeze %dma_start3A_121 : memref<1x64xi32, #tpu.memory_space<vmem>> -> memref<64xi32, #tpu.memory_space<vmem>>
      %dma_start3A_123 = arith.constant 0 : i32
      %dma_start3A_124 = tpu.memref_slice %arg3[%add3A, %dma_start3A_123] : memref<32x128xi32, #tpu.memory_space<hbm>> -> memref<1x64xi32, #tpu.memory_space<hbm>>
      %dma_start3A_125 = tpu.memref_squeeze %dma_start3A_124 : memref<1x64xi32, #tpu.memory_space<hbm>> -> memref<64xi32, #tpu.memory_space<hbm>>
      tpu.enqueue_dma source(%dma_start3A_125 : memref<64xi32, #tpu.memory_space<hbm>>) target(%dma_start3A_122 : memref<64xi32, #tpu.memory_space<vmem>>) target_semaphore(%run_scoped3A_113 : memref<!tpu.dma_semaphore, #tpu.memory_space<semaphore_mem>>)
      %dma_wait3A_126 = arith.constant 0 : i32
      %dma_wait3A_127 = tpu.memref_slice %arg5[%run_scoped3A, %dma_wait3A_126] : memref<2x64xi32, #tpu.memory_space<vmem>> -> memref<1x64xi32, #tpu.memory_space<vmem>>
      %dma_wait3A_128 = tpu.memref_squeeze %dma_wait3A_127 : memref<1x64xi32, #tpu.memory_space<vmem>> -> memref<64xi32, #tpu.memory_space<vmem>>
      %dma_wait3A_129 = arith.constant 0 : i32
      %dma_wait3A_130 = tpu.memref_slice %arg3[%add3A, %dma_wait3A_129] : memref<32x128xi32, #tpu.memory_space<hbm>> -> memref<1x64xi32, #tpu.memory_space<hbm>>
      %dma_wait3A_131 = tpu.memref_squeeze %dma_wait3A_130 : memref<1x64xi32, #tpu.memory_space<hbm>> -> memref<64xi32, #tpu.memory_space<hbm>>
      %dma_wait3A_132 = arith.constant 0 : i32
      %dma_wait3A_133 = tpu.memref_slice %arg5[%run_scoped3A, %dma_wait3A_132] : memref<2x64xi32, #tpu.memory_space<vmem>> -> memref<1x64xi32, #tpu.memory_space<vmem>>
      %dma_wait3A_134 = tpu.memref_squeeze %dma_wait3A_133 : memref<1x64xi32, #tpu.memory_space<vmem>> -> memref<64xi32, #tpu.memory_space<vmem>>
      %dma_wait3A_135 = arith.constant 0 : i32
      %dma_wait3A_136 = tpu.memref_slice %arg3[%add3A, %dma_wait3A_135] : memref<32x128xi32, #tpu.memory_space<hbm>> -> memref<1x64xi32, #tpu.memory_space<hbm>>
      %dma_wait3A_137 = tpu.memref_squeeze %dma_wait3A_136 : memref<1x64xi32, #tpu.memory_space<hbm>> -> memref<64xi32, #tpu.memory_space<hbm>>
      tpu.wait_dma2 semaphore(%run_scoped3A_113 : memref<!tpu.dma_semaphore, #tpu.memory_space<semaphore_mem>>) src(%dma_wait3A_137 : memref<64xi32, #tpu.memory_space<hbm>>) dst(%dma_wait3A_134 : memref<64xi32, #tpu.memory_space<vmem>>)
      tpu.yield
    }) : () -> ()
    %run_scoped3A_12 = arith.constant 1 : i32
    "tpu.region"() ({
      %run_scoped3A_113 = tpu.sem_alloc : memref<!tpu.dma_semaphore, #tpu.memory_space<semaphore_mem>>
      %dma_start3A_114 = arith.constant 0 : i32
      %dma_start3A_115 = tpu.memref_slice %arg5[%run_scoped3A_12, %dma_start3A_114] : memref<2x64xi32, #tpu.memory_space<vmem>> -> memref<1x64xi32, #tpu.memory_space<vmem>>
      %dma_start3A_116 = tpu.memref_squeeze %dma_start3A_115 : memref<1x64xi32, #tpu.memory_space<vmem>> -> memref<64xi32, #tpu.memory_space<vmem>>
      %dma_start3A_117 = arith.constant 64 : i32
      %dma_start3A_118 = tpu.memref_slice %arg3[%add3A, %dma_start3A_117] : memref<32x128xi32, #tpu.memory_space<hbm>> -> memref<1x64xi32, #tpu.memory_space<hbm>>
      %dma_start3A_119 = tpu.memref_squeeze %dma_start3A_118 : memref<1x64xi32, #tpu.memory_space<hbm>> -> memref<64xi32, #tpu.memory_space<hbm>>
      %dma_start3A_120 = arith.constant 0 : i32
      %dma_start3A_121 = tpu.memref_slice %arg5[%run_scoped3A_12, %dma_start3A_120] : memref<2x64xi32, #tpu.memory_space<vmem>> -> memref<1x64xi32, #tpu.memory_space<vmem>>
      %dma_start3A_122 = tpu.memref_squeeze %dma_start3A_121 : memref<1x64xi32, #tpu.memory_space<vmem>> -> memref<64xi32, #tpu.memory_space<vmem>>
      %dma_start3A_123 = arith.constant 64 : i32
      %dma_start3A_124 = tpu.memref_slice %arg3[%add3A, %dma_start3A_123] : memref<32x128xi32, #tpu.memory_space<hbm>> -> memref<1x64xi32, #tpu.memory_space<hbm>>
      %dma_start3A_125 = tpu.memref_squeeze %dma_start3A_124 : memref<1x64xi32, #tpu.memory_space<hbm>> -> memref<64xi32, #tpu.memory_space<hbm>>
      tpu.enqueue_dma source(%dma_start3A_125 : memref<64xi32, #tpu.memory_space<hbm>>) target(%dma_start3A_122 : memref<64xi32, #tpu.memory_space<vmem>>) target_semaphore(%run_scoped3A_113 : memref<!tpu.dma_semaphore, #tpu.memory_space<semaphore_mem>>)
      %dma_wait3A_126 = arith.constant 0 : i32
      %dma_wait3A_127 = tpu.memref_slice %arg5[%run_scoped3A_12, %dma_wait3A_126] : memref<2x64xi32, #tpu.memory_space<vmem>> -> memref<1x64xi32, #tpu.memory_space<vmem>>
      %dma_wait3A_128 = tpu.memref_squeeze %dma_wait3A_127 : memref<1x64xi32, #tpu.memory_space<vmem>> -> memref<64xi32, #tpu.memory_space<vmem>>
      %dma_wait3A_129 = arith.constant 64 : i32
      %dma_wait3A_130 = tpu.memref_slice %arg3[%add3A, %dma_wait3A_129] : memref<32x128xi32, #tpu.memory_space<hbm>> -> memref<1x64xi32, #tpu.memory_space<hbm>>
      %dma_wait3A_131 = tpu.memref_squeeze %dma_wait3A_130 : memref<1x64xi32, #tpu.memory_space<hbm>> -> memref<64xi32, #tpu.memory_space<hbm>>
      %dma_wait3A_132 = arith.constant 0 : i32
      %dma_wait3A_133 = tpu.memref_slice %arg5[%run_scoped3A_12, %dma_wait3A_132] : memref<2x64xi32, #tpu.memory_space<vmem>> -> memref<1x64xi32, #tpu.memory_space<vmem>>
      %dma_wait3A_134 = tpu.memref_squeeze %dma_wait3A_133 : memref<1x64xi32, #tpu.memory_space<vmem>> -> memref<64xi32, #tpu.memory_space<vmem>>
      %dma_wait3A_135 = arith.constant 64 : i32
      %dma_wait3A_136 = tpu.memref_slice %arg3[%add3A, %dma_wait3A_135] : memref<32x128xi32, #tpu.memory_space<hbm>> -> memref<1x64xi32, #tpu.memory_space<hbm>>
      %dma_wait3A_137 = tpu.memref_squeeze %dma_wait3A_136 : memref<1x64xi32, #tpu.memory_space<hbm>> -> memref<64xi32, #tpu.memory_space<hbm>>
      tpu.wait_dma2 semaphore(%run_scoped3A_113 : memref<!tpu.dma_semaphore, #tpu.memory_space<semaphore_mem>>) src(%dma_wait3A_137 : memref<64xi32, #tpu.memory_space<hbm>>) dst(%dma_wait3A_134 : memref<64xi32, #tpu.memory_space<vmem>>)
      tpu.yield
    }) : () -> ()
    %dma_start3A = arith.constant 0 : i32
    %dma_start3A_13 = arith.constant 0 : i32
    %dma_start3A_14 = arith.constant 0 : i32
    %dma_start3A_15 = tpu.memref_slice %arg6[%dma_start3A, %dma_start3A_13, %dma_start3A_14] : memref<2x64x768xf32, #tpu.memory_space<vmem>> -> memref<1x64x768xf32, #tpu.memory_space<vmem>>
    %dma_start3A_16 = tpu.memref_squeeze %dma_start3A_15 : memref<1x64x768xf32, #tpu.memory_space<vmem>> -> memref<64x768xf32, #tpu.memory_space<vmem>>
    %dma_start3A_17 = arith.constant 0 : i32
    %dma_start3A_18 = tpu.memref_slice %arg2[%mul3A_11, %dma_start3A_17] : memref<2048x768xf32, #tpu.memory_space<hbm>> -> memref<64x768xf32, #tpu.memory_space<hbm>>
    %dma_start3A_19 = arith.constant 0 : i32
    %dma_start3A_20 = arith.constant 0 : i32
    %dma_start3A_21 = tpu.memref_slice %arg6[%dma_start3A, %dma_start3A_19, %dma_start3A_20] : memref<2x64x768xf32, #tpu.memory_space<vmem>> -> memref<1x64x768xf32, #tpu.memory_space<vmem>>
    %dma_start3A_22 = tpu.memref_squeeze %dma_start3A_21 : memref<1x64x768xf32, #tpu.memory_space<vmem>> -> memref<64x768xf32, #tpu.memory_space<vmem>>
    %dma_start3A_23 = arith.constant 0 : i32
    %dma_start3A_24 = tpu.memref_slice %arg2[%mul3A_11, %dma_start3A_23] : memref<2048x768xf32, #tpu.memory_space<hbm>> -> memref<64x768xf32, #tpu.memory_space<hbm>>
    tpu.enqueue_dma source(%dma_start3A_24 : memref<64x768xf32, #tpu.memory_space<hbm>>) target(%dma_start3A_22 : memref<64x768xf32, #tpu.memory_space<vmem>>) target_semaphore(%arg7 : memref<!tpu.dma_semaphore, #tpu.memory_space<semaphore_mem>>)
    %add3A_25 = arith.constant 64 : i32
    %add3A_26 = arith.addi %mul3A_11, %add3A_25 : i32
    %dma_start3A_27 = arith.constant 1 : i32
    %dma_start3A_28 = arith.constant 0 : i32
    %dma_start3A_29 = arith.constant 0 : i32
    %dma_start3A_30 = tpu.memref_slice %arg6[%dma_start3A_27, %dma_start3A_28, %dma_start3A_29] : memref<2x64x768xf32, #tpu.memory_space<vmem>> -> memref<1x64x768xf32, #tpu.memory_space<vmem>>
    %dma_start3A_31 = tpu.memref_squeeze %dma_start3A_30 : memref<1x64x768xf32, #tpu.memory_space<vmem>> -> memref<64x768xf32, #tpu.memory_space<vmem>>
    %dma_start3A_32 = arith.constant 0 : i32
    %dma_start3A_33 = tpu.memref_slice %arg2[%add3A_26, %dma_start3A_32] : memref<2048x768xf32, #tpu.memory_space<hbm>> -> memref<64x768xf32, #tpu.memory_space<hbm>>
    %dma_start3A_34 = arith.constant 0 : i32
    %dma_start3A_35 = arith.constant 0 : i32
    %dma_start3A_36 = tpu.memref_slice %arg6[%dma_start3A_27, %dma_start3A_34, %dma_start3A_35] : memref<2x64x768xf32, #tpu.memory_space<vmem>> -> memref<1x64x768xf32, #tpu.memory_space<vmem>>
    %dma_start3A_37 = tpu.memref_squeeze %dma_start3A_36 : memref<1x64x768xf32, #tpu.memory_space<vmem>> -> memref<64x768xf32, #tpu.memory_space<vmem>>
    %dma_start3A_38 = arith.constant 0 : i32
    %dma_start3A_39 = tpu.memref_slice %arg2[%add3A_26, %dma_start3A_38] : memref<2048x768xf32, #tpu.memory_space<hbm>> -> memref<64x768xf32, #tpu.memory_space<hbm>>
    tpu.enqueue_dma source(%dma_start3A_39 : memref<64x768xf32, #tpu.memory_space<hbm>>) target(%dma_start3A_37 : memref<64x768xf32, #tpu.memory_space<vmem>>) target_semaphore(%arg7 : memref<!tpu.dma_semaphore, #tpu.memory_space<semaphore_mem>>)
    %dma_wait3A = arith.constant 0 : i32
    %dma_wait3A_40 = arith.constant 0 : i32
    %dma_wait3A_41 = arith.constant 0 : i32
    %dma_wait3A_42 = tpu.memref_slice %arg6[%dma_wait3A, %dma_wait3A_40, %dma_wait3A_41] : memref<2x64x768xf32, #tpu.memory_space<vmem>> -> memref<1x64x768xf32, #tpu.memory_space<vmem>>
    %dma_wait3A_43 = tpu.memref_squeeze %dma_wait3A_42 : memref<1x64x768xf32, #tpu.memory_space<vmem>> -> memref<64x768xf32, #tpu.memory_space<vmem>>
    %dma_wait3A_44 = arith.constant 0 : i32
    %dma_wait3A_45 = tpu.memref_slice %arg2[%mul3A_11, %dma_wait3A_44] : memref<2048x768xf32, #tpu.memory_space<hbm>> -> memref<64x768xf32, #tpu.memory_space<hbm>>
    %dma_wait3A_46 = arith.constant 0 : i32
    %dma_wait3A_47 = arith.constant 0 : i32
    %dma_wait3A_48 = tpu.memref_slice %arg6[%dma_wait3A, %dma_wait3A_46, %dma_wait3A_47] : memref<2x64x768xf32, #tpu.memory_space<vmem>> -> memref<1x64x768xf32, #tpu.memory_space<vmem>>
    %dma_wait3A_49 = tpu.memref_squeeze %dma_wait3A_48 : memref<1x64x768xf32, #tpu.memory_space<vmem>> -> memref<64x768xf32, #tpu.memory_space<vmem>>
    %dma_wait3A_50 = arith.constant 0 : i32
    %dma_wait3A_51 = tpu.memref_slice %arg2[%mul3A_11, %dma_wait3A_50] : memref<2048x768xf32, #tpu.memory_space<hbm>> -> memref<64x768xf32, #tpu.memory_space<hbm>>
    tpu.wait_dma2 semaphore(%arg7 : memref<!tpu.dma_semaphore, #tpu.memory_space<semaphore_mem>>) src(%dma_wait3A_51 : memref<64x768xf32, #tpu.memory_space<hbm>>) dst(%dma_wait3A_49 : memref<64x768xf32, #tpu.memory_space<vmem>>)
    %dma_start3A_52 = arith.constant 0 : i32
    %dma_start3A_53 = arith.constant 0 : i32
    %dma_start3A_54 = arith.constant 0 : i32
    %dma_start3A_55 = arith.constant 0 : i32
    %dma_start3A_56 = tpu.memref_slice %arg6[%dma_start3A_52, %dma_start3A_54, %dma_start3A_55] : memref<2x64x768xf32, #tpu.memory_space<vmem>> -> memref<1x64x768xf32, #tpu.memory_space<vmem>>
    %dma_start3A_57 = tpu.memref_squeeze %dma_start3A_56 : memref<1x64x768xf32, #tpu.memory_space<vmem>> -> memref<64x768xf32, #tpu.memory_space<vmem>>
    %dma_start3A_58 = arith.constant 0 : i32
    %dma_start3A_59 = tpu.memref_slice %arg5[%dma_start3A_53, %dma_start3A_58] : memref<2x64xi32, #tpu.memory_space<vmem>> -> memref<1x64xi32, #tpu.memory_space<vmem>>
    %dma_start3A_60 = tpu.memref_squeeze %dma_start3A_59 : memref<1x64xi32, #tpu.memory_space<vmem>> -> memref<64xi32, #tpu.memory_space<vmem>>
    %dma_start3A_61 = arith.constant 0 : i32
    %dma_start3A_62 = arith.constant 0 : i32
    %dma_start3A_63 = tpu.memref_slice %arg4[%dma_start3A_61, %dma_start3A_62] : memref<8192x768xf32, #tpu.memory_space<hbm>> -> memref<8192x768xf32, #tpu.memory_space<hbm>>
    tpu.enqueue_indirect_dma source(%dma_start3A_57 : memref<64x768xf32, #tpu.memory_space<vmem>>) target(%dma_start3A_63 : memref<8192x768xf32, #tpu.memory_space<hbm>>) offsets(%dma_start3A_60 : memref<64xi32, #tpu.memory_space<vmem>>) semaphore(%arg8 : memref<!tpu.dma_semaphore, #tpu.memory_space<semaphore_mem>>)
    %dma_wait3A_64 = arith.constant 1 : i32
    %dma_wait3A_65 = arith.constant 0 : i32
    %dma_wait3A_66 = arith.constant 0 : i32
    %dma_wait3A_67 = tpu.memref_slice %arg6[%dma_wait3A_64, %dma_wait3A_65, %dma_wait3A_66] : memref<2x64x768xf32, #tpu.memory_space<vmem>> -> memref<1x64x768xf32, #tpu.memory_space<vmem>>
    %dma_wait3A_68 = tpu.memref_squeeze %dma_wait3A_67 : memref<1x64x768xf32, #tpu.memory_space<vmem>> -> memref<64x768xf32, #tpu.memory_space<vmem>>
    %dma_wait3A_69 = arith.constant 0 : i32
    %dma_wait3A_70 = tpu.memref_slice %arg2[%add3A_26, %dma_wait3A_69] : memref<2048x768xf32, #tpu.memory_space<hbm>> -> memref<64x768xf32, #tpu.memory_space<hbm>>
    %dma_wait3A_71 = arith.constant 0 : i32
    %dma_wait3A_72 = arith.constant 0 : i32
    %dma_wait3A_73 = tpu.memref_slice %arg6[%dma_wait3A_64, %dma_wait3A_71, %dma_wait3A_72] : memref<2x64x768xf32, #tpu.memory_space<vmem>> -> memref<1x64x768xf32, #tpu.memory_space<vmem>>
    %dma_wait3A_74 = tpu.memref_squeeze %dma_wait3A_73 : memref<1x64x768xf32, #tpu.memory_space<vmem>> -> memref<64x768xf32, #tpu.memory_space<vmem>>
    %dma_wait3A_75 = arith.constant 0 : i32
    %dma_wait3A_76 = tpu.memref_slice %arg2[%add3A_26, %dma_wait3A_75] : memref<2048x768xf32, #tpu.memory_space<hbm>> -> memref<64x768xf32, #tpu.memory_space<hbm>>
    tpu.wait_dma2 semaphore(%arg7 : memref<!tpu.dma_semaphore, #tpu.memory_space<semaphore_mem>>) src(%dma_wait3A_76 : memref<64x768xf32, #tpu.memory_space<hbm>>) dst(%dma_wait3A_74 : memref<64x768xf32, #tpu.memory_space<vmem>>)
    %dma_start3A_77 = arith.constant 1 : i32
    %dma_start3A_78 = arith.constant 1 : i32
    %dma_start3A_79 = arith.constant 0 : i32
    %dma_start3A_80 = arith.constant 0 : i32
    %dma_start3A_81 = tpu.memref_slice %arg6[%dma_start3A_77, %dma_start3A_79, %dma_start3A_80] : memref<2x64x768xf32, #tpu.memory_space<vmem>> -> memref<1x64x768xf32, #tpu.memory_space<vmem>>
    %dma_start3A_82 = tpu.memref_squeeze %dma_start3A_81 : memref<1x64x768xf32, #tpu.memory_space<vmem>> -> memref<64x768xf32, #tpu.memory_space<vmem>>
    %dma_start3A_83 = arith.constant 0 : i32
    %dma_start3A_84 = tpu.memref_slice %arg5[%dma_start3A_78, %dma_start3A_83] : memref<2x64xi32, #tpu.memory_space<vmem>> -> memref<1x64xi32, #tpu.memory_space<vmem>>
    %dma_start3A_85 = tpu.memref_squeeze %dma_start3A_84 : memref<1x64xi32, #tpu.memory_space<vmem>> -> memref<64xi32, #tpu.memory_space<vmem>>
    %dma_start3A_86 = arith.constant 0 : i32
    %dma_start3A_87 = arith.constant 0 : i32
    %dma_start3A_88 = tpu.memref_slice %arg4[%dma_start3A_86, %dma_start3A_87] : memref<8192x768xf32, #tpu.memory_space<hbm>> -> memref<8192x768xf32, #tpu.memory_space<hbm>>
    tpu.enqueue_indirect_dma source(%dma_start3A_82 : memref<64x768xf32, #tpu.memory_space<vmem>>) target(%dma_start3A_88 : memref<8192x768xf32, #tpu.memory_space<hbm>>) offsets(%dma_start3A_85 : memref<64xi32, #tpu.memory_space<vmem>>) semaphore(%arg8 : memref<!tpu.dma_semaphore, #tpu.memory_space<semaphore_mem>>)
    %dma_wait3A_89 = arith.constant 0 : i32
    %dma_wait3A_90 = arith.constant 0 : i32
    %dma_wait3A_91 = arith.constant 0 : i32
    %dma_wait3A_92 = arith.constant 0 : i32
    %dma_wait3A_93 = tpu.memref_slice %arg6[%dma_wait3A_89, %dma_wait3A_91, %dma_wait3A_92] : memref<2x64x768xf32, #tpu.memory_space<vmem>> -> memref<1x64x768xf32, #tpu.memory_space<vmem>>
    %dma_wait3A_94 = tpu.memref_squeeze %dma_wait3A_93 : memref<1x64x768xf32, #tpu.memory_space<vmem>> -> memref<64x768xf32, #tpu.memory_space<vmem>>
    %dma_wait3A_95 = arith.constant 0 : i32
    %dma_wait3A_96 = tpu.memref_slice %arg5[%dma_wait3A_90, %dma_wait3A_95] : memref<2x64xi32, #tpu.memory_space<vmem>> -> memref<1x64xi32, #tpu.memory_space<vmem>>
    %dma_wait3A_97 = tpu.memref_squeeze %dma_wait3A_96 : memref<1x64xi32, #tpu.memory_space<vmem>> -> memref<64xi32, #tpu.memory_space<vmem>>
    %dma_wait3A_98 = arith.constant 0 : i32
    %dma_wait3A_99 = arith.constant 0 : i32
    %dma_wait3A_100 = tpu.memref_slice %arg4[%dma_wait3A_98, %dma_wait3A_99] : memref<8192x768xf32, #tpu.memory_space<hbm>> -> memref<8192x768xf32, #tpu.memory_space<hbm>>
    tpu.wait_indirect_dma semaphore(%arg8 : memref<!tpu.dma_semaphore, #tpu.memory_space<semaphore_mem>>) src(%dma_wait3A_94 : memref<64x768xf32, #tpu.memory_space<vmem>>) dst(%dma_wait3A_100 : memref<8192x768xf32, #tpu.memory_space<hbm>>)
    %dma_wait3A_101 = arith.constant 1 : i32
    %dma_wait3A_102 = arith.constant 1 : i32
    %dma_wait3A_103 = arith.constant 0 : i32
    %dma_wait3A_104 = arith.constant 0 : i32
    %dma_wait3A_105 = tpu.memref_slice %arg6[%dma_wait3A_101, %dma_wait3A_103, %dma_wait3A_104] : memref<2x64x768xf32, #tpu.memory_space<vmem>> -> memref<1x64x768xf32, #tpu.memory_space<vmem>>
    %dma_wait3A_106 = tpu.memref_squeeze %dma_wait3A_105 : memref<1x64x768xf32, #tpu.memory_space<vmem>> -> memref<64x768xf32, #tpu.memory_space<vmem>>
    %dma_wait3A_107 = arith.constant 0 : i32
    %dma_wait3A_108 = tpu.memref_slice %arg5[%dma_wait3A_102, %dma_wait3A_107] : memref<2x64xi32, #tpu.memory_space<vmem>> -> memref<1x64xi32, #tpu.memory_space<vmem>>
    %dma_wait3A_109 = tpu.memref_squeeze %dma_wait3A_108 : memref<1x64xi32, #tpu.memory_space<vmem>> -> memref<64xi32, #tpu.memory_space<vmem>>
    %dma_wait3A_110 = arith.constant 0 : i32
    %dma_wait3A_111 = arith.constant 0 : i32
    %dma_wait3A_112 = tpu.memref_slice %arg4[%dma_wait3A_110, %dma_wait3A_111] : memref<8192x768xf32, #tpu.memory_space<hbm>> -> memref<8192x768xf32, #tpu.memory_space<hbm>>
    tpu.wait_indirect_dma semaphore(%arg8 : memref<!tpu.dma_semaphore, #tpu.memory_space<semaphore_mem>>) src(%dma_wait3A_106 : memref<64x768xf32, #tpu.memory_space<vmem>>) dst(%dma_wait3A_112 : memref<8192x768xf32, #tpu.memory_space<hbm>>)
    return
  }
}

module attributes {stable_mosaic.version = 14 : i64} {
  func.func @_expert_body(%arg0: i32, %arg1: memref<64x8xi32, #tpu.memory_space<smem>>, %arg2: memref<512x768xf32, #tpu.memory_space<vmem>>, %arg3: memref<1x1024x768xf32, #tpu.memory_space<vmem>>, %arg4: memref<1x768x1024xf32, #tpu.memory_space<vmem>>, %arg5: memref<1x1024x768xf32, #tpu.memory_space<vmem>>, %arg6: memref<512x768xf32, #tpu.memory_space<vmem>>) attributes {dimension_semantics = [#tpu.dimension_semantics<arbitrary>], iteration_bounds = array<i64: 16>, scalar_prefetch = 1 : i64, scratch_operands = 0 : i64, tpu.core_type = #tpu.core_type<tc>, window_params = [{transform_indices = @transform_0, window_bounds = array<i64: 512, 768>}, {transform_indices = @transform_1, window_bounds = array<i64: 1, 1024, 768>}, {transform_indices = @transform_2, window_bounds = array<i64: 1, 768, 1024>}, {transform_indices = @transform_3, window_bounds = array<i64: 1, 1024, 768>}, {transform_indices = @transform_4, window_bounds = array<i64: 512, 768>}]} {
    %get3A = arith.index_cast %arg0 : i32 to index
    %get3A_0 = arith.constant 2 : index
    %get3A_1 = memref.load %arg1[%get3A, %get3A_0] : memref<64x8xi32, #tpu.memory_space<smem>>
    %eq3A = arith.constant 1 : i32
    %eq3A_2 = arith.cmpi eq, %get3A_1, %eq3A : i32
    %convert_element_type3A = arith.extui %eq3A_2 : i1 to i32
    %cond3A = arith.constant 0 : i32
    %cond3A_3 = arith.cmpi ne, %convert_element_type3A, %cond3A : i32
    scf.if %cond3A_3 {
      %get3A_4 = arith.constant 0 : index
      %get3A_5 = arith.constant 0 : index
      %get3A_6 = vector.load %arg2[%get3A_4, %get3A_5] : memref<512x768xf32, #tpu.memory_space<vmem>>, vector<512x768xf32>
      %get3A_7 = arith.constant 0 : index
      %get3A_8 = arith.constant 0 : index
      %get3A_9 = arith.constant 0 : index
      %get3A_10 = vector.load %arg3[%get3A_7, %get3A_8, %get3A_9] : memref<1x1024x768xf32, #tpu.memory_space<vmem>>, vector<1x1024x768xf32>
      %get3A_11 = vector.shape_cast %get3A_10 : vector<1x1024x768xf32> to vector<1024x768xf32>
      %dot_general3A = arith.constant dense<0.000000e+00> : vector<512x1024xf32>
      %dot_general3A_12 = tpu.matmul %get3A_6, %get3A_11, %dot_general3A {dimension_numbers = #tpu.dot_dimension_numbers<[1], [1], [0], [0], [0, 0, 1, 0], [], []>, transpose_lhs_hint = false} : vector<512x768xf32>, vector<1024x768xf32>, vector<512x1024xf32> -> vector<512x1024xf32>
      %get3A_13 = arith.constant 0 : index
      %get3A_14 = arith.constant 0 : index
      %get3A_15 = arith.constant 0 : index
      %get3A_16 = vector.load %arg5[%get3A_13, %get3A_14, %get3A_15] : memref<1x1024x768xf32, #tpu.memory_space<vmem>>, vector<1x1024x768xf32>
      %get3A_17 = vector.shape_cast %get3A_16 : vector<1x1024x768xf32> to vector<1024x768xf32>
      %dot_general3A_18 = arith.constant dense<0.000000e+00> : vector<512x1024xf32>
      %dot_general3A_19 = tpu.matmul %get3A_6, %get3A_17, %dot_general3A_18 {dimension_numbers = #tpu.dot_dimension_numbers<[1], [1], [0], [0], [0, 0, 1, 0], [], []>, transpose_lhs_hint = false} : vector<512x768xf32>, vector<1024x768xf32>, vector<512x1024xf32> -> vector<512x1024xf32>
      %mul3A = arith.constant 5.000000e-01 : f32
      %mul3A_20 = vector.broadcast %mul3A : f32 to vector<512x1024xf32>
      %mul3A_21 = arith.mulf %mul3A_20, %dot_general3A_12 : vector<512x1024xf32>
      %mul3A_22 = arith.constant 0.707106769 : f32
      %mul3A_23 = vector.broadcast %mul3A_22 : f32 to vector<512x1024xf32>
      %mul3A_24 = arith.mulf %dot_general3A_12, %mul3A_23 : vector<512x1024xf32>
      %erf3A = math.erf %mul3A_24 : vector<512x1024xf32>
      %add3A = arith.constant 1.000000e+00 : f32
      %add3A_25 = vector.broadcast %add3A : f32 to vector<512x1024xf32>
      %add3A_26 = arith.addf %add3A_25, %erf3A : vector<512x1024xf32>
      %mul3A_27 = arith.mulf %mul3A_21, %add3A_26 : vector<512x1024xf32>
      %mul3A_28 = arith.mulf %mul3A_27, %dot_general3A_19 : vector<512x1024xf32>
      %get3A_29 = arith.constant 0 : index
      %get3A_30 = arith.constant 0 : index
      %get3A_31 = arith.constant 0 : index
      %get3A_32 = vector.load %arg4[%get3A_29, %get3A_30, %get3A_31] : memref<1x768x1024xf32, #tpu.memory_space<vmem>>, vector<1x768x1024xf32>
      %get3A_33 = vector.shape_cast %get3A_32 : vector<1x768x1024xf32> to vector<768x1024xf32>
      %dot_general3A_34 = arith.constant dense<0.000000e+00> : vector<512x768xf32>
      %dot_general3A_35 = tpu.matmul %mul3A_28, %get3A_33, %dot_general3A_34 {dimension_numbers = #tpu.dot_dimension_numbers<[1], [1], [0], [0], [0, 0, 1, 0], [], []>, transpose_lhs_hint = false} : vector<512x1024xf32>, vector<768x1024xf32>, vector<512x768xf32> -> vector<512x768xf32>
      %swap3A = arith.constant 0 : index
      %swap3A_36 = arith.constant 0 : index
      %swap3A_37 = vector.load %arg6[%swap3A, %swap3A_36] : memref<512x768xf32, #tpu.memory_space<vmem>>, vector<512x768xf32>
      tpu.vector_store %arg6[%swap3A, %swap3A_36], %dot_general3A_35 {strides = array<i32>} : memref<512x768xf32, #tpu.memory_space<vmem>>, vector<512x768xf32>,
    } else {
    }
    return
  }
  func.func @transform_0(%arg0: i32, %arg1: memref<64x8xi32, #tpu.memory_space<smem>>) -> (i32, i32) {
    %get3A = arith.index_cast %arg0 : i32 to index
    %get3A_0 = arith.constant 0 : index
    %get3A_1 = memref.load %arg1[%get3A, %get3A_0] : memref<64x8xi32, #tpu.memory_space<smem>>
    %c0_i32 = arith.constant 0 : i32
    %c0_i32_2 = arith.constant 0 : i32
    return %get3A_1, %c0_i32 : i32, i32
  }
  func.func @transform_1(%arg0: i32, %arg1: memref<64x8xi32, #tpu.memory_space<smem>>) -> (i32, i32, i32) {
    %get3A = arith.index_cast %arg0 : i32 to index
    %get3A_0 = arith.constant 1 : index
    %get3A_1 = memref.load %arg1[%get3A, %get3A_0] : memref<64x8xi32, #tpu.memory_space<smem>>
    %c0_i32 = arith.constant 0 : i32
    %c0_i32_2 = arith.constant 0 : i32
    %c0_i32_3 = arith.constant 0 : i32
    return %get3A_1, %c0_i32, %c0_i32_2 : i32, i32, i32
  }
  func.func @transform_2(%arg0: i32, %arg1: memref<64x8xi32, #tpu.memory_space<smem>>) -> (i32, i32, i32) {
    %get3A = arith.index_cast %arg0 : i32 to index
    %get3A_0 = arith.constant 1 : index
    %get3A_1 = memref.load %arg1[%get3A, %get3A_0] : memref<64x8xi32, #tpu.memory_space<smem>>
    %c0_i32 = arith.constant 0 : i32
    %c0_i32_2 = arith.constant 0 : i32
    %c0_i32_3 = arith.constant 0 : i32
    return %get3A_1, %c0_i32, %c0_i32_2 : i32, i32, i32
  }
  func.func @transform_3(%arg0: i32, %arg1: memref<64x8xi32, #tpu.memory_space<smem>>) -> (i32, i32, i32) {
    %get3A = arith.index_cast %arg0 : i32 to index
    %get3A_0 = arith.constant 1 : index
    %get3A_1 = memref.load %arg1[%get3A, %get3A_0] : memref<64x8xi32, #tpu.memory_space<smem>>
    %c0_i32 = arith.constant 0 : i32
    %c0_i32_2 = arith.constant 0 : i32
    %c0_i32_3 = arith.constant 0 : i32
    return %get3A_1, %c0_i32, %c0_i32_2 : i32, i32, i32
  }
  func.func @transform_4(%arg0: i32, %arg1: memref<64x8xi32, #tpu.memory_space<smem>>) -> (i32, i32) {
    %get3A = arith.index_cast %arg0 : i32 to index
    %get3A_0 = arith.constant 0 : index
    %get3A_1 = memref.load %arg1[%get3A, %get3A_0] : memref<64x8xi32, #tpu.memory_space<smem>>
    %c0_i32 = arith.constant 0 : i32
    %c0_i32_2 = arith.constant 0 : i32
    return %get3A_1, %c0_i32 : i32, i32
  }
}

module attributes {stable_mosaic.version = 14 : i64} {
  func.func @_router_body(%arg0: memref<2048x768xf32, #tpu.memory_space<vmem>>, %arg1: memref<8x768xf32, #tpu.memory_space<vmem>>, %arg2: memref<1x8xf32, #tpu.memory_space<vmem>>, %arg3: memref<2048x8xi32, #tpu.memory_space<vmem>>, %arg4: memref<4096x16xf32, #tpu.memory_space<vmem>>, %arg5: memref<64x8xi32, #tpu.memory_space<vmem>>) attributes {dimension_semantics = [], scalar_prefetch = 0 : i64, scratch_operands = 0 : i64, tpu.core_type = #tpu.core_type<tc>} {
    %get3A = arith.constant 0 : index
    %get3A_0 = arith.constant 0 : index
    %get3A_1 = vector.load %arg0[%get3A, %get3A_0] : memref<2048x768xf32, #tpu.memory_space<vmem>>, vector<2048x768xf32>
    %get3A_2 = arith.constant 0 : index
    %get3A_3 = arith.constant 0 : index
    %get3A_4 = vector.load %arg1[%get3A_2, %get3A_3] : memref<8x768xf32, #tpu.memory_space<vmem>>, vector<8x768xf32>
    %dot_general3A = arith.constant dense<0.000000e+00> : vector<2048x8xf32>
    %dot_general3A_5 = tpu.matmul %get3A_1, %get3A_4, %dot_general3A {dimension_numbers = #tpu.dot_dimension_numbers<[1], [1], [0], [0], [0, 0, 1, 0], [], []>, transpose_lhs_hint = false} : vector<2048x768xf32>, vector<8x768xf32>, vector<2048x8xf32> -> vector<2048x8xf32>
    %get3A_6 = arith.constant 0 : index
    %get3A_7 = arith.constant 0 : index
    %get3A_8 = vector.load %arg2[%get3A_6, %get3A_7] : memref<1x8xf32, #tpu.memory_space<vmem>>, vector<1x8xf32>
    %add3A = vector.broadcast %get3A_8 : vector<1x8xf32> to vector<2048x8xf32>
    %add3A_9 = arith.addf %dot_general3A_5, %add3A : vector<2048x8xf32>
    %reduce_max3A = arith.constant dense<0xFF800000> : vector<2048xf32>
    %reduce_max3A_10 = vector.multi_reduction <maximumf>, %add3A_9, %reduce_max3A [1] : vector<2048x8xf32> to vector<2048xf32>
    %broadcast_in_dim3A = vector.shape_cast %reduce_max3A_10 : vector<2048xf32> to vector<2048x1xf32>
    %sub3A = vector.broadcast %broadcast_in_dim3A : vector<2048x1xf32> to vector<2048x8xf32>
    %sub3A_11 = arith.subf %add3A_9, %sub3A : vector<2048x8xf32>
    %exp3A = math.exp %sub3A_11 : vector<2048x8xf32>
    %reduce_sum3A = arith.constant dense<0.000000e+00> : vector<2048xf32>
    %reduce_sum3A_12 = vector.multi_reduction <add>, %exp3A, %reduce_sum3A [1] : vector<2048x8xf32> to vector<2048xf32>
    %broadcast_in_dim3A_13 = vector.shape_cast %reduce_sum3A_12 : vector<2048xf32> to vector<2048x1xf32>
    %div3A = vector.broadcast %broadcast_in_dim3A_13 : vector<2048x1xf32> to vector<2048x8xf32>
    %div3A_14 = arith.divf %exp3A, %div3A : vector<2048x8xf32>
    %iota3A = tpu.iota {dimensions = array<i32: 1>} : vector<2048x8xi32>
    %reduce_max3A_15 = arith.constant dense<0xFF800000> : vector<2048xf32>
    %reduce_max3A_16 = vector.multi_reduction <maximumf>, %div3A_14, %reduce_max3A_15 [1] : vector<2048x8xf32> to vector<2048xf32>
    %broadcast_in_dim3A_17 = vector.shape_cast %reduce_max3A_16 : vector<2048xf32> to vector<2048x1xf32>
    %abs3A = math.absf %div3A_14 : vector<2048x8xf32>
    %max3A = vector.broadcast %broadcast_in_dim3A_17 : vector<2048x1xf32> to vector<2048x8xf32>
    %max3A_18 = arith.maximumf %abs3A, %max3A : vector<2048x8xf32>
    %sub3A_19 = vector.broadcast %broadcast_in_dim3A_17 : vector<2048x1xf32> to vector<2048x8xf32>
    %sub3A_20 = arith.subf %sub3A_19, %div3A_14 : vector<2048x8xf32>
    %div3A_21 = arith.divf %sub3A_20, %max3A_18 : vector<2048x8xf32>
    %gt3A = arith.constant 2.000000e-02 : f32
    %gt3A_22 = vector.broadcast %gt3A : f32 to vector<2048x8xf32>
    %gt3A_23 = arith.cmpf ogt, %div3A_21, %gt3A_22 : vector<2048x8xf32>
    %jit3A = arith.constant -1.000000e+30 : f32
    %broadcast_in_dim3A_24 = vector.broadcast %jit3A : f32 to vector<2048x8xf32>
    %select_n3A = arith.select %gt3A_23, %broadcast_in_dim3A_24, %div3A_14 : vector<2048x8xi1>, vector<2048x8xf32>
    %reduce_max3A_25 = arith.constant dense<0xFF800000> : vector<2048xf32>
    %reduce_max3A_26 = vector.multi_reduction <maximumf>, %select_n3A, %reduce_max3A_25 [1] : vector<2048x8xf32> to vector<2048xf32>
    %broadcast_in_dim3A_27 = vector.shape_cast %reduce_max3A_26 : vector<2048xf32> to vector<2048x1xf32>
    %sub3A_28 = vector.broadcast %broadcast_in_dim3A_27 : vector<2048x1xf32> to vector<2048x8xf32>
    %sub3A_29 = arith.subf %select_n3A, %sub3A_28 : vector<2048x8xf32>
    %exp3A_30 = math.exp %sub3A_29 : vector<2048x8xf32>
    %reduce_sum3A_31 = arith.constant dense<0.000000e+00> : vector<2048xf32>
    %reduce_sum3A_32 = vector.multi_reduction <add>, %exp3A_30, %reduce_sum3A_31 [1] : vector<2048x8xf32> to vector<2048xf32>
    %broadcast_in_dim3A_33 = vector.shape_cast %reduce_sum3A_32 : vector<2048xf32> to vector<2048x1xf32>
    %div3A_34 = vector.broadcast %broadcast_in_dim3A_33 : vector<2048x1xf32> to vector<2048x8xf32>
    %div3A_35 = arith.divf %exp3A_30, %div3A_34 : vector<2048x8xf32>
    %reduce_max3A_36 = arith.constant dense<0xFF800000> : vector<2048xf32>
    %reduce_max3A_37 = vector.multi_reduction <maximumf>, %div3A_35, %reduce_max3A_36 [1] : vector<2048x8xf32> to vector<2048xf32>
    %broadcast_in_dim3A_38 = vector.shape_cast %reduce_max3A_37 : vector<2048xf32> to vector<2048x1xf32>
    %eq3A = vector.broadcast %broadcast_in_dim3A_17 : vector<2048x1xf32> to vector<2048x8xf32>
    %eq3A_39 = arith.cmpf oeq, %div3A_14, %eq3A : vector<2048x8xf32>
    %jit3A_40 = arith.constant 8 : i32
    %broadcast_in_dim3A_41 = vector.broadcast %jit3A_40 : i32 to vector<2048x8xi32>
    %select_n3A_42 = arith.select %eq3A_39, %iota3A, %broadcast_in_dim3A_41 : vector<2048x8xi1>, vector<2048x8xi32>
    %reduce_min3A = arith.constant dense<2147483647> : vector<2048xi32>
    %reduce_min3A_43 = vector.multi_reduction <minsi>, %select_n3A_42, %reduce_min3A [1] : vector<2048x8xi32> to vector<2048xi32>
    %broadcast_in_dim3A_44 = vector.shape_cast %reduce_min3A_43 : vector<2048xi32> to vector<2048x1xi32>
    %eq3A_45 = vector.broadcast %broadcast_in_dim3A_44 : vector<2048x1xi32> to vector<2048x8xi32>
    %eq3A_46 = arith.cmpi eq, %iota3A, %eq3A_45 : vector<2048x8xi32>
    %jit3A_47 = arith.constant -1.000000e+30 : f32
    %broadcast_in_dim3A_48 = vector.broadcast %jit3A_47 : f32 to vector<2048x8xf32>
    %select_n3A_49 = arith.select %eq3A_46, %broadcast_in_dim3A_48, %div3A_14 : vector<2048x8xi1>, vector<2048x8xf32>
    %reduce_max3A_50 = arith.constant dense<0xFF800000> : vector<2048xf32>
    %reduce_max3A_51 = vector.multi_reduction <maximumf>, %select_n3A_49, %reduce_max3A_50 [1] : vector<2048x8xf32> to vector<2048xf32>
    %broadcast_in_dim3A_52 = vector.shape_cast %reduce_max3A_51 : vector<2048xf32> to vector<2048x1xf32>
    %abs3A_53 = math.absf %div3A_14 : vector<2048x8xf32>
    %max3A_54 = vector.broadcast %broadcast_in_dim3A_52 : vector<2048x1xf32> to vector<2048x8xf32>
    %max3A_55 = arith.maximumf %abs3A_53, %max3A_54 : vector<2048x8xf32>
    %sub3A_56 = vector.broadcast %broadcast_in_dim3A_52 : vector<2048x1xf32> to vector<2048x8xf32>
    %sub3A_57 = arith.subf %sub3A_56, %div3A_14 : vector<2048x8xf32>
    %div3A_58 = arith.divf %sub3A_57, %max3A_55 : vector<2048x8xf32>
    %gt3A_59 = arith.constant 2.000000e-02 : f32
    %gt3A_60 = vector.broadcast %gt3A_59 : f32 to vector<2048x8xf32>
    %gt3A_61 = arith.cmpf ogt, %div3A_58, %gt3A_60 : vector<2048x8xf32>
    %jit3A_62 = arith.constant -1.000000e+30 : f32
    %broadcast_in_dim3A_63 = vector.broadcast %jit3A_62 : f32 to vector<2048x8xf32>
    %select_n3A_64 = arith.select %gt3A_61, %broadcast_in_dim3A_63, %select_n3A_49 : vector<2048x8xi1>, vector<2048x8xf32>
    %reduce_max3A_65 = arith.constant dense<0xFF800000> : vector<2048xf32>
    %reduce_max3A_66 = vector.multi_reduction <maximumf>, %select_n3A_64, %reduce_max3A_65 [1] : vector<2048x8xf32> to vector<2048xf32>
    %broadcast_in_dim3A_67 = vector.shape_cast %reduce_max3A_66 : vector<2048xf32> to vector<2048x1xf32>
    %sub3A_68 = vector.broadcast %broadcast_in_dim3A_67 : vector<2048x1xf32> to vector<2048x8xf32>
    %sub3A_69 = arith.subf %select_n3A_64, %sub3A_68 : vector<2048x8xf32>
    %exp3A_70 = math.exp %sub3A_69 : vector<2048x8xf32>
    %reduce_sum3A_71 = arith.constant dense<0.000000e+00> : vector<2048xf32>
    %reduce_sum3A_72 = vector.multi_reduction <add>, %exp3A_70, %reduce_sum3A_71 [1] : vector<2048x8xf32> to vector<2048xf32>
    %broadcast_in_dim3A_73 = vector.shape_cast %reduce_sum3A_72 : vector<2048xf32> to vector<2048x1xf32>
    %div3A_74 = vector.broadcast %broadcast_in_dim3A_73 : vector<2048x1xf32> to vector<2048x8xf32>
    %div3A_75 = arith.divf %exp3A_70, %div3A_74 : vector<2048x8xf32>
    %reduce_max3A_76 = arith.constant dense<0xFF800000> : vector<2048xf32>
    %reduce_max3A_77 = vector.multi_reduction <maximumf>, %div3A_75, %reduce_max3A_76 [1] : vector<2048x8xf32> to vector<2048xf32>
    %broadcast_in_dim3A_78 = vector.shape_cast %reduce_max3A_77 : vector<2048xf32> to vector<2048x1xf32>
    %eq3A_79 = vector.broadcast %broadcast_in_dim3A_52 : vector<2048x1xf32> to vector<2048x8xf32>
    %eq3A_80 = arith.cmpf oeq, %select_n3A_49, %eq3A_79 : vector<2048x8xf32>
    %jit3A_81 = arith.constant 8 : i32
    %broadcast_in_dim3A_82 = vector.broadcast %jit3A_81 : i32 to vector<2048x8xi32>
    %select_n3A_83 = arith.select %eq3A_80, %iota3A, %broadcast_in_dim3A_82 : vector<2048x8xi1>, vector<2048x8xi32>
    %reduce_min3A_84 = arith.constant dense<2147483647> : vector<2048xi32>
    %reduce_min3A_85 = vector.multi_reduction <minsi>, %select_n3A_83, %reduce_min3A_84 [1] : vector<2048x8xi32> to vector<2048xi32>
    %broadcast_in_dim3A_86 = vector.shape_cast %reduce_min3A_85 : vector<2048xi32> to vector<2048x1xi32>
    %eq3A_87 = vector.broadcast %broadcast_in_dim3A_44 : vector<2048x1xi32> to vector<2048x8xi32>
    %eq3A_88 = arith.cmpi eq, %iota3A, %eq3A_87 : vector<2048x8xi32>
    %convert_element_type3A = arith.extui %eq3A_88 : vector<2048x8xi1> to vector<2048x8xi32>
    %eq3A_89 = vector.broadcast %broadcast_in_dim3A_86 : vector<2048x1xi32> to vector<2048x8xi32>
    %eq3A_90 = arith.cmpi eq, %iota3A, %eq3A_89 : vector<2048x8xi32>
    %convert_element_type3A_91 = arith.extui %eq3A_90 : vector<2048x8xi1> to vector<2048x8xi32>
    %broadcast_in_dim3A_92 = arith.constant 0 : i32
    %broadcast_in_dim3A_93 = vector.broadcast %broadcast_in_dim3A_92 : i32 to vector<1x8xi32>
    %slice3A = vector.extract_strided_slice %convert_element_type3A {offsets = [0, 0], sizes = [2047, 8], strides = [1, 1]} : vector<2048x8xi32> to vector<2047x8xi32>
    %concatenate3A = tpu.concatenate %broadcast_in_dim3A_93, %slice3A in 0 : vector<1x8xi32>, vector<2047x8xi32> -> vector<2048x8xi32>
    %add3A_94 = arith.addi %convert_element_type3A, %concatenate3A : vector<2048x8xi32>
    %broadcast_in_dim3A_95 = arith.constant 0 : i32
    %broadcast_in_dim3A_96 = vector.broadcast %broadcast_in_dim3A_95 : i32 to vector<2x8xi32>
    %slice3A_97 = vector.extract_strided_slice %add3A_94 {offsets = [0, 0], sizes = [2046, 8], strides = [1, 1]} : vector<2048x8xi32> to vector<2046x8xi32>
    %concatenate3A_98 = tpu.concatenate %broadcast_in_dim3A_96, %slice3A_97 in 0 : vector<2x8xi32>, vector<2046x8xi32> -> vector<2048x8xi32>
    %add3A_99 = arith.addi %add3A_94, %concatenate3A_98 : vector<2048x8xi32>
    %broadcast_in_dim3A_100 = arith.constant 0 : i32
    %broadcast_in_dim3A_101 = vector.broadcast %broadcast_in_dim3A_100 : i32 to vector<4x8xi32>
    %slice3A_102 = vector.extract_strided_slice %add3A_99 {offsets = [0, 0], sizes = [2044, 8], strides = [1, 1]} : vector<2048x8xi32> to vector<2044x8xi32>
    %concatenate3A_103 = tpu.concatenate %broadcast_in_dim3A_101, %slice3A_102 in 0 : vector<4x8xi32>, vector<2044x8xi32> -> vector<2048x8xi32>
    %add3A_104 = arith.addi %add3A_99, %concatenate3A_103 : vector<2048x8xi32>
    %broadcast_in_dim3A_105 = arith.constant 0 : i32
    %broadcast_in_dim3A_106 = vector.broadcast %broadcast_in_dim3A_105 : i32 to vector<8x8xi32>
    %slice3A_107 = vector.extract_strided_slice %add3A_104 {offsets = [0, 0], sizes = [2040, 8], strides = [1, 1]} : vector<2048x8xi32> to vector<2040x8xi32>
    %concatenate3A_108 = tpu.concatenate %broadcast_in_dim3A_106, %slice3A_107 in 0 : vector<8x8xi32>, vector<2040x8xi32> -> vector<2048x8xi32>
    %add3A_109 = arith.addi %add3A_104, %concatenate3A_108 : vector<2048x8xi32>
    %broadcast_in_dim3A_110 = arith.constant 0 : i32
    %broadcast_in_dim3A_111 = vector.broadcast %broadcast_in_dim3A_110 : i32 to vector<16x8xi32>
    %slice3A_112 = vector.extract_strided_slice %add3A_109 {offsets = [0, 0], sizes = [2032, 8], strides = [1, 1]} : vector<2048x8xi32> to vector<2032x8xi32>
    %concatenate3A_113 = tpu.concatenate %broadcast_in_dim3A_111, %slice3A_112 in 0 : vector<16x8xi32>, vector<2032x8xi32> -> vector<2048x8xi32>
    %add3A_114 = arith.addi %add3A_109, %concatenate3A_113 : vector<2048x8xi32>
    %broadcast_in_dim3A_115 = arith.constant 0 : i32
    %broadcast_in_dim3A_116 = vector.broadcast %broadcast_in_dim3A_115 : i32 to vector<32x8xi32>
    %slice3A_117 = vector.extract_strided_slice %add3A_114 {offsets = [0, 0], sizes = [2016, 8], strides = [1, 1]} : vector<2048x8xi32> to vector<2016x8xi32>
    %concatenate3A_118 = tpu.concatenate %broadcast_in_dim3A_116, %slice3A_117 in 0 : vector<32x8xi32>, vector<2016x8xi32> -> vector<2048x8xi32>
    %add3A_119 = arith.addi %add3A_114, %concatenate3A_118 : vector<2048x8xi32>
    %broadcast_in_dim3A_120 = arith.constant 0 : i32
    %broadcast_in_dim3A_121 = vector.broadcast %broadcast_in_dim3A_120 : i32 to vector<64x8xi32>
    %slice3A_122 = vector.extract_strided_slice %add3A_119 {offsets = [0, 0], sizes = [1984, 8], strides = [1, 1]} : vector<2048x8xi32> to vector<1984x8xi32>
    %concatenate3A_123 = tpu.concatenate %broadcast_in_dim3A_121, %slice3A_122 in 0 : vector<64x8xi32>, vector<1984x8xi32> -> vector<2048x8xi32>
    %add3A_124 = arith.addi %add3A_119, %concatenate3A_123 : vector<2048x8xi32>
    %broadcast_in_dim3A_125 = arith.constant 0 : i32
    %broadcast_in_dim3A_126 = vector.broadcast %broadcast_in_dim3A_125 : i32 to vector<128x8xi32>
    %slice3A_127 = vector.extract_strided_slice %add3A_124 {offsets = [0, 0], sizes = [1920, 8], strides = [1, 1]} : vector<2048x8xi32> to vector<1920x8xi32>
    %concatenate3A_128 = tpu.concatenate %broadcast_in_dim3A_126, %slice3A_127 in 0 : vector<128x8xi32>, vector<1920x8xi32> -> vector<2048x8xi32>
    %add3A_129 = arith.addi %add3A_124, %concatenate3A_128 : vector<2048x8xi32>
    %broadcast_in_dim3A_130 = arith.constant 0 : i32
    %broadcast_in_dim3A_131 = vector.broadcast %broadcast_in_dim3A_130 : i32 to vector<256x8xi32>
    %slice3A_132 = vector.extract_strided_slice %add3A_129 {offsets = [0, 0], sizes = [1792, 8], strides = [1, 1]} : vector<2048x8xi32> to vector<1792x8xi32>
    %concatenate3A_133 = tpu.concatenate %broadcast_in_dim3A_131, %slice3A_132 in 0 : vector<256x8xi32>, vector<1792x8xi32> -> vector<2048x8xi32>
    %add3A_134 = arith.addi %add3A_129, %concatenate3A_133 : vector<2048x8xi32>
    %broadcast_in_dim3A_135 = arith.constant 0 : i32
    %broadcast_in_dim3A_136 = vector.broadcast %broadcast_in_dim3A_135 : i32 to vector<512x8xi32>
    %slice3A_137 = vector.extract_strided_slice %add3A_134 {offsets = [0, 0], sizes = [1536, 8], strides = [1, 1]} : vector<2048x8xi32> to vector<1536x8xi32>
    %concatenate3A_138 = tpu.concatenate %broadcast_in_dim3A_136, %slice3A_137 in 0 : vector<512x8xi32>, vector<1536x8xi32> -> vector<2048x8xi32>
    %add3A_139 = arith.addi %add3A_134, %concatenate3A_138 : vector<2048x8xi32>
    %broadcast_in_dim3A_140 = arith.constant 0 : i32
    %broadcast_in_dim3A_141 = vector.broadcast %broadcast_in_dim3A_140 : i32 to vector<1024x8xi32>
    %slice3A_142 = vector.extract_strided_slice %add3A_139 {offsets = [0, 0], sizes = [1024, 8], strides = [1, 1]} : vector<2048x8xi32> to vector<1024x8xi32>
    %concatenate3A_143 = tpu.concatenate %broadcast_in_dim3A_141, %slice3A_142 in 0 : vector<1024x8xi32>, vector<1024x8xi32> -> vector<2048x8xi32>
    %add3A_144 = arith.addi %add3A_139, %concatenate3A_143 : vector<2048x8xi32>
    %broadcast_in_dim3A_145 = arith.constant 0 : i32
    %broadcast_in_dim3A_146 = vector.broadcast %broadcast_in_dim3A_145 : i32 to vector<1x8xi32>
    %slice3A_147 = vector.extract_strided_slice %convert_element_type3A_91 {offsets = [0, 0], sizes = [2047, 8], strides = [1, 1]} : vector<2048x8xi32> to vector<2047x8xi32>
    %concatenate3A_148 = tpu.concatenate %broadcast_in_dim3A_146, %slice3A_147 in 0 : vector<1x8xi32>, vector<2047x8xi32> -> vector<2048x8xi32>
    %add3A_149 = arith.addi %convert_element_type3A_91, %concatenate3A_148 : vector<2048x8xi32>
    %broadcast_in_dim3A_150 = arith.constant 0 : i32
    %broadcast_in_dim3A_151 = vector.broadcast %broadcast_in_dim3A_150 : i32 to vector<2x8xi32>
    %slice3A_152 = vector.extract_strided_slice %add3A_149 {offsets = [0, 0], sizes = [2046, 8], strides = [1, 1]} : vector<2048x8xi32> to vector<2046x8xi32>
    %concatenate3A_153 = tpu.concatenate %broadcast_in_dim3A_151, %slice3A_152 in 0 : vector<2x8xi32>, vector<2046x8xi32> -> vector<2048x8xi32>
    %add3A_154 = arith.addi %add3A_149, %concatenate3A_153 : vector<2048x8xi32>
    %broadcast_in_dim3A_155 = arith.constant 0 : i32
    %broadcast_in_dim3A_156 = vector.broadcast %broadcast_in_dim3A_155 : i32 to vector<4x8xi32>
    %slice3A_157 = vector.extract_strided_slice %add3A_154 {offsets = [0, 0], sizes = [2044, 8], strides = [1, 1]} : vector<2048x8xi32> to vector<2044x8xi32>
    %concatenate3A_158 = tpu.concatenate %broadcast_in_dim3A_156, %slice3A_157 in 0 : vector<4x8xi32>, vector<2044x8xi32> -> vector<2048x8xi32>
    %add3A_159 = arith.addi %add3A_154, %concatenate3A_158 : vector<2048x8xi32>
    %broadcast_in_dim3A_160 = arith.constant 0 : i32
    %broadcast_in_dim3A_161 = vector.broadcast %broadcast_in_dim3A_160 : i32 to vector<8x8xi32>
    %slice3A_162 = vector.extract_strided_slice %add3A_159 {offsets = [0, 0], sizes = [2040, 8], strides = [1, 1]} : vector<2048x8xi32> to vector<2040x8xi32>
    %concatenate3A_163 = tpu.concatenate %broadcast_in_dim3A_161, %slice3A_162 in 0 : vector<8x8xi32>, vector<2040x8xi32> -> vector<2048x8xi32>
    %add3A_164 = arith.addi %add3A_159, %concatenate3A_163 : vector<2048x8xi32>
    %broadcast_in_dim3A_165 = arith.constant 0 : i32
    %broadcast_in_dim3A_166 = vector.broadcast %broadcast_in_dim3A_165 : i32 to vector<16x8xi32>
    %slice3A_167 = vector.extract_strided_slice %add3A_164 {offsets = [0, 0], sizes = [2032, 8], strides = [1, 1]} : vector<2048x8xi32> to vector<2032x8xi32>
    %concatenate3A_168 = tpu.concatenate %broadcast_in_dim3A_166, %slice3A_167 in 0 : vector<16x8xi32>, vector<2032x8xi32> -> vector<2048x8xi32>
    %add3A_169 = arith.addi %add3A_164, %concatenate3A_168 : vector<2048x8xi32>
    %broadcast_in_dim3A_170 = arith.constant 0 : i32
    %broadcast_in_dim3A_171 = vector.broadcast %broadcast_in_dim3A_170 : i32 to vector<32x8xi32>
    %slice3A_172 = vector.extract_strided_slice %add3A_169 {offsets = [0, 0], sizes = [2016, 8], strides = [1, 1]} : vector<2048x8xi32> to vector<2016x8xi32>
    %concatenate3A_173 = tpu.concatenate %broadcast_in_dim3A_171, %slice3A_172 in 0 : vector<32x8xi32>, vector<2016x8xi32> -> vector<2048x8xi32>
    %add3A_174 = arith.addi %add3A_169, %concatenate3A_173 : vector<2048x8xi32>
    %broadcast_in_dim3A_175 = arith.constant 0 : i32
    %broadcast_in_dim3A_176 = vector.broadcast %broadcast_in_dim3A_175 : i32 to vector<64x8xi32>
    %slice3A_177 = vector.extract_strided_slice %add3A_174 {offsets = [0, 0], sizes = [1984, 8], strides = [1, 1]} : vector<2048x8xi32> to vector<1984x8xi32>
    %concatenate3A_178 = tpu.concatenate %broadcast_in_dim3A_176, %slice3A_177 in 0 : vector<64x8xi32>, vector<1984x8xi32> -> vector<2048x8xi32>
    %add3A_179 = arith.addi %add3A_174, %concatenate3A_178 : vector<2048x8xi32>
    %broadcast_in_dim3A_180 = arith.constant 0 : i32
    %broadcast_in_dim3A_181 = vector.broadcast %broadcast_in_dim3A_180 : i32 to vector<128x8xi32>
    %slice3A_182 = vector.extract_strided_slice %add3A_179 {offsets = [0, 0], sizes = [1920, 8], strides = [1, 1]} : vector<2048x8xi32> to vector<1920x8xi32>
    %concatenate3A_183 = tpu.concatenate %broadcast_in_dim3A_181, %slice3A_182 in 0 : vector<128x8xi32>, vector<1920x8xi32> -> vector<2048x8xi32>
    %add3A_184 = arith.addi %add3A_179, %concatenate3A_183 : vector<2048x8xi32>
    %broadcast_in_dim3A_185 = arith.constant 0 : i32
    %broadcast_in_dim3A_186 = vector.broadcast %broadcast_in_dim3A_185 : i32 to vector<256x8xi32>
    %slice3A_187 = vector.extract_strided_slice %add3A_184 {offsets = [0, 0], sizes = [1792, 8], strides = [1, 1]} : vector<2048x8xi32> to vector<1792x8xi32>
    %concatenate3A_188 = tpu.concatenate %broadcast_in_dim3A_186, %slice3A_187 in 0 : vector<256x8xi32>, vector<1792x8xi32> -> vector<2048x8xi32>
    %add3A_189 = arith.addi %add3A_184, %concatenate3A_188 : vector<2048x8xi32>
    %broadcast_in_dim3A_190 = arith.constant 0 : i32
    %broadcast_in_dim3A_191 = vector.broadcast %broadcast_in_dim3A_190 : i32 to vector<512x8xi32>
    %slice3A_192 = vector.extract_strided_slice %add3A_189 {offsets = [0, 0], sizes = [1536, 8], strides = [1, 1]} : vector<2048x8xi32> to vector<1536x8xi32>
    %concatenate3A_193 = tpu.concatenate %broadcast_in_dim3A_191, %slice3A_192 in 0 : vector<512x8xi32>, vector<1536x8xi32> -> vector<2048x8xi32>
    %add3A_194 = arith.addi %add3A_189, %concatenate3A_193 : vector<2048x8xi32>
    %broadcast_in_dim3A_195 = arith.constant 0 : i32
    %broadcast_in_dim3A_196 = vector.broadcast %broadcast_in_dim3A_195 : i32 to vector<1024x8xi32>
    %slice3A_197 = vector.extract_strided_slice %add3A_194 {offsets = [0, 0], sizes = [1024, 8], strides = [1, 1]} : vector<2048x8xi32> to vector<1024x8xi32>
    %concatenate3A_198 = tpu.concatenate %broadcast_in_dim3A_196, %slice3A_197 in 0 : vector<1024x8xi32>, vector<1024x8xi32> -> vector<2048x8xi32>
    %add3A_199 = arith.addi %add3A_194, %concatenate3A_198 : vector<2048x8xi32>
    %slice3A_200 = vector.extract_strided_slice %add3A_144 {offsets = [2047, 0], sizes = [1, 8], strides = [1, 1]} : vector<2048x8xi32> to vector<1x8xi32>
    %slice3A_201 = vector.extract_strided_slice %add3A_199 {offsets = [2047, 0], sizes = [1, 8], strides = [1, 1]} : vector<2048x8xi32> to vector<1x8xi32>
    %add3A_202 = arith.addi %slice3A_200, %slice3A_201 : vector<1x8xi32>
    %add3A_203 = arith.constant 511 : i32
    %add3A_204 = vector.broadcast %add3A_203 : i32 to vector<1x8xi32>
    %add3A_205 = arith.addi %add3A_202, %add3A_204 : vector<1x8xi32>
    %jit3A_206 = arith.constant 512 : i32
    %div3A_207 = vector.broadcast %jit3A_206 : i32 to vector<1x8xi32>
    %div3A_208 = arith.divsi %add3A_205, %div3A_207 : vector<1x8xi32>
    %sign3A = arith.constant 0 : i32
    %sign3A_209 = vector.broadcast %sign3A : i32 to vector<1x8xi32>
    %sign3A_210 = arith.cmpi sgt, %add3A_205, %sign3A_209 : vector<1x8xi32>
    %sign3A_211 = arith.extui %sign3A_210 : vector<1x8xi1> to vector<1x8xi32>
    %sign3A_212 = arith.constant 0 : i32
    %sign3A_213 = vector.broadcast %sign3A_212 : i32 to vector<1x8xi32>
    %sign3A_214 = arith.cmpi slt, %add3A_205, %sign3A_213 : vector<1x8xi32>
    %sign3A_215 = arith.extui %sign3A_214 : vector<1x8xi1> to vector<1x8xi32>
    %sign3A_216 = arith.subi %sign3A_211, %sign3A_215 : vector<1x8xi32>
    %sign3A_217 = arith.constant 0 : i32
    %sign3A_218 = arith.cmpi sgt, %jit3A_206, %sign3A_217 : i32
    %sign3A_219 = arith.extui %sign3A_218 : i1 to i32
    %sign3A_220 = arith.constant 0 : i32
    %sign3A_221 = arith.cmpi slt, %jit3A_206, %sign3A_220 : i32
    %sign3A_222 = arith.extui %sign3A_221 : i1 to i32
    %sign3A_223 = arith.subi %sign3A_219, %sign3A_222 : i32
    %ne3A = vector.broadcast %sign3A_223 : i32 to vector<1x8xi32>
    %ne3A_224 = arith.cmpi ne, %sign3A_216, %ne3A : vector<1x8xi32>
    %rem3A = vector.broadcast %jit3A_206 : i32 to vector<1x8xi32>
    %rem3A_225 = arith.remsi %add3A_205, %rem3A : vector<1x8xi32>
    %ne3A_226 = arith.constant 0 : i32
    %ne3A_227 = vector.broadcast %ne3A_226 : i32 to vector<1x8xi32>
    %ne3A_228 = arith.cmpi ne, %rem3A_225, %ne3A_227 : vector<1x8xi32>
    %and3A = arith.andi %ne3A_224, %ne3A_228 : vector<1x8xi1>
    %sub3A_229 = arith.constant 1 : i32
    %sub3A_230 = vector.broadcast %sub3A_229 : i32 to vector<1x8xi32>
    %sub3A_231 = arith.subi %div3A_208, %sub3A_230 : vector<1x8xi32>
    %select_n3A_232 = arith.select %and3A, %sub3A_231, %div3A_208 : vector<1x8xi1>, vector<1x8xi32>
    %broadcast_in_dim3A_233 = arith.constant 0 : i32
    %broadcast_in_dim3A_234 = vector.broadcast %broadcast_in_dim3A_233 : i32 to vector<1x1xi32>
    %slice3A_235 = vector.extract_strided_slice %select_n3A_232 {offsets = [0, 0], sizes = [1, 7], strides = [1, 1]} : vector<1x8xi32> to vector<1x7xi32>
    %concatenate3A_236 = tpu.concatenate %broadcast_in_dim3A_234, %slice3A_235 in 1 : vector<1x1xi32>, vector<1x7xi32> -> vector<1x8xi32>
    %add3A_237 = arith.addi %select_n3A_232, %concatenate3A_236 : vector<1x8xi32>
    %broadcast_in_dim3A_238 = arith.constant 0 : i32
    %broadcast_in_dim3A_239 = vector.broadcast %broadcast_in_dim3A_238 : i32 to vector<1x2xi32>
    %slice3A_240 = vector.extract_strided_slice %add3A_237 {offsets = [0, 0], sizes = [1, 6], strides = [1, 1]} : vector<1x8xi32> to vector<1x6xi32>
    %concatenate3A_241 = tpu.concatenate %broadcast_in_dim3A_239, %slice3A_240 in 1 : vector<1x2xi32>, vector<1x6xi32> -> vector<1x8xi32>
    %add3A_242 = arith.addi %add3A_237, %concatenate3A_241 : vector<1x8xi32>
    %broadcast_in_dim3A_243 = arith.constant 0 : i32
    %broadcast_in_dim3A_244 = vector.broadcast %broadcast_in_dim3A_243 : i32 to vector<1x4xi32>
    %slice3A_245 = vector.extract_strided_slice %add3A_242 {offsets = [0, 0], sizes = [1, 4], strides = [1, 1]} : vector<1x8xi32> to vector<1x4xi32>
    %concatenate3A_246 = tpu.concatenate %broadcast_in_dim3A_244, %slice3A_245 in 1 : vector<1x4xi32>, vector<1x4xi32> -> vector<1x8xi32>
    %add3A_247 = arith.addi %add3A_242, %concatenate3A_246 : vector<1x8xi32>
    %sub3A_248 = arith.subi %add3A_247, %select_n3A_232 : vector<1x8xi32>
    %mul3A = arith.constant 512 : i32
    %mul3A_249 = vector.broadcast %mul3A : i32 to vector<1x8xi32>
    %mul3A_250 = arith.muli %sub3A_248, %mul3A_249 : vector<1x8xi32>
    %reduce_sum3A_251 = arith.constant dense<0> : vector<1xi32>
    %reduce_sum3A_252 = vector.multi_reduction <add>, %select_n3A_232, %reduce_sum3A_251 [1] : vector<1x8xi32> to vector<1xi32>
    %broadcast_in_dim3A_253 = vector.shape_cast %reduce_sum3A_252 : vector<1xi32> to vector<1x1xi32>
    %add3A_254 = vector.broadcast %mul3A_250 : vector<1x8xi32> to vector<2048x8xi32>
    %add3A_255 = arith.addi %add3A_254, %add3A_144 : vector<2048x8xi32>
    %sub3A_256 = arith.constant 1 : i32
    %sub3A_257 = vector.broadcast %sub3A_256 : i32 to vector<2048x8xi32>
    %sub3A_258 = arith.subi %add3A_255, %sub3A_257 : vector<2048x8xi32>
    %mul3A_259 = arith.muli %convert_element_type3A, %sub3A_258 : vector<2048x8xi32>
    %reduce_sum3A_260 = arith.constant dense<0> : vector<2048xi32>
    %reduce_sum3A_261 = vector.multi_reduction <add>, %mul3A_259, %reduce_sum3A_260 [1] : vector<2048x8xi32> to vector<2048xi32>
    %broadcast_in_dim3A_262 = vector.shape_cast %reduce_sum3A_261 : vector<2048xi32> to vector<2048x1xi32>
    %add3A_263 = arith.addi %mul3A_250, %slice3A_200 : vector<1x8xi32>
    %add3A_264 = vector.broadcast %add3A_263 : vector<1x8xi32> to vector<2048x8xi32>
    %add3A_265 = arith.addi %add3A_264, %add3A_199 : vector<2048x8xi32>
    %sub3A_266 = arith.constant 1 : i32
    %sub3A_267 = vector.broadcast %sub3A_266 : i32 to vector<2048x8xi32>
    %sub3A_268 = arith.subi %add3A_265, %sub3A_267 : vector<2048x8xi32>
    %mul3A_269 = arith.muli %convert_element_type3A_91, %sub3A_268 : vector<2048x8xi32>
    %reduce_sum3A_270 = arith.constant dense<0> : vector<2048xi32>
    %reduce_sum3A_271 = vector.multi_reduction <add>, %mul3A_269, %reduce_sum3A_270 [1] : vector<2048x8xi32> to vector<2048xi32>
    %broadcast_in_dim3A_272 = vector.shape_cast %reduce_sum3A_271 : vector<2048xi32> to vector<2048x1xi32>
    %broadcast_in_dim3A_273 = arith.constant 0 : i32
    %broadcast_in_dim3A_274 = vector.broadcast %broadcast_in_dim3A_273 : i32 to vector<2048x8xi32>
    %swap3A = arith.constant 0 : index
    %swap3A_275 = arith.constant 0 : index
    %swap3A_276 = vector.load %arg3[%swap3A, %swap3A_275] : memref<2048x8xi32, #tpu.memory_space<vmem>>, vector<2048x8xi32>
    tpu.vector_store %arg3[%swap3A, %swap3A_275], %broadcast_in_dim3A_274 {strides = array<i32>} : memref<2048x8xi32, #tpu.memory_space<vmem>>, vector<2048x8xi32>,
    %swap3A_277 = arith.constant 0 : index
    %swap3A_278 = arith.constant 0 : index
    %swap3A_279 = vector.load %arg3[%swap3A_277, %swap3A_278] : memref<2048x8xi32, #tpu.memory_space<vmem>>, vector<2048x1xi32>
    tpu.vector_store %arg3[%swap3A_277, %swap3A_278], %broadcast_in_dim3A_262 {strides = array<i32>} : memref<2048x8xi32, #tpu.memory_space<vmem>>, vector<2048x1xi32>,
    %swap3A_280 = arith.constant 0 : index
    %swap3A_281 = arith.constant 1 : index
    %swap3A_282 = vector.load %arg3[%swap3A_280, %swap3A_281] : memref<2048x8xi32, #tpu.memory_space<vmem>>, vector<2048x1xi32>
    tpu.vector_store %arg3[%swap3A_280, %swap3A_281], %broadcast_in_dim3A_272 {strides = array<i32>} : memref<2048x8xi32, #tpu.memory_space<vmem>>, vector<2048x1xi32>,
    %broadcast_in_dim3A_283 = vector.shape_cast %broadcast_in_dim3A_38 : vector<2048x1xf32> to vector<2048x1xf32>
    %broadcast_in_dim3A_284 = vector.broadcast %broadcast_in_dim3A_283 : vector<2048x1xf32> to vector<2048x16xf32>
    %swap3A_285 = arith.constant 0 : index
    %swap3A_286 = arith.constant 0 : index
    %swap3A_287 = vector.load %arg4[%swap3A_285, %swap3A_286] : memref<4096x16xf32, #tpu.memory_space<vmem>>, vector<2048x16xf32>
    tpu.vector_store %arg4[%swap3A_285, %swap3A_286], %broadcast_in_dim3A_284 {strides = array<i32>} : memref<4096x16xf32, #tpu.memory_space<vmem>>, vector<2048x16xf32>,
    %broadcast_in_dim3A_288 = vector.shape_cast %broadcast_in_dim3A_78 : vector<2048x1xf32> to vector<2048x1xf32>
    %broadcast_in_dim3A_289 = vector.broadcast %broadcast_in_dim3A_288 : vector<2048x1xf32> to vector<2048x16xf32>
    %swap3A_290 = arith.constant 2048 : index
    %swap3A_291 = arith.constant 0 : index
    %swap3A_292 = vector.load %arg4[%swap3A_290, %swap3A_291] : memref<4096x16xf32, #tpu.memory_space<vmem>>, vector<2048x16xf32>
    tpu.vector_store %arg4[%swap3A_290, %swap3A_291], %broadcast_in_dim3A_289 {strides = array<i32>} : memref<4096x16xf32, #tpu.memory_space<vmem>>, vector<2048x16xf32>,
    %iota3A_293 = tpu.iota {dimensions = array<i32: 0>} : vector<64x8xi32>
    %iota3A_294 = tpu.iota {dimensions = array<i32: 1>} : vector<64x8xi32>
    %ge3A = vector.broadcast %sub3A_248 : vector<1x8xi32> to vector<64x8xi32>
    %ge3A_295 = arith.cmpi sge, %iota3A_293, %ge3A : vector<64x8xi32>
    %add3A_296 = arith.addi %sub3A_248, %select_n3A_232 : vector<1x8xi32>
    %lt3A = vector.broadcast %add3A_296 : vector<1x8xi32> to vector<64x8xi32>
    %lt3A_297 = arith.cmpi slt, %iota3A_293, %lt3A : vector<64x8xi32>
    %and3A_298 = arith.andi %ge3A_295, %lt3A_297 : vector<64x8xi1>
    %convert_element_type3A_299 = arith.extui %and3A_298 : vector<64x8xi1> to vector<64x8xi32>
    %mul3A_300 = arith.muli %convert_element_type3A_299, %iota3A_294 : vector<64x8xi32>
    %reduce_sum3A_301 = arith.constant dense<0> : vector<64xi32>
    %reduce_sum3A_302 = vector.multi_reduction <add>, %mul3A_300, %reduce_sum3A_301 [1] : vector<64x8xi32> to vector<64xi32>
    %broadcast_in_dim3A_303 = vector.shape_cast %reduce_sum3A_302 : vector<64xi32> to vector<64x1xi32>
    %iota3A_304 = tpu.iota {dimensions = array<i32: 1>} : vector<1x8xi32>
    %gt3A_305 = arith.constant 0 : i32
    %gt3A_306 = vector.broadcast %gt3A_305 : i32 to vector<1x8xi32>
    %gt3A_307 = arith.cmpi sgt, %select_n3A_232, %gt3A_306 : vector<1x8xi32>
    %jit3A_308 = arith.constant 0 : i32
    %broadcast_in_dim3A_309 = vector.broadcast %jit3A_308 : i32 to vector<1x8xi32>
    %select_n3A_310 = arith.select %gt3A_307, %iota3A_304, %broadcast_in_dim3A_309 : vector<1x8xi1>, vector<1x8xi32>
    %reduce_max3A_311 = arith.constant dense<-2147483648> : vector<1xi32>
    %reduce_max3A_312 = vector.multi_reduction <maxsi>, %select_n3A_310, %reduce_max3A_311 [1] : vector<1x8xi32> to vector<1xi32>
    %broadcast_in_dim3A_313 = vector.shape_cast %reduce_max3A_312 : vector<1xi32> to vector<1x1xi32>
    %slice3A_314 = vector.extract_strided_slice %iota3A_293 {offsets = [0, 0], sizes = [64, 1], strides = [1, 1]} : vector<64x8xi32> to vector<64x1xi32>
    %lt3A_315 = vector.broadcast %broadcast_in_dim3A_253 : vector<1x1xi32> to vector<64x1xi32>
    %lt3A_316 = arith.cmpi slt, %slice3A_314, %lt3A_315 : vector<64x1xi32>
    %convert_element_type3A_317 = arith.extui %lt3A_316 : vector<64x1xi1> to vector<64x1xi32>
    %lt3A_318 = vector.broadcast %broadcast_in_dim3A_253 : vector<1x1xi32> to vector<64x1xi32>
    %lt3A_319 = arith.cmpi slt, %slice3A_314, %lt3A_318 : vector<64x1xi32>
    %broadcast_in_dim3A_320 = vector.shape_cast %broadcast_in_dim3A_313 : vector<1x1xi32> to vector<1x1xi32>
    %broadcast_in_dim3A_321 = vector.broadcast %broadcast_in_dim3A_320 : vector<1x1xi32> to vector<64x1xi32>
    %select_n3A_322 = arith.select %lt3A_319, %broadcast_in_dim3A_303, %broadcast_in_dim3A_321 : vector<64x1xi1>, vector<64x1xi32>
    %sub3A_323 = arith.constant 1 : i32
    %sub3A_324 = vector.broadcast %sub3A_323 : i32 to vector<1x1xi32>
    %sub3A_325 = arith.subi %broadcast_in_dim3A_253, %sub3A_324 : vector<1x1xi32>
    %min3A = vector.broadcast %sub3A_325 : vector<1x1xi32> to vector<64x1xi32>
    %min3A_326 = arith.minsi %slice3A_314, %min3A : vector<64x1xi32>
    %broadcast_in_dim3A_327 = arith.constant 0 : i32
    %broadcast_in_dim3A_328 = vector.broadcast %broadcast_in_dim3A_327 : i32 to vector<64x8xi32>
    %swap3A_329 = arith.constant 0 : index
    %swap3A_330 = arith.constant 0 : index
    %swap3A_331 = vector.load %arg5[%swap3A_329, %swap3A_330] : memref<64x8xi32, #tpu.memory_space<vmem>>, vector<64x8xi32>
    tpu.vector_store %arg5[%swap3A_329, %swap3A_330], %broadcast_in_dim3A_328 {strides = array<i32>} : memref<64x8xi32, #tpu.memory_space<vmem>>, vector<64x8xi32>,
    %swap3A_332 = arith.constant 0 : index
    %swap3A_333 = arith.constant 0 : index
    %swap3A_334 = vector.load %arg5[%swap3A_332, %swap3A_333] : memref<64x8xi32, #tpu.memory_space<vmem>>, vector<64x1xi32>
    tpu.vector_store %arg5[%swap3A_332, %swap3A_333], %min3A_326 {strides = array<i32>} : memref<64x8xi32, #tpu.memory_space<vmem>>, vector<64x1xi32>,
    %swap3A_335 = arith.constant 0 : index
    %swap3A_336 = arith.constant 1 : index
    %swap3A_337 = vector.load %arg5[%swap3A_335, %swap3A_336] : memref<64x8xi32, #tpu.memory_space<vmem>>, vector<64x1xi32>
    tpu.vector_store %arg5[%swap3A_335, %swap3A_336], %select_n3A_322 {strides = array<i32>} : memref<64x8xi32, #tpu.memory_space<vmem>>, vector<64x1xi32>,
    %swap3A_338 = arith.constant 0 : index
    %swap3A_339 = arith.constant 2 : index
    %swap3A_340 = vector.load %arg5[%swap3A_338, %swap3A_339] : memref<64x8xi32, #tpu.memory_space<vmem>>, vector<64x1xi32>
    tpu.vector_store %arg5[%swap3A_338, %swap3A_339], %convert_element_type3A_317 {strides = array<i32>} : memref<64x8xi32, #tpu.memory_space<vmem>>, vector<64x1xi32>,
    return
  }
}

</mosaic_0001>

<sc_bundles>
// kernel: kernel.6.cloned.1.call-start
scs
__scs_entry_jumppad:
0x0: {  	(pc) =	sbr.rel $0x88, $3  }
0x1: {  	(tag) =	ssettag $0x0;
	lr =	simm.s32 $0x1  }
0x2: {  	[smem:$0x3F9B] =	sst lr;
	_ =	strace $0xD0000000  }
0x3: {  	_ = 	snop  }
0x4: {  	_ = 	snop  }
0x5: {  	_ = 	snop  }
0x6: {  	_ = 	snop  }
0x7: {  	_ = 	snop  }
__scs_overlays_trampoline_lowered:
0x8: {  	[smem:$0x3FAA] =	sst s0  }
0x9: {  	[smem:$0x3FAB] =	sst s1  }
0xa: {  	[smem:$0x3FAC] =	sst s2  }
0xb: {  	[smem:$0x3FAD] =	sst s3  }
0xc: {  	[smem:$0x3FAE] =	sst s4  }
0xd: {  	[smem:$0x3FAF] =	sst s5  }
0xe: {  	[smem:$0x3FB0] =	sst s6  }
0xf: {  	[smem:$0x3FB1] =	sst s7  }
0x10: {  	[smem:$0x3FB2] =	sst s8  }
0x11: {  	[smem:$0x3FB3] =	sst s9;
	s0 =	simm.s32 @!p0 $0x0  }
0x12: {  	s1 =	sld [smem:$0x3F99];
	s0 =	simm.s32 @p0 $0x1  }
0x13: {  	[smem:$0x3FB4] =	sst s0;
	s0 =	simm.s32 @!p1 $0x0  }
0x14: {  	s2 =	sld [smem:$0x3F98];
	s0 =	simm.s32 @p1 $0x1  }
0x15: {  	[smem:$0x3FB5] =	sst s0;
	s0 =	simm.s32 @!p2 $0x0  }
0x16: {  	s3 =	sld [smem:$0x3FDB];
	s0 =	simm.s32 @p2 $0x1  }
0x17: {  	s4 =	simm.s32 $0x1BF5;
	[smem:$0x3FB7] =	sst s0  }
0x18: {  	s0 =	sld [smem:$0x3F9A];
	_ =	swait.ge [sflag:s4], $0x0  }
0x19: {  	s7 =	sld [smem:$0x3F9B]  }
0x1a: {  	s8 =	sadd.s32 $0xFFFFE003, lr  }
0x1b: {  	s9 =	sadd.s32 $0xFFFFFEF7, lr;
	s5 =	simm.s32 $0xFFFFFFFF;
	p2 =	slt.u32 s8, $0xFFFFF086  }
0x1c: {  	p1 =	slt.u32 s9, $0xF7A;
	s5 =	simm.s32 @!p2 $0x0  }
0x1d: {  	s5 =	simm.s32 @p1 $0x1;
	p0 =	seq.s32 s7, s2  }
0x1e: {  	s7 =	smul.u32 @!p0 $0xF7A, s2;
	p2 =	seq.s32 @!p0 s5, $0x0  }
0x1f: {  	s9 =	smul.u32 $0xF7A, s1;
	s8 =	simm.s32 @!p0 $0x1BF5;
	p2 =	por !p2, p0  }
0x20: {  	[sflag:s8] =	ssyncset.s32 @!p0 $0xFFFFF086;
	s6 =	sadd.s32 @!p0 s3, s7;
	s7 =	simm.s32 @!p0 $0x108  }
0x21: {  	s3 =	sadd.s32 s3, s9;
	s6 =	sadd.s32 @!p0 $0x88, s6;
	s7 =	simm.s32 @p2 $0x1082  }
0x22: {  	[simem:s7], [sflag:s8] =	dma.local @!p0 [hbm:s6], $0xF7A  }
0x23: {  	s9 =	sor.u32 $0xD0000000, s2;
	s6 =	simm.s32 $0x108;
	_ =	swait.ge @!p0 [sflag:s8], $0x0  }
0x24: {  	s3 =	sadd.s32 $0x88, s3;
	s6 =	simm.s32 @!p1 $0x1082;
	[sflag:s4] =	ssyncset.s32 $0xFFFFF086  }
0x25: {  	[simem:s6], [sflag:s4] =	dma.local [hbm:s3], $0xF7A  }
0x26: {  	[smem:$0x3F9B] =	sst s1;
	(tag) =	ssettag s2;
	_ =	strace s9  }
0x27: {  	s1 =	sld [smem:$0x3FAB]  }
0x28: {  	s2 =	sld [smem:$0x3FAC]  }
0x29: {  	s4 =	sld [smem:$0x3FAE]  }
0x2a: {  	p0 =	seq.s32 s5, $0x0;
	s5 =	sld [smem:$0x3FAF]  }
0x2b: {  	s6 =	sld [smem:$0x3FB0]  }
0x2c: {  	s7 =	sld [smem:$0x3FB1]  }
0x2d: {  	s3 =	simm.s32 $0x108;
	s8 =	sld [smem:$0x3FB2]  }
0x2e: {  	s3 =	simm.s32 @!p0 $0x1082;
	s9 =	sld [smem:$0x3FB3]  }
0x2f: {  	lr =	sadd.s32 s0, s3;
	s0 =	sld [smem:$0x3FAA]  }
0x30: {  	s3 =	sld [smem:$0x3FAD]  }
0x31: {  	[smem:$0x3FB6] =	sst s10  }
0x32: {  	s10 =	sld [smem:$0x3FB4];
	_ =	sdelay $0x3  }
0x33: {  	p0 =	seq.s32 s10, $0x1;
	s10 =	sld [smem:$0x3FB6];
	_ =	sdelay $0x3  }
0x34: {  	[smem:$0x3FB6] =	sst s10  }
0x35: {  	s10 =	sld [smem:$0x3FB5];
	_ =	sdelay $0x3  }
0x36: {  	p1 =	seq.s32 s10, $0x1;
	s10 =	sld [smem:$0x3FB6];
	_ =	sdelay $0x3  }
0x37: {  	[smem:$0x3FB6] =	sst s10  }
0x38: {  	s10 =	sld [smem:$0x3FB7]  }
0x39: {  	_ = 	snop;
	(pc) =	sbr.ind lr, $3  }
0x3a: {  	_ = 	snop  }
0x3b: {  	_ = 	snop  }
0x3c: {  	p2 =	seq.s32 s10, $0x1;
	s10 =	sld [smem:$0x3FB6]  }
0x3d: {  	_ =	shalt  }
0x3e: {  	_ =	shalt  }
0x3f: {  	_ =	shalt  }
0x40: {  	_ =	shalt  }
0x41: {  	_ =	shalt  }
0x42: {  	_ =	shalt  }
0x43: {  	_ =	shalt  }
0x44: {  	_ =	shalt  }
0x45: {  	_ =	shalt  }
0x46: {  	_ =	shalt  }
0x47: {  	_ =	shalt  }
0x48: {  	_ =	shalt  }
0x49: {  	_ =	shalt  }
0x4a: {  	_ =	shalt  }
0x4b: {  	_ =	shalt  }
0x4c: {  	_ =	shalt  }
0x4d: {  	_ =	shalt  }
0x4e: {  	_ =	shalt  }
0x4f: {  	_ =	shalt  }
0x50: {  	_ =	shalt  }
0x51: {  	_ =	shalt  }
0x52: {  	_ =	shalt  }
0x53: {  	_ =	shalt  }
0x54: {  	_ =	shalt  }
0x55: {  	_ =	shalt  }
0x56: {  	_ =	shalt  }
0x57: {  	_ =	shalt  }
0x58: {  	_ =	shalt  }
0x59: {  	_ =	shalt  }
0x5a: {  	_ =	shalt  }
0x5b: {  	_ =	shalt  }
0x5c: {  	_ =	shalt  }
0x5d: {  	_ =	shalt  }
0x5e: {  	_ =	shalt  }
0x5f: {  	_ =	shalt  }
0x60: {  	_ =	shalt  }
0x61: {  	_ =	shalt  }
0x62: {  	_ =	shalt  }
0x63: {  	_ =	shalt  }
0x64: {  	_ =	shalt  }
0x65: {  	_ =	shalt  }
0x66: {  	_ =	shalt  }
0x67: {  	_ =	shalt  }
0x68: {  	_ =	shalt  }
0x69: {  	_ =	shalt  }
0x6a: {  	_ =	shalt  }
0x6b: {  	_ =	shalt  }
0x6c: {  	_ =	shalt  }
0x6d: {  	_ =	shalt  }
0x6e: {  	_ =	shalt  }
0x6f: {  	_ =	shalt  }
0x70: {  	_ =	shalt  }
0x71: {  	_ =	shalt  }
0x72: {  	_ =	shalt  }
0x73: {  	_ =	shalt  }
0x74: {  	_ =	shalt  }
0x75: {  	_ =	shalt  }
0x76: {  	_ =	shalt  }
0x77: {  	_ =	shalt  }
0x78: {  	_ =	shalt  }
0x79: {  	_ =	shalt  }
0x7a: {  	_ =	shalt  }
0x7b: {  	_ =	shalt  }
0x7c: {  	_ =	shalt  }
0x7d: {  	_ =	shalt  }
0x7e: {  	_ =	shalt  }
0x7f: {  	_ =	shalt  }
0x80: {  	_ =	shalt  }
0x81: {  	_ =	shalt  }
0x82: {  	_ =	shalt  }
0x83: {  	_ =	shalt  }
0x84: {  	_ =	shalt  }
0x85: {  	_ =	shalt  }
0x86: {  	_ =	shalt  }
0x87: {  	_ =	shalt  }
.Lfunc_end0:
.L_simem_size_0:
called_computation_lowered:
.L_overlay_start_0:
0x88: {  	s2 =	sld [smem:$0x3FD9]  }
0x89: {  	s3 =	sld [smem:$0x3FFE];
	_ =	sdelay $0x1  }
0x8a: {  	s1 =	srdreg.scid  }
0x8b: {  	s0 =	sand.u32 $0x1, s1  }
0x8c: {  	s17 =	sshll.u32 s0, $0xA;
	s2 =	sadd.s32 s3, s2  }
0x8d: {  	s2 =	sadd.s32 s2, s17  }
0x8e: {  	[smem:$0x3FC2] =	sst s2  }
0x8f: {  	_ = 	snop  }
0x90: {  	s2 =	sld [smem:$0x3FC9];
	(tm) =	ssettm $0x1  }
0x91: {  	s18 =	sld [smem:$0x3FFB];
	_ =	sdelay $0x3  }
0x92: {  	_ =	strace s18  }
0x93: {  	s3 =	sld [smem:$0x3FFC];
	_ =	sdelay $0x3  }
0x94: {  	_ =	strace s3  }
0x95: {  	s3 =	sld [smem:$0x3FFD];
	_ =	sdelay $0x3  }
0x96: {  	_ =	strace s3  }
0x97: {  	_ =	strace $0x8FFFFFFF  }
0x98: {  	s19 =	sld [smem:$0x3FDB];
	_ =	sdelay $0x1  }
0x99: {  	s4 =	simm.s32 $_scs_section_size  }
0x9a: {  	s5 =	simm.s32 $_size__tile_overlayer_lowered;
	s6 =	simm.s32 $_tile_overlayer_lowered  }
0x9b: {  	s22 =	simm.s32 $0x1BFF;
	s21 =	sshll.u32 s6, $0x1;
	s3 =	sadd.s32 s4, s19  }
0x9c: {  	s7 =	simm.s32 $0x0;
	s20 =	sshll.u32 s5, $0x1;
	s5 =	sadd.s32 s21, s3  }
0x9d: {  	[timem:s7], [sflag:s22] =	dma.local [hbm:s5], s20  }
0x9e: {  	_ =	swait.ge [sflag:s22], s20  }
0x9f: {  	s4 =	ssub.s32 $0x0, s20;
	[sflag:s22] =	ssyncset.done $0x0  }
0xa0: {  	[sflag:s22] =	ssyncadd.s32 s4;
	_ =	sdelay $0x1  }
0xa1: {  	s23 =	simm.s32 $0x1B8B  }
0xa2: {  	_ =	swait.ge [sflag:s23], $0x1  }
0xa3: {  	[sflag:s23] =	ssyncset.done $0x0  }
0xa4: {  	s25 =	simm.s32 $0x1B8E;
	s24 =	sld [smem:$0x3FFE];
	[sflag:s23] =	ssyncadd.s32 $0xFFFFFFFF  }
0xa5: {  	s26 =	simm.s32 $execute0_lowered;
	[smem:$0x3FD2] =	sst s25  }
0xa6: {  	s5 =	sshll.u32 s26, $0x1;
	_ =	strace $0x80000046;
	[dreg:$0x1] =	wrdreg $0xFFFFFFFF  }
0xa7: {  	s28 =	simm.s32 $_size_execute0_lowered;
	s3 =	sadd.s32 s3, s5;
	[dreg:$0x0] =	wrdreg $0x0  }
0xa8: {  	s5 =	sshll.u32 s28, $0x1;
	[dreg:$0x2] =	wrdreg s3  }
0xa9: {  	[dreg:$0x3] =	wrdreg s5  }
0xaa: {  	[dreg:$0x4] =	wrdreg $0xC0  }
0xab: {  	_ =	task [dreg:s7], $0x5FFFF  }
0xac: {  	[dreg:$0x1] =	wrdreg $0xFFFFFFFF  }
0xad: {  	[dreg:$0x0] =	wrdreg $0x60  }
0xae: {  	[dreg:$0x2] =	wrdreg s2  }
0xaf: {  	[dreg:$0x3] =	wrdreg s24  }
0xb0: {  	[dreg:$0x4] =	wrdreg $0x9  }
0xb1: {  	_ =	task.clear_ibuf [dreg:s7], $0x5FFFF;
	_ =	strace $0x90000046  }
0xb2: {  	s29 =	simm.s32 $0x9;
	_ =	strace $0x80000048  }
0xb3: {  	_ =	swait.ge [sflag:s29], $0x1  }
0xb4: {  	[sflag:s29] =	ssyncadd.s32 $0xFFFFFFFF  }
0xb5: {  	_ =	strace $0x90000048  }
0xb6: {  	_ =	sfence  }
0xb7: {  	s30 =	sld [smem:$0x0];
	_ =	sdelay $0x2  }
0xb8: {  	s31 =	sshll.u32 s1, $0xD;
	s1 =	sshrl.u32 s1, $0x2  }
0xb9: {  	s3 =	sand.u32 $0x4000, s31;
	s1 =	sadd.s32 s1, s30  }
0xba: {  	s0 =	sor.u32 s3, s0;
	s1 =	sshll.u32 s1, $0x11  }
0xbb: {  	s0 =	sor.u32 s1, s0  }
0xbc: {  	s0 =	sadd.s32 $0x8F2B, s0  }
0xbd: {  	[sflag:s0] =	ssyncadd.remote.s32 $0x1  }
0xbe: {  	_ =	sfence.sel $0xFFFF  }
0xbf: {  	[dreg:$0x0] =	wrdreg $0xFFFFFFFF;
	(pc) =	sbr.abs _section_cstart, $3  }
0xc0: {  	[dreg:$0x1] =	wrdreg $0xFFFFFFFF  }
0xc1: {  	_ =	task.clear_ibuf [dreg:s7], $0x2FFFF;
	_ =	strace $0x9FFFFFFF  }
0xc2: {  	(tm) =	ssettm $0x7FFFFFFF  }
0xc3: {  	_ =	shalt  }
tec
execute0_lowered:
.L_overlay_start_1:
0x0: {  	(tag) =	ssettag $0x1  }
0x1: {  	s1 =	srdreg.scid  }
0x2: {  	s0 =	stileid.u32;
	s4 =	sand.u32 $0x1, s1  }
0x3: {  	s3 =	rddreg [dreg:$0x0];
	s2 =	sshll.u32 s0, $0x5;
	s5 =	sshll.u32 s4, $0x4  }
0x4: {  	s1 =	rddreg [dreg:$0x1];
	s5 =	sor.u32 s5, s2;
	s2 =	simm.s32 $0x0  }
0x5: {  	s22 =	simm.s32 $0x80;
	[smem:$0x7FF] =	sst s2  }
0x6: {  	s23 =	simm.s32 $0x900;
	_ =	strace $0x80000047;
	[dreg:$0x7] =	wrdreg s22  }
0x7: {  	s24 =	simm.s32 $0x1100;
	[dreg:$0x8] =	wrdreg s23  }
0x8: {  	s25 =	simm.s32 $0x1900;
	[dreg:$0x9] =	wrdreg s24  }
0x9: {  	s26 =	simm.s32 $0x2100;
	[dreg:$0xa] =	wrdreg s25  }
0xa: {  	s9 =	simm.s32 $0x5100;
	s0 =	simm.s32 $0x2900;
	[dreg:$0xb] =	wrdreg s26  }
0xb: {  	s10 =	simm.s32 $0x5900;
	s11 =	simm.s32 $0x6100;
	[dreg:$0xc] =	wrdreg s0  }
0xc: {  	s12 =	simm.s32 $0x6900;
	s13 =	simm.s32 $0x7100;
	[dreg:$0x11] =	wrdreg s9  }
0xd: {  	s14 =	simm.s32 $0x7900;
	s15 =	simm.s32 $0x8100;
	[dreg:$0x12] =	wrdreg s10  }
0xe: {  	s16 =	simm.s32 $0x8900;
	s17 =	simm.s32 $0x9100;
	[dreg:$0x13] =	wrdreg s11  }
0xf: {  	s18 =	simm.s32 $0x9900;
	s20 =	simm.s32 $0xA100;
	[dreg:$0x14] =	wrdreg s12  }
0x10: {  	s28 =	simm.s32 $0x16100;
	s29 =	simm.s32 $0x16900;
	[dreg:$0x15] =	wrdreg s13  }
0x11: {  	s30 =	simm.s32 $0x17100;
	s4 =	ssub.s32 $0x2, s4;
	[dreg:$0x16] =	wrdreg s14  }
0x12: {  	s31 =	simm.s32 $0x17900;
	s19 =	sshrl.u32 s4, $0x1;
	[dreg:$0x17] =	wrdreg s15  }
0x13: {  	s6 =	sand.u32 $0xF0, s5;
	s5 =	sadd.s32 s5, s1;
	[dreg:$0x18] =	wrdreg s16  }
0x14: {  	s7 =	smul.u32 $0x1800, s6;
	s8 =	sadd.s32 $0x10A00, s5;
	[dreg:$0x19] =	wrdreg s17  }
0x15: {  	s6 =	smul.u32 $0x300, s6;
	s5 =	sadd.s32 $0x10A08, s5;
	[dreg:$0x1a] =	wrdreg s18  }
0x16: {  	[dreg:$0x1b] =	wrdreg s20;
	s22 =	simm.s32 $0xB100;
	s23 =	simm.s32 $0xB900  }
0x17: {  	s24 =	simm.s32 $0xC900;
	s25 =	simm.s32 $0xD100;
	s26 =	simm.s32 $0xD900  }
0x18: {  	s9 =	simm.s32 $0xC100;
	s10 =	simm.s32 $0x1;
	[dreg:$0x3] =	wrdreg s8  }
0x19: {  	s12 =	simm.s32 $0xE900;
	s13 =	simm.s32 $0xF100;
	[dreg:$0x4] =	wrdreg s5  }
0x1a: {  	s14 =	simm.s32 $0xF900;
	s15 =	simm.s32 $0x10100;
	[dreg:$0x1d] =	wrdreg s22  }
0x1b: {  	s16 =	simm.s32 $0x10900;
	s17 =	simm.s32 $0x11100;
	[dreg:$0x1e] =	wrdreg s23  }
0x1c: {  	s18 =	simm.s32 $0x11900;
	s20 =	simm.s32 $0x12900;
	[dreg:$0x1f] =	wrdreg s24  }
0x1d: {  	s5 =	simm.s32 $0x3100;
	s8 =	simm.s32 $0x4900;
	[smem:$0x7FC] =	sst s25  }
0x1e: {  	[smem:$0x7FD] =	sst s26;
	s22 =	simm.s32 $0x13900;
	s23 =	simm.s32 $0x14100  }
0x1f: {  	s24 =	simm.s32 $0x14900;
	s25 =	simm.s32 $0x15100;
	s26 =	simm.s32 $0x15900  }
0x20: {  	s7 =	sshrl.u32 s7, $0x3;
	s21 =	sadd.s32 s3, s6;
	[dreg:$0xd] =	wrdreg s5  }
0x21: {  	s6 =	simm.s32 $0x3900;
	[dreg:$0x10] =	wrdreg s8;
	s5 =	sadd.s32 $0x10E00, s1  }
0x22: {  	s8 =	simm.s32 $0x100;
	s3 =	sadd.s32 s3, s7;
	[dreg:$0x5] =	wrdreg s21  }
0x23: {  	[dreg:$0xe] =	wrdreg s6;
	s7 =	simm.s32 $0x4100;
	s6 =	ssub.s32 s4, s19  }
0x24: {  	s21 =	simm.s32 $0xA900;
	s4 =	sadd.s32 $0x10D00, s1;
	[dreg:$0xf] =	wrdreg s7  }
0x25: {  	v2 =	vlaneseq.u32;
	s19 =	simm.s32 $0x12100;
	s3 =	sadd.s32 $0x1800, s3;
	[dreg:$0x1c] =	wrdreg s21  }
0x26: {  	vm0 =	vmmov $0xffff;
	v1 =	vshrl.u32 v2, $0x3;
	s6 =	smax.u32 s6, $0x1;
	s7 =	simm.s32 $0x3;
	s21 =	simm.s32 $0x13100  }
0x27: {  	v0 =	vand.u32 $0x7, v2;
	v2 =	vor.u32 $0x8, v2;
	v1 =	vmul.u32 $0x8, v1;
	[dreg:$0x6] =	wrdreg s3;
	s3 =	sadd.s32 $0x10C00, s1;
	s1 =	simm.s32 $0x2  }
.LBB2_1:
0x28: {  	s0 =	rddreg [dreg:$0x3]  }
0x29: {  	[tilespmem:s2], [sflag:$0x3] =	stream.linear.gather [hbm4b:s0+s2], $0x40, $0x38;
	[tilespmem:$0x18100] =	vst v63  }
0x2a: {  	_ =	swait.ge [sflag:s7], $0x40  }
0x2b: {  	s0 =	rddreg [dreg:$0x4];
	[sflag:s7] =	ssyncset.done $0x0  }
0x2c: {  	s11 =	rddreg [dreg:$0x7];
	[sflag:s7] =	ssyncadd.s32 $0xFFFFFFC0  }
0x2d: {  	[tilespmem:s11], [sflag:$0x3] =	stream.linear.gather [hbm4b:s0+s2], $0x40, $0x38;
	[tilespmem:$0x18100] =	vst v63  }
0x2e: {  	_ =	swait.ge [sflag:s7], $0x40  }
0x2f: {  	[sflag:s7] =	ssyncset.done $0x0  }
0x30: {  	s0 =	rddreg [dreg:$0x5];
	[sflag:s7] =	ssyncadd.s32 $0xFFFFFFC0  }
0x31: {  	[tilespmem:s8], [sflag:$0x1] =	stream.linear.gather [hbm4b:s0+s2], $0xC000, $0x38;
	[tilespmem:$0x18100] =	vst v63  }
0x32: {  	s11 =	rddreg [dreg:$0x6]  }
0x33: {  	[tilespmem:s9], [sflag:$0x1] =	stream.linear.gather [hbm4b:s11+s2], $0xC000, $0x38;
	[tilespmem:$0x18100] =	vst v63  }
0x34: {  	_ =	swait.ge [sflag:s10], $0xC000  }
0x35: {  	[sflag:s10] =	ssyncset.done $0x0  }
0x36: {  	[sflag:s10] =	ssyncadd.s32 $0xFFFF4000  }
0x37: {  	v3 =	vld [tilespmem:$0x0];
	_ =	sdelay $0x4  }
0x38: {  	v4 =	vshrl.u32 v3, $0x3  }
0x39: {  	v4 =	vmul.u32 $0x30, v4  }
0x3a: {  	v3 =	vand.u32 $0x7, v3  }
0x3b: {  	v3 =	vor.u32 v3, v4  }
0x3c: {  	v4 =	vperm.xlane v3, v0;
	_ =	sdelay $0x1  }
0x3d: {  	v4 =	vadd.s32 v1, v4;
	_ =	sdelay $0x3  }
0x3e: {  	v3 =	vperm.xlane v3, v2  }
0x3f: {  	[hbm4b:s3+s2] =	stream.indirect_vreg.scatter [tilespmem:s8], [sflag:$0x2], $0x80, v4, vm0, $0xb8;
	[tilespmem:$0x18100] =	vst v63  }
0x40: {  	s0 =	rddreg [dreg:$0x8];
	v3 =	vadd.s32 v1, v3  }
0x41: {  	[hbm4b:s4+s2] =	stream.indirect_vreg.scatter [tilespmem:s0], [sflag:$0x2], $0x80, v4, vm0, $0xb8;
	[tilespmem:$0x18100] =	vst v63  }
0x42: {  	s11 =	rddreg [dreg:$0x9]  }
0x43: {  	[hbm4b:s5+s2] =	stream.indirect_vreg.scatter [tilespmem:s11], [sflag:$0x2], $0x80, v4, vm0, $0xb8;
	[tilespmem:$0x18100] =	vst v63  }
0x44: {  	s0 =	rddreg [dreg:$0xa]  }
0x45: {  	[hbm4b:s3+s2] =	stream.indirect_vreg.scatter [tilespmem:s0], [sflag:$0x2], $0x80, v3, vm0, $0xb8;
	[tilespmem:$0x18100] =	vst v63  }
0x46: {  	s11 =	rddreg [dreg:$0xb]  }
0x47: {  	[hbm4b:s4+s2] =	stream.indirect_vreg.scatter [tilespmem:s11], [sflag:$0x2], $0x80, v3, vm0, $0xb8;
	[tilespmem:$0x18100] =	vst v63  }
0x48: {  	s0 =	rddreg [dreg:$0xc]  }
0x49: {  	[hbm4b:s5+s2] =	stream.indirect_vreg.scatter [tilespmem:s0], [sflag:$0x2], $0x80, v3, vm0, $0xb8;
	[tilespmem:$0x18100] =	vst v63  }
0x4a: {  	v3 =	vld [tilespmem:$0x10];
	_ =	sdelay $0x4  }
0x4b: {  	v57 =	vshrl.u32 v3, $0x3  }
0x4c: {  	v4 =	vmul.u32 $0x30, v57  }
0x4d: {  	v3 =	vand.u32 $0x7, v3  }
0x4e: {  	v3 =	vor.u32 v3, v4  }
0x4f: {  	v4 =	vperm.xlane v3, v0;
	_ =	sdelay $0x1  }
0x50: {  	v4 =	vadd.s32 v1, v4;
	_ =	sdelay $0x3  }
0x51: {  	s0 =	rddreg [dreg:$0xd];
	v3 =	vperm.xlane v3, v2  }
0x52: {  	[hbm4b:s3+s2] =	stream.indirect_vreg.scatter [tilespmem:s0], [sflag:$0x2], $0x80, v4, vm0, $0xb8;
	[tilespmem:$0x18100] =	vst v63  }
0x53: {  	s11 =	rddreg [dreg:$0xe];
	v3 =	vadd.s32 v1, v3  }
0x54: {  	[hbm4b:s4+s2] =	stream.indirect_vreg.scatter [tilespmem:s11], [sflag:$0x2], $0x80, v4, vm0, $0xb8;
	[tilespmem:$0x18100] =	vst v63  }
0x55: {  	s0 =	rddreg [dreg:$0xf]  }
0x56: {  	[hbm4b:s5+s2] =	stream.indirect_vreg.scatter [tilespmem:s0], [sflag:$0x2], $0x80, v4, vm0, $0xb8;
	[tilespmem:$0x18100] =	vst v63  }
0x57: {  	s11 =	rddreg [dreg:$0x10]  }
0x58: {  	[hbm4b:s3+s2] =	stream.indirect_vreg.scatter [tilespmem:s11], [sflag:$0x2], $0x80, v3, vm0, $0xb8;
	[tilespmem:$0x18100] =	vst v63  }
0x59: {  	s0 =	rddreg [dreg:$0x11]  }
0x5a: {  	[hbm4b:s4+s2] =	stream.indirect_vreg.scatter [tilespmem:s0], [sflag:$0x2], $0x80, v3, vm0, $0xb8;
	[tilespmem:$0x18100] =	vst v63  }
0x5b: {  	s11 =	rddreg [dreg:$0x12]  }
0x5c: {  	[hbm4b:s5+s2] =	stream.indirect_vreg.scatter [tilespmem:s11], [sflag:$0x2], $0x80, v3, vm0, $0xb8;
	[tilespmem:$0x18100] =	vst v63  }
0x5d: {  	v3 =	vld [tilespmem:$0x20];
	_ =	sdelay $0x4  }
0x5e: {  	v58 =	vshrl.u32 v3, $0x3  }
0x5f: {  	v4 =	vmul.u32 $0x30, v58  }
0x60: {  	v3 =	vand.u32 $0x7, v3  }
0x61: {  	v3 =	vor.u32 v3, v4  }
0x62: {  	v4 =	vperm.xlane v3, v0;
	_ =	sdelay $0x1  }
0x63: {  	v4 =	vadd.s32 v1, v4;
	_ =	sdelay $0x3  }
0x64: {  	s0 =	rddreg [dreg:$0x13];
	v3 =	vperm.xlane v3, v2  }
0x65: {  	[hbm4b:s3+s2] =	stream.indirect_vreg.scatter [tilespmem:s0], [sflag:$0x2], $0x80, v4, vm0, $0xb8;
	[tilespmem:$0x18100] =	vst v63  }
0x66: {  	s11 =	rddreg [dreg:$0x14];
	v3 =	vadd.s32 v1, v3  }
0x67: {  	[hbm4b:s4+s2] =	stream.indirect_vreg.scatter [tilespmem:s11], [sflag:$0x2], $0x80, v4, vm0, $0xb8;
	[tilespmem:$0x18100] =	vst v63  }
0x68: {  	s0 =	rddreg [dreg:$0x15]  }
0x69: {  	[hbm4b:s5+s2] =	stream.indirect_vreg.scatter [tilespmem:s0], [sflag:$0x2], $0x80, v4, vm0, $0xb8;
	[tilespmem:$0x18100] =	vst v63  }
0x6a: {  	s11 =	rddreg [dreg:$0x16]  }
0x6b: {  	[hbm4b:s3+s2] =	stream.indirect_vreg.scatter [tilespmem:s11], [sflag:$0x2], $0x80, v3, vm0, $0xb8;
	[tilespmem:$0x18100] =	vst v63  }
0x6c: {  	s0 =	rddreg [dreg:$0x17]  }
0x6d: {  	[hbm4b:s4+s2] =	stream.indirect_vreg.scatter [tilespmem:s0], [sflag:$0x2], $0x80, v3, vm0, $0xb8;
	[tilespmem:$0x18100] =	vst v63  }
0x6e: {  	s11 =	rddreg [dreg:$0x18]  }
0x6f: {  	[hbm4b:s5+s2] =	stream.indirect_vreg.scatter [tilespmem:s11], [sflag:$0x2], $0x80, v3, vm0, $0xb8;
	[tilespmem:$0x18100] =	vst v63  }
0x70: {  	v3 =	vld [tilespmem:$0x30];
	_ =	sdelay $0x4  }
0x71: {  	v59 =	vshrl.u32 v3, $0x3  }
0x72: {  	v4 =	vmul.u32 $0x30, v59  }
0x73: {  	v3 =	vand.u32 $0x7, v3  }
0x74: {  	v3 =	vor.u32 v3, v4  }
0x75: {  	v4 =	vperm.xlane v3, v0;
	_ =	sdelay $0x1  }
0x76: {  	v4 =	vadd.s32 v1, v4;
	_ =	sdelay $0x3  }
0x77: {  	s0 =	rddreg [dreg:$0x19];
	v3 =	vperm.xlane v3, v2  }
0x78: {  	[hbm4b:s3+s2] =	stream.indirect_vreg.scatter [tilespmem:s0], [sflag:$0x2], $0x80, v4, vm0, $0xb8;
	[tilespmem:$0x18100] =	vst v63  }
0x79: {  	s11 =	rddreg [dreg:$0x1a];
	v3 =	vadd.s32 v1, v3  }
0x7a: {  	[hbm4b:s4+s2] =	stream.indirect_vreg.scatter [tilespmem:s11], [sflag:$0x2], $0x80, v4, vm0, $0xb8;
	[tilespmem:$0x18100] =	vst v63  }
0x7b: {  	s0 =	rddreg [dreg:$0x1b]  }
0x7c: {  	[hbm4b:s5+s2] =	stream.indirect_vreg.scatter [tilespmem:s0], [sflag:$0x2], $0x80, v4, vm0, $0xb8;
	[tilespmem:$0x18100] =	vst v63  }
0x7d: {  	s11 =	rddreg [dreg:$0x1c]  }
0x7e: {  	[hbm4b:s3+s2] =	stream.indirect_vreg.scatter [tilespmem:s11], [sflag:$0x2], $0x80, v3, vm0, $0xb8;
	[tilespmem:$0x18100] =	vst v63  }
0x7f: {  	s0 =	rddreg [dreg:$0x1d]  }
0x80: {  	[hbm4b:s4+s2] =	stream.indirect_vreg.scatter [tilespmem:s0], [sflag:$0x2], $0x80, v3, vm0, $0xb8;
	[tilespmem:$0x18100] =	vst v63  }
0x81: {  	s11 =	rddreg [dreg:$0x1e]  }
0x82: {  	[hbm4b:s5+s2] =	stream.indirect_vreg.scatter [tilespmem:s11], [sflag:$0x2], $0x80, v3, vm0, $0xb8;
	[tilespmem:$0x18100] =	vst v63  }
0x83: {  	_ =	swait.ge [sflag:s10], $0xC000  }
0x84: {  	[sflag:s10] =	ssyncset.done $0x0  }
0x85: {  	[sflag:s10] =	ssyncadd.s32 $0xFFFF4000  }
0x86: {  	v3 =	vld [tilespmem:$0x80];
	_ =	sdelay $0x4  }
0x87: {  	v60 =	vshrl.u32 v3, $0x3  }
0x88: {  	v4 =	vmul.u32 $0x30, v60  }
0x89: {  	v3 =	vand.u32 $0x7, v3  }
0x8a: {  	v3 =	vor.u32 v3, v4  }
0x8b: {  	v4 =	vperm.xlane v3, v0;
	_ =	sdelay $0x1  }
0x8c: {  	v4 =	vadd.s32 v1, v4;
	_ =	sdelay $0x3  }
0x8d: {  	s0 =	rddreg [dreg:$0x1f];
	v3 =	vperm.xlane v3, v2  }
0x8e: {  	[hbm4b:s3+s2] =	stream.indirect_vreg.scatter [tilespmem:s9], [sflag:$0x2], $0x80, v4, vm0, $0xb8;
	[tilespmem:$0x18100] =	vst v63  }
0x8f: {  	s11 =	sld [smem:$0x7FC];
	v3 =	vadd.s32 v1, v3  }
0x90: {  	[hbm4b:s4+s2] =	stream.indirect_vreg.scatter [tilespmem:s0], [sflag:$0x2], $0x80, v4, vm0, $0xb8;
	[tilespmem:$0x18100] =	vst v63  }
0x91: {  	s0 =	sld [smem:$0x7FD]  }
0x92: {  	[hbm4b:s5+s2] =	stream.indirect_vreg.scatter [tilespmem:s11], [sflag:$0x2], $0x80, v4, vm0, $0xb8;
	[tilespmem:$0x18100] =	vst v63  }
0x93: {  	_ = 	snop  }
0x94: {  	[hbm4b:s3+s2] =	stream.indirect_vreg.scatter [tilespmem:s0], [sflag:$0x2], $0x80, v3, vm0, $0xb8;
	[tilespmem:$0x18100] =	vst v63  }
0x95: {  	s11 =	simm.s32 $0xE100  }
0x96: {  	[hbm4b:s4+s2] =	stream.indirect_vreg.scatter [tilespmem:s11], [sflag:$0x2], $0x80, v3, vm0, $0xb8;
	[tilespmem:$0x18100] =	vst v63  }
0x97: {  	_ = 	snop  }
0x98: {  	[hbm4b:s5+s2] =	stream.indirect_vreg.scatter [tilespmem:s12], [sflag:$0x2], $0x80, v3, vm0, $0xb8;
	[tilespmem:$0x18100] =	vst v63  }
0x99: {  	v3 =	vld [tilespmem:$0x90];
	_ =	sdelay $0x4  }
0x9a: {  	v61 =	vshrl.u32 v3, $0x3  }
0x9b: {  	v4 =	vmul.u32 $0x30, v61  }
0x9c: {  	v3 =	vand.u32 $0x7, v3  }
0x9d: {  	v3 =	vor.u32 v3, v4  }
0x9e: {  	v4 =	vperm.xlane v3, v0;
	_ =	sdelay $0x1  }
0x9f: {  	v4 =	vadd.s32 v1, v4;
	_ =	sdelay $0x3  }
0xa0: {  	v3 =	vperm.xlane v3, v2  }
0xa1: {  	[hbm4b:s3+s2] =	stream.indirect_vreg.scatter [tilespmem:s13], [sflag:$0x2], $0x80, v4, vm0, $0xb8;
	[tilespmem:$0x18100] =	vst v63  }
0xa2: {  	v3 =	vadd.s32 v1, v3  }
0xa3: {  	[hbm4b:s4+s2] =	stream.indirect_vreg.scatter [tilespmem:s14], [sflag:$0x2], $0x80, v4, vm0, $0xb8;
	[tilespmem:$0x18100] =	vst v63  }
0xa4: {  	_ = 	snop  }
0xa5: {  	[hbm4b:s5+s2] =	stream.indirect_vreg.scatter [tilespmem:s15], [sflag:$0x2], $0x80, v4, vm0, $0xb8;
	[tilespmem:$0x18100] =	vst v63  }
0xa6: {  	_ = 	snop  }
0xa7: {  	[hbm4b:s3+s2] =	stream.indirect_vreg.scatter [tilespmem:s16], [sflag:$0x2], $0x80, v3, vm0, $0xb8;
	[tilespmem:$0x18100] =	vst v63  }
0xa8: {  	_ = 	snop  }
0xa9: {  	[hbm4b:s4+s2] =	stream.indirect_vreg.scatter [tilespmem:s17], [sflag:$0x2], $0x80, v3, vm0, $0xb8;
	[tilespmem:$0x18100] =	vst v63  }
0xaa: {  	_ = 	snop  }
0xab: {  	[hbm4b:s5+s2] =	stream.indirect_vreg.scatter [tilespmem:s18], [sflag:$0x2], $0x80, v3, vm0, $0xb8;
	[tilespmem:$0x18100] =	vst v63  }
0xac: {  	v3 =	vld [tilespmem:$0xA0];
	_ =	sdelay $0x4  }
0xad: {  	v62 =	vshrl.u32 v3, $0x3  }
0xae: {  	v4 =	vmul.u32 $0x30, v62  }
0xaf: {  	v3 =	vand.u32 $0x7, v3  }
0xb0: {  	v3 =	vor.u32 v3, v4  }
0xb1: {  	v4 =	vperm.xlane v3, v0;
	_ =	sdelay $0x1  }
0xb2: {  	v4 =	vadd.s32 v1, v4;
	_ =	sdelay $0x3  }
0xb3: {  	v3 =	vperm.xlane v3, v2  }
0xb4: {  	[hbm4b:s3+s2] =	stream.indirect_vreg.scatter [tilespmem:s19], [sflag:$0x2], $0x80, v4, vm0, $0xb8;
	[tilespmem:$0x18100] =	vst v63  }
0xb5: {  	v3 =	vadd.s32 v1, v3  }
0xb6: {  	[hbm4b:s4+s2] =	stream.indirect_vreg.scatter [tilespmem:s20], [sflag:$0x2], $0x80, v4, vm0, $0xb8;
	[tilespmem:$0x18100] =	vst v63  }
0xb7: {  	_ = 	snop  }
0xb8: {  	[hbm4b:s5+s2] =	stream.indirect_vreg.scatter [tilespmem:s21], [sflag:$0x2], $0x80, v4, vm0, $0xb8;
	[tilespmem:$0x18100] =	vst v63  }
0xb9: {  	_ = 	snop  }
0xba: {  	[hbm4b:s3+s2] =	stream.indirect_vreg.scatter [tilespmem:s22], [sflag:$0x2], $0x80, v3, vm0, $0xb8;
	[tilespmem:$0x18100] =	vst v63  }
0xbb: {  	_ = 	snop  }
0xbc: {  	[hbm4b:s4+s2] =	stream.indirect_vreg.scatter [tilespmem:s23], [sflag:$0x2], $0x80, v3, vm0, $0xb8;
	[tilespmem:$0x18100] =	vst v63  }
0xbd: {  	_ = 	snop  }
0xbe: {  	[hbm4b:s5+s2] =	stream.indirect_vreg.scatter [tilespmem:s24], [sflag:$0x2], $0x80, v3, vm0, $0xb8;
	[tilespmem:$0x18100] =	vst v63  }
0xbf: {  	v3 =	vld [tilespmem:$0xB0];
	_ =	sdelay $0x4  }
0xc0: {  	v63 =	vshrl.u32 v3, $0x3  }
0xc1: {  	v4 =	vmul.u32 $0x30, v63  }
0xc2: {  	v3 =	vand.u32 $0x7, v3  }
0xc3: {  	v3 =	vor.u32 v3, v4  }
0xc4: {  	v4 =	vperm.xlane v3, v0;
	_ =	sdelay $0x1  }
0xc5: {  	v4 =	vadd.s32 v1, v4;
	_ =	sdelay $0x3  }
0xc6: {  	v3 =	vperm.xlane v3, v2  }
0xc7: {  	[hbm4b:s3+s2] =	stream.indirect_vreg.scatter [tilespmem:s25], [sflag:$0x2], $0x80, v4, vm0, $0xb8;
	[tilespmem:$0x18100] =	vst v63  }
0xc8: {  	v3 =	vadd.s32 v1, v3  }
0xc9: {  	[hbm4b:s4+s2] =	stream.indirect_vreg.scatter [tilespmem:s26], [sflag:$0x2], $0x80, v4, vm0, $0xb8;
	[tilespmem:$0x18100] =	vst v63  }
0xca: {  	_ = 	snop  }
0xcb: {  	[hbm4b:s5+s2] =	stream.indirect_vreg.scatter [tilespmem:s28], [sflag:$0x2], $0x80, v4, vm0, $0xb8;
	[tilespmem:$0x18100] =	vst v63  }
0xcc: {  	_ = 	snop  }
0xcd: {  	[hbm4b:s3+s2] =	stream.indirect_vreg.scatter [tilespmem:s29], [sflag:$0x2], $0x80, v3, vm0, $0xb8;
	[tilespmem:$0x18100] =	vst v63  }
0xce: {  	_ = 	snop  }
0xcf: {  	[hbm4b:s4+s2] =	stream.indirect_vreg.scatter [tilespmem:s30], [sflag:$0x2], $0x80, v3, vm0, $0xb8;
	[tilespmem:$0x18100] =	vst v63  }
0xd0: {  	_ = 	snop  }
0xd1: {  	[hbm4b:s5+s2] =	stream.indirect_vreg.scatter [tilespmem:s31], [sflag:$0x2], $0x80, v3, vm0, $0xb8;
	[tilespmem:$0x18100] =	vst v63  }
0xd2: {  	p0 =	sne.s32 s6, $0x1;
	_ =	swait.ge [sflag:s1], $0xC000  }
.Ltmp0:
0xd3: {  	[sflag:s1] =	ssyncset.done $0x0;
	(pc) =	sbr.rel @p0 .LBB2_1-.Ltmp0, $4  }
0xd4: {  	[sflag:s1] =	ssyncadd.s32 $0xFFFF4000  }
0xd5: {  	_ =	swait.ge [sflag:s1], $0xC000  }
0xd6: {  	[sflag:s1] =	ssyncset.done $0x0  }
0xd7: {  	s6 =	sadd.s32 $0xFFFFFFFF, s6;
	[sflag:s1] =	ssyncadd.s32 $0xFFFF4000  }
0xd8: {  	_ =	sfence.sel $0x180000  }
0xd9: {  	[bflag:$0x0] =	sbarrier.arrive $0xFFFF  }
0xda: {  	_ =	strace $0x90000047  }
0xdb: {  	s0 =	stileid.u32;
	[bflag:$0x2] =	sbarrier.arrive $0xFFFF  }
0xdc: {  	p0 =	sne.s32 s0, $0x0;
	s0 =	rddreg [dreg:$0x2]  }
0xdd: {  	s0 =	sadd.s32 @!p0 $0x100000, s0  }
0xde: {  	[sflag:s0] =	ssyncadd.tile.s32 @!p0 $0x1;
	_ =	shalt  }
.Lfunc_end2:
_tile_overlayer_lowered:
.L_overlay_start_2:
0xdf: {  	(tag) =	ssettag $0x2  }
0xe0: {  	s0 =	rddreg [dreg:$0x0];
	s2 =	stileid.u32  }
0xe1: {  	s1 =	rddreg [dreg:$0x1];
	p0 =	sne.s32 s2, $0x0  }
0xe2: {  	s3 =	rddreg [dreg:$0x2];
	[bflag:$0x3] =	sbarrier.arrive $0xFFFF;
	s2 =	simm.s32 @!p0 $0x1C03  }
0xe3: {  	[timem:s3], [sflag:s2] =	dma.local @!p0 [hbm:s0], s1  }
0xe4: {  	s0 =	simm.s32 @!p0 $0x3  }
0xe5: {  	_ =	swait.ge @!p0 [sflag:s0], s1  }
0xe6: {  	s1 =	ssub.s32 @!p0 $0x0, s1;
	[sflag:s0] =	ssyncset.done @!p0 $0x0  }
0xe7: {  	[sflag:s0] =	ssyncadd.s32 @!p0 s1  }
0xe8: {  	[bflag:$0x3] =	sbarrier.arrive $0xFFFF  }
0xe9: {  	_ =	shalt  }

// kernel: kernel.9.cloned.1.call-start
scs
__scs_entry_jumppad:
0x0: {  	(pc) =	sbr.rel $0x88, $3  }
0x1: {  	(tag) =	ssettag $0x0;
	lr =	simm.s32 $0x1  }
0x2: {  	[smem:$0x3F9B] =	sst lr;
	_ =	strace $0xD0000000  }
0x3: {  	_ = 	snop  }
0x4: {  	_ = 	snop  }
0x5: {  	_ = 	snop  }
0x6: {  	_ = 	snop  }
0x7: {  	_ = 	snop  }
__scs_overlays_trampoline_lowered:
0x8: {  	[smem:$0x3FAA] =	sst s0  }
0x9: {  	[smem:$0x3FAB] =	sst s1  }
0xa: {  	[smem:$0x3FAC] =	sst s2  }
0xb: {  	[smem:$0x3FAD] =	sst s3  }
0xc: {  	[smem:$0x3FAE] =	sst s4  }
0xd: {  	[smem:$0x3FAF] =	sst s5  }
0xe: {  	[smem:$0x3FB0] =	sst s6  }
0xf: {  	[smem:$0x3FB1] =	sst s7  }
0x10: {  	[smem:$0x3FB2] =	sst s8  }
0x11: {  	[smem:$0x3FB3] =	sst s9;
	s0 =	simm.s32 @!p0 $0x0  }
0x12: {  	s1 =	sld [smem:$0x3F99];
	s0 =	simm.s32 @p0 $0x1  }
0x13: {  	[smem:$0x3FB4] =	sst s0;
	s0 =	simm.s32 @!p1 $0x0  }
0x14: {  	s2 =	sld [smem:$0x3F98];
	s0 =	simm.s32 @p1 $0x1  }
0x15: {  	[smem:$0x3FB5] =	sst s0;
	s0 =	simm.s32 @!p2 $0x0  }
0x16: {  	s3 =	sld [smem:$0x3FDB];
	s0 =	simm.s32 @p2 $0x1  }
0x17: {  	s4 =	simm.s32 $0x1BF5;
	[smem:$0x3FB7] =	sst s0  }
0x18: {  	s0 =	sld [smem:$0x3F9A];
	_ =	swait.ge [sflag:s4], $0x0  }
0x19: {  	s7 =	sld [smem:$0x3F9B]  }
0x1a: {  	s8 =	sadd.s32 $0xFFFFE003, lr  }
0x1b: {  	s9 =	sadd.s32 $0xFFFFFEF7, lr;
	s5 =	simm.s32 $0xFFFFFFFF;
	p2 =	slt.u32 s8, $0xFFFFF086  }
0x1c: {  	p1 =	slt.u32 s9, $0xF7A;
	s5 =	simm.s32 @!p2 $0x0  }
0x1d: {  	s5 =	simm.s32 @p1 $0x1;
	p0 =	seq.s32 s7, s2  }
0x1e: {  	s7 =	smul.u32 @!p0 $0xF7A, s2;
	p2 =	seq.s32 @!p0 s5, $0x0  }
0x1f: {  	s9 =	smul.u32 $0xF7A, s1;
	s8 =	simm.s32 @!p0 $0x1BF5;
	p2 =	por !p2, p0  }
0x20: {  	[sflag:s8] =	ssyncset.s32 @!p0 $0xFFFFF086;
	s6 =	sadd.s32 @!p0 s3, s7;
	s7 =	simm.s32 @!p0 $0x108  }
0x21: {  	s3 =	sadd.s32 s3, s9;
	s6 =	sadd.s32 @!p0 $0x88, s6;
	s7 =	simm.s32 @p2 $0x1082  }
0x22: {  	[simem:s7], [sflag:s8] =	dma.local @!p0 [hbm:s6], $0xF7A  }
0x23: {  	s9 =	sor.u32 $0xD0000000, s2;
	s6 =	simm.s32 $0x108;
	_ =	swait.ge @!p0 [sflag:s8], $0x0  }
0x24: {  	s3 =	sadd.s32 $0x88, s3;
	s6 =	simm.s32 @!p1 $0x1082;
	[sflag:s4] =	ssyncset.s32 $0xFFFFF086  }
0x25: {  	[simem:s6], [sflag:s4] =	dma.local [hbm:s3], $0xF7A  }
0x26: {  	[smem:$0x3F9B] =	sst s1;
	(tag) =	ssettag s2;
	_ =	strace s9  }
0x27: {  	s1 =	sld [smem:$0x3FAB]  }
0x28: {  	s2 =	sld [smem:$0x3FAC]  }
0x29: {  	s4 =	sld [smem:$0x3FAE]  }
0x2a: {  	p0 =	seq.s32 s5, $0x0;
	s5 =	sld [smem:$0x3FAF]  }
0x2b: {  	s6 =	sld [smem:$0x3FB0]  }
0x2c: {  	s7 =	sld [smem:$0x3FB1]  }
0x2d: {  	s3 =	simm.s32 $0x108;
	s8 =	sld [smem:$0x3FB2]  }
0x2e: {  	s3 =	simm.s32 @!p0 $0x1082;
	s9 =	sld [smem:$0x3FB3]  }
0x2f: {  	lr =	sadd.s32 s0, s3;
	s0 =	sld [smem:$0x3FAA]  }
0x30: {  	s3 =	sld [smem:$0x3FAD]  }
0x31: {  	[smem:$0x3FB6] =	sst s10  }
0x32: {  	s10 =	sld [smem:$0x3FB4];
	_ =	sdelay $0x3  }
0x33: {  	p0 =	seq.s32 s10, $0x1;
	s10 =	sld [smem:$0x3FB6];
	_ =	sdelay $0x3  }
0x34: {  	[smem:$0x3FB6] =	sst s10  }
0x35: {  	s10 =	sld [smem:$0x3FB5];
	_ =	sdelay $0x3  }
0x36: {  	p1 =	seq.s32 s10, $0x1;
	s10 =	sld [smem:$0x3FB6];
	_ =	sdelay $0x3  }
0x37: {  	[smem:$0x3FB6] =	sst s10  }
0x38: {  	s10 =	sld [smem:$0x3FB7]  }
0x39: {  	_ = 	snop;
	(pc) =	sbr.ind lr, $3  }
0x3a: {  	_ = 	snop  }
0x3b: {  	_ = 	snop  }
0x3c: {  	p2 =	seq.s32 s10, $0x1;
	s10 =	sld [smem:$0x3FB6]  }
0x3d: {  	_ =	shalt  }
0x3e: {  	_ =	shalt  }
0x3f: {  	_ =	shalt  }
0x40: {  	_ =	shalt  }
0x41: {  	_ =	shalt  }
0x42: {  	_ =	shalt  }
0x43: {  	_ =	shalt  }
0x44: {  	_ =	shalt  }
0x45: {  	_ =	shalt  }
0x46: {  	_ =	shalt  }
0x47: {  	_ =	shalt  }
0x48: {  	_ =	shalt  }
0x49: {  	_ =	shalt  }
0x4a: {  	_ =	shalt  }
0x4b: {  	_ =	shalt  }
0x4c: {  	_ =	shalt  }
0x4d: {  	_ =	shalt  }
0x4e: {  	_ =	shalt  }
0x4f: {  	_ =	shalt  }
0x50: {  	_ =	shalt  }
0x51: {  	_ =	shalt  }
0x52: {  	_ =	shalt  }
0x53: {  	_ =	shalt  }
0x54: {  	_ =	shalt  }
0x55: {  	_ =	shalt  }
0x56: {  	_ =	shalt  }
0x57: {  	_ =	shalt  }
0x58: {  	_ =	shalt  }
0x59: {  	_ =	shalt  }
0x5a: {  	_ =	shalt  }
0x5b: {  	_ =	shalt  }
0x5c: {  	_ =	shalt  }
0x5d: {  	_ =	shalt  }
0x5e: {  	_ =	shalt  }
0x5f: {  	_ =	shalt  }
0x60: {  	_ =	shalt  }
0x61: {  	_ =	shalt  }
0x62: {  	_ =	shalt  }
0x63: {  	_ =	shalt  }
0x64: {  	_ =	shalt  }
0x65: {  	_ =	shalt  }
0x66: {  	_ =	shalt  }
0x67: {  	_ =	shalt  }
0x68: {  	_ =	shalt  }
0x69: {  	_ =	shalt  }
0x6a: {  	_ =	shalt  }
0x6b: {  	_ =	shalt  }
0x6c: {  	_ =	shalt  }
0x6d: {  	_ =	shalt  }
0x6e: {  	_ =	shalt  }
0x6f: {  	_ =	shalt  }
0x70: {  	_ =	shalt  }
0x71: {  	_ =	shalt  }
0x72: {  	_ =	shalt  }
0x73: {  	_ =	shalt  }
0x74: {  	_ =	shalt  }
0x75: {  	_ =	shalt  }
0x76: {  	_ =	shalt  }
0x77: {  	_ =	shalt  }
0x78: {  	_ =	shalt  }
0x79: {  	_ =	shalt  }
0x7a: {  	_ =	shalt  }
0x7b: {  	_ =	shalt  }
0x7c: {  	_ =	shalt  }
0x7d: {  	_ =	shalt  }
0x7e: {  	_ =	shalt  }
0x7f: {  	_ =	shalt  }
0x80: {  	_ =	shalt  }
0x81: {  	_ =	shalt  }
0x82: {  	_ =	shalt  }
0x83: {  	_ =	shalt  }
0x84: {  	_ =	shalt  }
0x85: {  	_ =	shalt  }
0x86: {  	_ =	shalt  }
0x87: {  	_ =	shalt  }
.Lfunc_end0:
.L_simem_size_0:
called_computation.1_lowered:
.L_overlay_start_0:
0x88: {  	s2 =	sld [smem:$0x3FD9]  }
0x89: {  	s3 =	sld [smem:$0x3FFE];
	_ =	sdelay $0x1  }
0x8a: {  	s1 =	srdreg.scid  }
0x8b: {  	s0 =	sand.u32 $0x1, s1  }
0x8c: {  	s17 =	sshll.u32 s0, $0xA;
	s2 =	sadd.s32 s3, s2  }
0x8d: {  	s2 =	sadd.s32 s2, s17  }
0x8e: {  	[smem:$0x3FC2] =	sst s2  }
0x8f: {  	_ = 	snop  }
0x90: {  	s2 =	sld [smem:$0x3FD0];
	(tm) =	ssettm $0x1  }
0x91: {  	s18 =	sld [smem:$0x3FFB];
	_ =	sdelay $0x3  }
0x92: {  	_ =	strace s18  }
0x93: {  	s3 =	sld [smem:$0x3FFC];
	_ =	sdelay $0x3  }
0x94: {  	_ =	strace s3  }
0x95: {  	s3 =	sld [smem:$0x3FFD];
	_ =	sdelay $0x3  }
0x96: {  	_ =	strace s3  }
0x97: {  	_ =	strace $0x8FFFFFFF  }
0x98: {  	s19 =	sld [smem:$0x3FDB];
	_ =	sdelay $0x1  }
0x99: {  	s4 =	simm.s32 $_scs_section_size  }
0x9a: {  	s5 =	simm.s32 $_size__tile_overlayer_lowered;
	s6 =	simm.s32 $_tile_overlayer_lowered  }
0x9b: {  	s22 =	simm.s32 $0x1BFF;
	s21 =	sshll.u32 s6, $0x1;
	s3 =	sadd.s32 s4, s19  }
0x9c: {  	s7 =	simm.s32 $0x0;
	s20 =	sshll.u32 s5, $0x1;
	s5 =	sadd.s32 s21, s3  }
0x9d: {  	[timem:s7], [sflag:s22] =	dma.local [hbm:s5], s20  }
0x9e: {  	_ =	swait.ge [sflag:s22], s20  }
0x9f: {  	s4 =	ssub.s32 $0x0, s20;
	[sflag:s22] =	ssyncset.done $0x0  }
0xa0: {  	[sflag:s22] =	ssyncadd.s32 s4;
	_ =	sdelay $0x1  }
0xa1: {  	s23 =	simm.s32 $0x1B8B  }
0xa2: {  	_ =	swait.ge [sflag:s23], $0x1  }
0xa3: {  	[sflag:s23] =	ssyncset.done $0x0  }
0xa4: {  	s25 =	simm.s32 $0x1B8E;
	s24 =	sld [smem:$0x3FFE];
	[sflag:s23] =	ssyncadd.s32 $0xFFFFFFFF  }
0xa5: {  	s26 =	simm.s32 $execute0_lowered;
	[smem:$0x3FD2] =	sst s25  }
0xa6: {  	s5 =	sshll.u32 s26, $0x1;
	_ =	strace $0x80000049;
	[dreg:$0x1] =	wrdreg $0xFFFFFFFF  }
0xa7: {  	s28 =	simm.s32 $_size_execute0_lowered;
	s3 =	sadd.s32 s3, s5;
	[dreg:$0x0] =	wrdreg $0x0  }
0xa8: {  	s5 =	sshll.u32 s28, $0x1;
	[dreg:$0x2] =	wrdreg s3  }
0xa9: {  	[dreg:$0x3] =	wrdreg s5  }
0xaa: {  	[dreg:$0x4] =	wrdreg $0xC0  }
0xab: {  	_ =	task [dreg:s7], $0x5FFFF  }
0xac: {  	[dreg:$0x1] =	wrdreg $0xFFFFFFFF  }
0xad: {  	[dreg:$0x0] =	wrdreg $0x60  }
0xae: {  	[dreg:$0x2] =	wrdreg s24  }
0xaf: {  	[dreg:$0x3] =	wrdreg s2  }
0xb0: {  	[dreg:$0x4] =	wrdreg $0x9  }
0xb1: {  	_ =	task.clear_ibuf [dreg:s7], $0x5FFFF;
	_ =	strace $0x90000049  }
0xb2: {  	s29 =	simm.s32 $0x9;
	_ =	strace $0x8000004B  }
0xb3: {  	_ =	swait.ge [sflag:s29], $0x1  }
0xb4: {  	[sflag:s29] =	ssyncadd.s32 $0xFFFFFFFF  }
0xb5: {  	_ =	strace $0x9000004B  }
0xb6: {  	_ =	sfence  }
0xb7: {  	s30 =	sld [smem:$0x0];
	_ =	sdelay $0x2  }
0xb8: {  	s31 =	sshll.u32 s1, $0xD;
	s1 =	sshrl.u32 s1, $0x2  }
0xb9: {  	s3 =	sand.u32 $0x4000, s31;
	s1 =	sadd.s32 s1, s30  }
0xba: {  	s0 =	sor.u32 s3, s0;
	s1 =	sshll.u32 s1, $0x11  }
0xbb: {  	s0 =	sor.u32 s1, s0  }
0xbc: {  	s0 =	sadd.s32 $0x8F2B, s0  }
0xbd: {  	[sflag:s0] =	ssyncadd.remote.s32 $0x1  }
0xbe: {  	_ =	sfence.sel $0xFFFF  }
0xbf: {  	[dreg:$0x0] =	wrdreg $0xFFFFFFFF;
	(pc) =	sbr.abs _section_cstart, $3  }
0xc0: {  	[dreg:$0x1] =	wrdreg $0xFFFFFFFF  }
0xc1: {  	_ =	task.clear_ibuf [dreg:s7], $0x2FFFF;
	_ =	strace $0x9FFFFFFF  }
0xc2: {  	(tm) =	ssettm $0x7FFFFFFF  }
0xc3: {  	_ =	shalt  }
tec
execute0_lowered:
.L_overlay_start_1:
0x0: {  	(tag) =	ssettag $0x1  }
0x1: {  	s0 =	srdreg.scid;
	s10 =	rddreg [dreg:$0x0]  }
0x2: {  	s5 =	stileid.u32;
	s11 =	rddreg [dreg:$0x1];
	s2 =	simm.s32 $0x0  }
0x3: {  	s4 =	simm.s32 $0x1;
	s13 =	simm.s32 $0x2;
	s15 =	simm.s32 $0x4100  }
0x4: {  	s17 =	simm.s32 $0x17100;
	s18 =	simm.s32 $0x17900;
	s19 =	simm.s32 $0x18100  }
0x5: {  	s20 =	simm.s32 $0x18900;
	s21 =	simm.s32 $0x19100;
	s22 =	simm.s32 $0x19900  }
0x6: {  	s23 =	simm.s32 $0x1A100;
	s24 =	simm.s32 $0x1A900;
	s25 =	simm.s32 $0x1B100  }
0x7: {  	s28 =	simm.s32 $0x0;
	s0 =	sand.u32 $0x1, s0;
	s1 =	sshll.u32 s5, $0x1  }
0x8: {  	[smem:$0x7FF] =	sst s2;
	s3 =	sadd.s32 $0xD0C00, s10;
	s1 =	sor.u32 s0, s1  }
0x9: {  	s6 =	sadd.s32 $0x10A00, s10;
	p1 =	seq.s32 s0, $0x1;
	p0 =	seq.s32 s1, $0x0  }
0xa: {  	_ =	strace $0x8000004A;
	s26 =	ssub.s32 $0x2, s0;
	p0 =	por !p0, !p1  }
0xb: {  	s0 =	sshll.u32 s0, $0x6;
	s7 =	sshll.u32 s1, $0xA;
	p0 =	por !p0, !p0  }
0xc: {  	s8 =	sshrl.u32 s26, $0x1;
	s31 =	smul.u32 $0x1800, s1;
	s4 =	simm.s32 @!p0 $0x0  }
0xd: {  	s9 =	sadd.s32 s7, s10;
	s12 =	ssub.s32 s26, s8;
	s4 =	ssub.s32 s5, s4  }
0xe: {  	s26 =	simm.s32 $0x1B900;
	s7 =	sadd.s32 $0xA00, s9;
	s4 =	sshll.u32 s4, $0x7  }
0xf: {  	s8 =	sadd.s32 $0x8A00, s9;
	s9 =	sadd.s32 $0xD0D00, s10;
	s0 =	sor.u32 s0, s4  }
0x10: {  	v2 =	vlaneseq.u32;
	s10 =	sadd.s32 $0xD0E00, s10;
	s11 =	sadd.s32 s11, s31;
	s29 =	sadd.s32 $0x800, s0  }
0x11: {  	vm0 =	vmmov $0xffff;
	v1 =	vshrl.u32 v2, $0x3;
	s12 =	smax.u32 s12, $0x1;
	s0 =	sshrl.u32 s0, $0x3;
	s30 =	sshrl.u32 s29, $0x3  }
0x12: {  	v0 =	vand.u32 $0x7, v2;
	v2 =	vor.u32 $0x8, v2;
	v1 =	vmul.u32 $0x8, v1;
	s4 =	simm.s32 $0x1;
	s5 =	sadd.s32 s6, s0;
	s6 =	sadd.s32 s6, s30  }
.LBB2_1:
0x13: {  	[tilespmem:s2], [sflag:$0x2] =	stream.linear.gather [hbm4b:s5+s2], $0x40, $0x38;
	[tilespmem:$0x1C100] =	vst v63  }
0x14: {  	_ =	swait.ge [sflag:s13], $0x40  }
0x15: {  	[sflag:s13] =	ssyncset.done $0x0  }
0x16: {  	s0 =	simm.s32 $0x80;
	[sflag:s13] =	ssyncadd.s32 $0xFFFFFFC0  }
0x17: {  	[tilespmem:s0], [sflag:$0x2] =	stream.linear.gather [hbm4b:s6+s2], $0x40, $0x38;
	[tilespmem:$0x1C100] =	vst v63  }
0x18: {  	_ =	swait.ge [sflag:s13], $0x40  }
0x19: {  	[sflag:s13] =	ssyncset.done $0x0  }
0x1a: {  	s29 =	simm.s32 $0x100;
	[sflag:s13] =	ssyncadd.s32 $0xFFFFFFC0  }
0x1b: {  	[tilespmem:s29], [sflag:$0x2] =	stream.linear.gather [hbm4b:s7+s2], $0x2000, $0x38;
	[tilespmem:$0x1C100] =	vst v63  }
0x1c: {  	_ =	swait.ge [sflag:s13], $0x2000  }
0x1d: {  	[sflag:s13] =	ssyncset.done $0x0  }
0x1e: {  	s30 =	simm.s32 $0x2100;
	[sflag:s13] =	ssyncadd.s32 $0xFFFFE000  }
0x1f: {  	[tilespmem:s30], [sflag:$0x2] =	stream.linear.gather [hbm4b:s8+s2], $0x2000, $0x38;
	[tilespmem:$0x1C100] =	vst v63  }
0x20: {  	_ =	swait.ge [sflag:s13], $0x2000  }
0x21: {  	[sflag:s13] =	ssyncset.done $0x0  }
0x22: {  	[sflag:s13] =	ssyncadd.s32 $0xFFFFE000  }
0x23: {  	v3 =	vld [tilespmem:$0x0];
	_ =	sdelay $0x4  }
0x24: {  	v4 =	vshrl.u32 v3, $0x3  }
0x25: {  	v4 =	vmul.u32 $0x30, v4  }
0x26: {  	v3 =	vand.u32 $0x7, v3  }
0x27: {  	v3 =	vor.u32 v3, v4  }
0x28: {  	v4 =	vperm.xlane v3, v0;
	_ =	sdelay $0x1  }
0x29: {  	v4 =	vadd.s32 v1, v4;
	_ =	sdelay $0x3  }
0x2a: {  	v3 =	vperm.xlane v3, v2  }
0x2b: {  	[tilespmem:s15], [sflag:$0x1] =	stream.indirect_vreg.gather [hbm4b:s3+s2], $0x80, v4, vm0, $0xb8;
	[tilespmem:$0x1C100] =	vst v63  }
0x2c: {  	s1 =	simm.s32 $0x4900;
	v3 =	vadd.s32 v1, v3  }
0x2d: {  	[tilespmem:s1], [sflag:$0x1] =	stream.indirect_vreg.gather [hbm4b:s9+s2], $0x80, v4, vm0, $0xb8;
	[tilespmem:$0x1C100] =	vst v63  }
0x2e: {  	s14 =	simm.s32 $0x5100  }
0x2f: {  	[tilespmem:s14], [sflag:$0x1] =	stream.indirect_vreg.gather [hbm4b:s10+s2], $0x80, v4, vm0, $0xb8;
	[tilespmem:$0x1C100] =	vst v63  }
0x30: {  	s16 =	simm.s32 $0x5900  }
0x31: {  	[tilespmem:s16], [sflag:$0x1] =	stream.indirect_vreg.gather [hbm4b:s3+s2], $0x80, v3, vm0, $0xb8;
	[tilespmem:$0x1C100] =	vst v63  }
0x32: {  	s1 =	simm.s32 $0x6100  }
0x33: {  	[tilespmem:s1], [sflag:$0x1] =	stream.indirect_vreg.gather [hbm4b:s9+s2], $0x80, v3, vm0, $0xb8;
	[tilespmem:$0x1C100] =	vst v63  }
0x34: {  	s14 =	simm.s32 $0x6900  }
0x35: {  	[tilespmem:s14], [sflag:$0x1] =	stream.indirect_vreg.gather [hbm4b:s10+s2], $0x80, v3, vm0, $0xb8;
	[tilespmem:$0x1C100] =	vst v63  }
0x36: {  	v3 =	vld [tilespmem:$0x10];
	_ =	sdelay $0x4  }
0x37: {  	v4 =	vshrl.u32 v3, $0x3  }
0x38: {  	v4 =	vmul.u32 $0x30, v4  }
0x39: {  	v3 =	vand.u32 $0x7, v3  }
0x3a: {  	v3 =	vor.u32 v3, v4  }
0x3b: {  	v4 =	vperm.xlane v3, v0;
	_ =	sdelay $0x1  }
0x3c: {  	v4 =	vadd.s32 v1, v4;
	_ =	sdelay $0x3  }
0x3d: {  	s16 =	simm.s32 $0x7100;
	v3 =	vperm.xlane v3, v2  }
0x3e: {  	[tilespmem:s16], [sflag:$0x1] =	stream.indirect_vreg.gather [hbm4b:s3+s2], $0x80, v4, vm0, $0xb8;
	[tilespmem:$0x1C100] =	vst v63  }
0x3f: {  	s1 =	simm.s32 $0x7900;
	v3 =	vadd.s32 v1, v3  }
0x40: {  	[tilespmem:s1], [sflag:$0x1] =	stream.indirect_vreg.gather [hbm4b:s9+s2], $0x80, v4, vm0, $0xb8;
	[tilespmem:$0x1C100] =	vst v63  }
0x41: {  	s14 =	simm.s32 $0x8100  }
0x42: {  	[tilespmem:s14], [sflag:$0x1] =	stream.indirect_vreg.gather [hbm4b:s10+s2], $0x80, v4, vm0, $0xb8;
	[tilespmem:$0x1C100] =	vst v63  }
0x43: {  	s16 =	simm.s32 $0x8900  }
0x44: {  	[tilespmem:s16], [sflag:$0x1] =	stream.indirect_vreg.gather [hbm4b:s3+s2], $0x80, v3, vm0, $0xb8;
	[tilespmem:$0x1C100] =	vst v63  }
0x45: {  	s1 =	simm.s32 $0x9100  }
0x46: {  	[tilespmem:s1], [sflag:$0x1] =	stream.indirect_vreg.gather [hbm4b:s9+s2], $0x80, v3, vm0, $0xb8;
	[tilespmem:$0x1C100] =	vst v63  }
0x47: {  	s14 =	simm.s32 $0x9900  }
0x48: {  	[tilespmem:s14], [sflag:$0x1] =	stream.indirect_vreg.gather [hbm4b:s10+s2], $0x80, v3, vm0, $0xb8;
	[tilespmem:$0x1C100] =	vst v63  }
0x49: {  	v3 =	vld [tilespmem:$0x20];
	_ =	sdelay $0x4  }
0x4a: {  	v4 =	vshrl.u32 v3, $0x3  }
0x4b: {  	v4 =	vmul.u32 $0x30, v4  }
0x4c: {  	v3 =	vand.u32 $0x7, v3  }
0x4d: {  	v3 =	vor.u32 v3, v4  }
0x4e: {  	v4 =	vperm.xlane v3, v0;
	_ =	sdelay $0x1  }
0x4f: {  	v4 =	vadd.s32 v1, v4;
	_ =	sdelay $0x3  }
0x50: {  	s16 =	simm.s32 $0xA100;
	v3 =	vperm.xlane v3, v2  }
0x51: {  	[tilespmem:s16], [sflag:$0x1] =	stream.indirect_vreg.gather [hbm4b:s3+s2], $0x80, v4, vm0, $0xb8;
	[tilespmem:$0x1C100] =	vst v63  }
0x52: {  	s1 =	simm.s32 $0xA900;
	v3 =	vadd.s32 v1, v3  }
0x53: {  	[tilespmem:s1], [sflag:$0x1] =	stream.indirect_vreg.gather [hbm4b:s9+s2], $0x80, v4, vm0, $0xb8;
	[tilespmem:$0x1C100] =	vst v63  }
0x54: {  	s14 =	simm.s32 $0xB100  }
0x55: {  	[tilespmem:s14], [sflag:$0x1] =	stream.indirect_vreg.gather [hbm4b:s10+s2], $0x80, v4, vm0, $0xb8;
	[tilespmem:$0x1C100] =	vst v63  }
0x56: {  	s16 =	simm.s32 $0xB900  }
0x57: {  	[tilespmem:s16], [sflag:$0x1] =	stream.indirect_vreg.gather [hbm4b:s3+s2], $0x80, v3, vm0, $0xb8;
	[tilespmem:$0x1C100] =	vst v63  }
0x58: {  	s1 =	simm.s32 $0xC100  }
0x59: {  	[tilespmem:s1], [sflag:$0x1] =	stream.indirect_vreg.gather [hbm4b:s9+s2], $0x80, v3, vm0, $0xb8;
	[tilespmem:$0x1C100] =	vst v63  }
0x5a: {  	s14 =	simm.s32 $0xC900  }
0x5b: {  	[tilespmem:s14], [sflag:$0x1] =	stream.indirect_vreg.gather [hbm4b:s10+s2], $0x80, v3, vm0, $0xb8;
	[tilespmem:$0x1C100] =	vst v63  }
0x5c: {  	v3 =	vld [tilespmem:$0x30];
	_ =	sdelay $0x4  }
0x5d: {  	v4 =	vshrl.u32 v3, $0x3  }
0x5e: {  	v4 =	vmul.u32 $0x30, v4  }
0x5f: {  	v3 =	vand.u32 $0x7, v3  }
0x60: {  	v3 =	vor.u32 v3, v4  }
0x61: {  	v4 =	vperm.xlane v3, v0;
	_ =	sdelay $0x1  }
0x62: {  	v4 =	vadd.s32 v1, v4;
	_ =	sdelay $0x3  }
0x63: {  	s16 =	simm.s32 $0xD100;
	v3 =	vperm.xlane v3, v2  }
0x64: {  	[tilespmem:s16], [sflag:$0x1] =	stream.indirect_vreg.gather [hbm4b:s3+s2], $0x80, v4, vm0, $0xb8;
	[tilespmem:$0x1C100] =	vst v63  }
0x65: {  	s1 =	simm.s32 $0xD900;
	v3 =	vadd.s32 v1, v3  }
0x66: {  	[tilespmem:s1], [sflag:$0x1] =	stream.indirect_vreg.gather [hbm4b:s9+s2], $0x80, v4, vm0, $0xb8;
	[tilespmem:$0x1C100] =	vst v63  }
0x67: {  	s14 =	simm.s32 $0xE100  }
0x68: {  	[tilespmem:s14], [sflag:$0x1] =	stream.indirect_vreg.gather [hbm4b:s10+s2], $0x80, v4, vm0, $0xb8;
	[tilespmem:$0x1C100] =	vst v63  }
0x69: {  	s16 =	simm.s32 $0xE900  }
0x6a: {  	[tilespmem:s16], [sflag:$0x1] =	stream.indirect_vreg.gather [hbm4b:s3+s2], $0x80, v3, vm0, $0xb8;
	[tilespmem:$0x1C100] =	vst v63  }
0x6b: {  	s1 =	simm.s32 $0xF100  }
0x6c: {  	[tilespmem:s1], [sflag:$0x1] =	stream.indirect_vreg.gather [hbm4b:s9+s2], $0x80, v3, vm0, $0xb8;
	[tilespmem:$0x1C100] =	vst v63  }
0x6d: {  	s14 =	simm.s32 $0xF900  }
0x6e: {  	[tilespmem:s14], [sflag:$0x1] =	stream.indirect_vreg.gather [hbm4b:s10+s2], $0x80, v3, vm0, $0xb8;
	[tilespmem:$0x1C100] =	vst v63  }
0x6f: {  	_ =	swait.ge [sflag:s4], $0xC000  }
0x70: {  	[sflag:s4] =	ssyncset.done $0x0  }
0x71: {  	[sflag:s4] =	ssyncadd.s32 $0xFFFF4000  }
0x72: {  	v3 =	vld [tilespmem:$0x80];
	_ =	sdelay $0x4  }
0x73: {  	v4 =	vshrl.u32 v3, $0x3  }
0x74: {  	v4 =	vmul.u32 $0x30, v4  }
0x75: {  	v3 =	vand.u32 $0x7, v3  }
0x76: {  	v3 =	vor.u32 v3, v4  }
0x77: {  	v4 =	vperm.xlane v3, v0;
	_ =	sdelay $0x1  }
0x78: {  	v4 =	vadd.s32 v1, v4;
	_ =	sdelay $0x3  }
0x79: {  	s16 =	simm.s32 $0x10100;
	v3 =	vperm.xlane v3, v2  }
0x7a: {  	[tilespmem:s16], [sflag:$0x1] =	stream.indirect_vreg.gather [hbm4b:s3+s2], $0x80, v4, vm0, $0xb8;
	[tilespmem:$0x1C100] =	vst v63  }
0x7b: {  	s1 =	simm.s32 $0x10900;
	v3 =	vadd.s32 v1, v3  }
0x7c: {  	[tilespmem:s1], [sflag:$0x1] =	stream.indirect_vreg.gather [hbm4b:s9+s2], $0x80, v4, vm0, $0xb8;
	[tilespmem:$0x1C100] =	vst v63  }
0x7d: {  	s14 =	simm.s32 $0x11100  }
0x7e: {  	[tilespmem:s14], [sflag:$0x1] =	stream.indirect_vreg.gather [hbm4b:s10+s2], $0x80, v4, vm0, $0xb8;
	[tilespmem:$0x1C100] =	vst v63  }
0x7f: {  	s16 =	simm.s32 $0x11900  }
0x80: {  	[tilespmem:s16], [sflag:$0x1] =	stream.indirect_vreg.gather [hbm4b:s3+s2], $0x80, v3, vm0, $0xb8;
	[tilespmem:$0x1C100] =	vst v63  }
0x81: {  	s1 =	simm.s32 $0x12100  }
0x82: {  	[tilespmem:s1], [sflag:$0x1] =	stream.indirect_vreg.gather [hbm4b:s9+s2], $0x80, v3, vm0, $0xb8;
	[tilespmem:$0x1C100] =	vst v63  }
0x83: {  	s14 =	simm.s32 $0x12900  }
0x84: {  	[tilespmem:s14], [sflag:$0x1] =	stream.indirect_vreg.gather [hbm4b:s10+s2], $0x80, v3, vm0, $0xb8;
	[tilespmem:$0x1C100] =	vst v63  }
0x85: {  	v3 =	vld [tilespmem:$0x90];
	_ =	sdelay $0x4  }
0x86: {  	v4 =	vshrl.u32 v3, $0x3  }
0x87: {  	v4 =	vmul.u32 $0x30, v4  }
0x88: {  	v3 =	vand.u32 $0x7, v3  }
0x89: {  	v3 =	vor.u32 v3, v4  }
0x8a: {  	v4 =	vperm.xlane v3, v0;
	_ =	sdelay $0x1  }
0x8b: {  	v4 =	vadd.s32 v1, v4;
	_ =	sdelay $0x3  }
0x8c: {  	s16 =	simm.s32 $0x13100;
	v3 =	vperm.xlane v3, v2  }
0x8d: {  	[tilespmem:s16], [sflag:$0x1] =	stream.indirect_vreg.gather [hbm4b:s3+s2], $0x80, v4, vm0, $0xb8;
	[tilespmem:$0x1C100] =	vst v63  }
0x8e: {  	s1 =	simm.s32 $0x13900;
	v3 =	vadd.s32 v1, v3  }
0x8f: {  	[tilespmem:s1], [sflag:$0x1] =	stream.indirect_vreg.gather [hbm4b:s9+s2], $0x80, v4, vm0, $0xb8;
	[tilespmem:$0x1C100] =	vst v63  }
0x90: {  	s14 =	simm.s32 $0x14100  }
0x91: {  	[tilespmem:s14], [sflag:$0x1] =	stream.indirect_vreg.gather [hbm4b:s10+s2], $0x80, v4, vm0, $0xb8;
	[tilespmem:$0x1C100] =	vst v63  }
0x92: {  	s16 =	simm.s32 $0x14900  }
0x93: {  	[tilespmem:s16], [sflag:$0x1] =	stream.indirect_vreg.gather [hbm4b:s3+s2], $0x80, v3, vm0, $0xb8;
	[tilespmem:$0x1C100] =	vst v63  }
0x94: {  	s1 =	simm.s32 $0x15100  }
0x95: {  	[tilespmem:s1], [sflag:$0x1] =	stream.indirect_vreg.gather [hbm4b:s9+s2], $0x80, v3, vm0, $0xb8;
	[tilespmem:$0x1C100] =	vst v63  }
0x96: {  	s14 =	simm.s32 $0x15900  }
0x97: {  	[tilespmem:s14], [sflag:$0x1] =	stream.indirect_vreg.gather [hbm4b:s10+s2], $0x80, v3, vm0, $0xb8;
	[tilespmem:$0x1C100] =	vst v63  }
0x98: {  	v3 =	vld [tilespmem:$0xA0];
	_ =	sdelay $0x4  }
0x99: {  	v4 =	vshrl.u32 v3, $0x3  }
0x9a: {  	v4 =	vmul.u32 $0x30, v4  }
0x9b: {  	v3 =	vand.u32 $0x7, v3  }
0x9c: {  	v3 =	vor.u32 v3, v4  }
0x9d: {  	v4 =	vperm.xlane v3, v0;
	_ =	sdelay $0x1  }
0x9e: {  	v4 =	vadd.s32 v1, v4;
	_ =	sdelay $0x3  }
0x9f: {  	s16 =	simm.s32 $0x16100;
	v3 =	vperm.xlane v3, v2  }
0xa0: {  	[tilespmem:s16], [sflag:$0x1] =	stream.indirect_vreg.gather [hbm4b:s3+s2], $0x80, v4, vm0, $0xb8;
	[tilespmem:$0x1C100] =	vst v63  }
0xa1: {  	s1 =	simm.s32 $0x16900;
	v3 =	vadd.s32 v1, v3  }
0xa2: {  	[tilespmem:s1], [sflag:$0x1] =	stream.indirect_vreg.gather [hbm4b:s9+s2], $0x80, v4, vm0, $0xb8;
	[tilespmem:$0x1C100] =	vst v63  }
0xa3: {  	_ = 	snop  }
0xa4: {  	[tilespmem:s17], [sflag:$0x1] =	stream.indirect_vreg.gather [hbm4b:s10+s2], $0x80, v4, vm0, $0xb8;
	[tilespmem:$0x1C100] =	vst v63  }
0xa5: {  	_ = 	snop  }
0xa6: {  	[tilespmem:s18], [sflag:$0x1] =	stream.indirect_vreg.gather [hbm4b:s3+s2], $0x80, v3, vm0, $0xb8;
	[tilespmem:$0x1C100] =	vst v63  }
0xa7: {  	_ = 	snop  }
0xa8: {  	[tilespmem:s19], [sflag:$0x1] =	stream.indirect_vreg.gather [hbm4b:s9+s2], $0x80, v3, vm0, $0xb8;
	[tilespmem:$0x1C100] =	vst v63  }
0xa9: {  	_ = 	snop  }
0xaa: {  	[tilespmem:s20], [sflag:$0x1] =	stream.indirect_vreg.gather [hbm4b:s10+s2], $0x80, v3, vm0, $0xb8;
	[tilespmem:$0x1C100] =	vst v63  }
0xab: {  	v3 =	vld [tilespmem:$0xB0];
	_ =	sdelay $0x4  }
0xac: {  	v4 =	vshrl.u32 v3, $0x3  }
0xad: {  	v4 =	vmul.u32 $0x30, v4  }
0xae: {  	v3 =	vand.u32 $0x7, v3  }
0xaf: {  	v3 =	vor.u32 v3, v4  }
0xb0: {  	v4 =	vperm.xlane v3, v0;
	_ =	sdelay $0x1  }
0xb1: {  	v4 =	vadd.s32 v1, v4;
	_ =	sdelay $0x3  }
0xb2: {  	v3 =	vperm.xlane v3, v2  }
0xb3: {  	[tilespmem:s21], [sflag:$0x1] =	stream.indirect_vreg.gather [hbm4b:s3+s2], $0x80, v4, vm0, $0xb8;
	[tilespmem:$0x1C100] =	vst v63  }
0xb4: {  	v3 =	vadd.s32 v1, v3  }
0xb5: {  	[tilespmem:s22], [sflag:$0x1] =	stream.indirect_vreg.gather [hbm4b:s9+s2], $0x80, v4, vm0, $0xb8;
	[tilespmem:$0x1C100] =	vst v63  }
0xb6: {  	_ = 	snop  }
0xb7: {  	[tilespmem:s23], [sflag:$0x1] =	stream.indirect_vreg.gather [hbm4b:s10+s2], $0x80, v4, vm0, $0xb8;
	[tilespmem:$0x1C100] =	vst v63  }
0xb8: {  	_ = 	snop  }
0xb9: {  	[tilespmem:s24], [sflag:$0x1] =	stream.indirect_vreg.gather [hbm4b:s3+s2], $0x80, v3, vm0, $0xb8;
	[tilespmem:$0x1C100] =	vst v63  }
0xba: {  	_ = 	snop  }
0xbb: {  	[tilespmem:s25], [sflag:$0x1] =	stream.indirect_vreg.gather [hbm4b:s9+s2], $0x80, v3, vm0, $0xb8;
	[tilespmem:$0x1C100] =	vst v63  }
0xbc: {  	s14 =	simm.s32 $0x0  }
0xbd: {  	[tilespmem:s26], [sflag:$0x1] =	stream.indirect_vreg.gather [hbm4b:s10+s2], $0x80, v3, vm0, $0xb8;
	[tilespmem:$0x1C100] =	vst v63  }
0xbe: {  	s0 =	smul.u32 $0x1800, s14;
	_ =	swait.ge [sflag:s4], $0xC000  }
0xbf: {  	s1 =	sand.u32 $0x380, s2;
	[sflag:s4] =	ssyncset.done $0x0  }
0xc0: {  	s0 =	sor.u32 s1, s0;
	[sflag:s4] =	ssyncadd.s32 $0xFFFF4000  }
0xc1: {  	v4 =	vld [tilespmem:s0+$0x4110]  }
0xc2: {  	v3 =	vld [tilespmem:s0+$0x10110]  }
0xc3: {  	v6 =	vld [tilespmem:s0+$0x4120]  }
0xc4: {  	v5 =	vld [tilespmem:s0+$0x10120]  }
0xc5: {  	v10 =	vld [tilespmem:s0+$0x4130]  }
0xc6: {  	v9 =	vld [tilespmem:s0+$0x10130]  }
0xc7: {  	v12 =	vld [tilespmem:s0+$0x4140]  }
0xc8: {  	v11 =	vld [tilespmem:s0+$0x10140]  }
0xc9: {  	v13 =	vld [tilespmem:s0+$0x4160]  }
0xca: {  	v14 =	vld [tilespmem:s0+$0x4170]  }
0xcb: {  	v15 =	vld [tilespmem:s0+$0x4500]  }
0xcc: {  	v16 =	vld [tilespmem:s0+$0x4510]  }
0xcd: {  	v17 =	vld [tilespmem:s0+$0x4520]  }
0xce: {  	v18 =	vld [tilespmem:s0+$0x4530]  }
0xcf: {  	v19 =	vld [tilespmem:s0+$0x4540]  }
0xd0: {  	v20 =	vld [tilespmem:s0+$0x4550]  }
0xd1: {  	v21 =	vld [tilespmem:s0+$0x4560]  }
0xd2: {  	v22 =	vld [tilespmem:s0+$0x4570]  }
0xd3: {  	v23 =	vld [tilespmem:s0+$0x4900]  }
0xd4: {  	v24 =	vld [tilespmem:s0+$0x4910]  }
0xd5: {  	v25 =	vld [tilespmem:s0+$0x4920]  }
0xd6: {  	v26 =	vld [tilespmem:s0+$0x4930]  }
0xd7: {  	v27 =	vld [tilespmem:s0+$0x4940]  }
0xd8: {  	v28 =	vld [tilespmem:s0+$0x4950]  }
0xd9: {  	v29 =	vld [tilespmem:s0+$0x4960]  }
0xda: {  	v30 =	vld [tilespmem:s0+$0x4970]  }
0xdb: {  	v31 =	vld [tilespmem:s0+$0x4D00]  }
0xdc: {  	v32 =	vld [tilespmem:s0+$0x4D10]  }
0xdd: {  	v33 =	vld [tilespmem:s0+$0x4D20]  }
0xde: {  	v34 =	vld [tilespmem:s0+$0x4D30]  }
0xdf: {  	v35 =	vld [tilespmem:s0+$0x4D40]  }
0xe0: {  	v36 =	vld [tilespmem:s0+$0x4D50]  }
0xe1: {  	v37 =	vld [tilespmem:s0+$0x4D60]  }
0xe2: {  	v38 =	vld [tilespmem:s0+$0x4D70]  }
0xe3: {  	v39 =	vld [tilespmem:s0+$0x5100]  }
0xe4: {  	v40 =	vld [tilespmem:s0+$0x5110]  }
0xe5: {  	v41 =	vld [tilespmem:s0+$0x5120]  }
0xe6: {  	v42 =	vld [tilespmem:s0+$0x5130]  }
0xe7: {  	v43 =	vld [tilespmem:s0+$0x5140]  }
0xe8: {  	v44 =	vld [tilespmem:s0+$0x5150]  }
0xe9: {  	v45 =	vld [tilespmem:s0+$0x5160]  }
0xea: {  	v46 =	vld [tilespmem:s0+$0x5500]  }
0xeb: {  	v47 =	vld [tilespmem:s0+$0x5510]  }
0xec: {  	v48 =	vld [tilespmem:s0+$0x11510]  }
0xed: {  	v49 =	vld [tilespmem:s0+$0x11530]  }
0xee: {  	v50 =	vld [tilespmem:s0+$0x5530]  }
0xef: {  	v51 =	vld [tilespmem:s0+$0x5520]  }
0xf0: {  	v7 =	vld [tilespmem:s29+$0x0]  }
0xf1: {  	v8 =	vld [tilespmem:s30+$0x0]  }
0xf2: {  	v52 =	vld [tilespmem:s0+$0x11520]  }
0xf3: {  	v53 =	vld [tilespmem:s0+$0x11500]  }
0xf4: {  	v54 =	vld [tilespmem:s0+$0x5170]  }
0xf5: {  	v55 =	vld [tilespmem:s0+$0x11170];
	v50 =	vmul.f32 v50, v7  }
0xf6: {  	v56 =	vld [tilespmem:s0+$0x11160];
	v49 =	vmul.f32 v49, v8;
	v51 =	vmul.f32 v51, v7  }
0xf7: {  	v57 =	vld [tilespmem:s0+$0x11150];
	v52 =	vmul.f32 v52, v8;
	v47 =	vmul.f32 v47, v7  }
0xf8: {  	v61 =	vld [tilespmem:s0+$0x11100];
	v48 =	vmul.f32 v48, v8;
	v46 =	vmul.f32 v46, v7  }
0xf9: {  	v58 =	vld [tilespmem:s0+$0x11140];
	v62 =	vmul.f32 v53, v8;
	v63 =	vmul.f32 v54, v7;
	v49 =	vadd.f32 v49, v50  }
0xfa: {  	v53 =	vld [tilespmem:s0+$0x11130];
	v59 =	vmul.f32 v55, v8;
	v45 =	vmul.f32 v45, v7;
	v51 =	vadd.f32 v52, v51  }
0xfb: {  	v60 =	vmul.f32 v56, v8;
	v44 =	vmul.f32 v44, v7;
	v56 =	vld [tilespmem:s0+$0x10D60];
	v47 =	vadd.f32 v48, v47;
	[tilespmem:s0+$0x5530] =	vst v49  }
0xfc: {  	v43 =	vmul.f32 v43, v7;
	v39 =	vmul.f32 v39, v7;
	v55 =	vld [tilespmem:s0+$0x10970];
	v46 =	vadd.f32 v62, v46;
	[tilespmem:s0+$0x5520] =	vst v51  }
0xfd: {  	v61 =	vmul.f32 v61, v8;
	v12 =	vmul.f32 v12, v7;
	v48 =	vld [tilespmem:s0+$0x11120];
	v52 =	vadd.f32 v59, v63;
	[tilespmem:s0+$0x5510] =	vst v47  }
0xfe: {  	v11 =	vmul.f32 v11, v8;
	v63 =	vmul.f32 v58, v8;
	v45 =	vadd.f32 v60, v45;
	v58 =	vld [tilespmem:s0+$0x10D50];
	[tilespmem:s0+$0x5500] =	vst v46  }
0xff: {  	v42 =	vmul.f32 v42, v7;
	v62 =	vmul.f32 v57, v8;
	v59 =	vld [tilespmem:s0+$0x10D40];
	v39 =	vadd.f32 v61, v39;
	[tilespmem:s0+$0x5170] =	vst v52  }
0x100: {  	v41 =	vmul.f32 v41, v7;
	v40 =	vmul.f32 v40, v7;
	v60 =	vld [tilespmem:s0+$0x10D30];
	v11 =	vadd.f32 v11, v12;
	[tilespmem:s0+$0x5160] =	vst v45  }
0x101: {  	v38 =	vmul.f32 v38, v7;
	v61 =	vld [tilespmem:s0+$0x10910];
	v44 =	vadd.f32 v62, v44;
	[tilespmem:s0+$0x5100] =	vst v39;
	v57 =	vmul.f32 v53, v8  }
0x102: {  	v37 =	vmul.f32 v37, v7;
	v49 =	vld [tilespmem:s0+$0x11110];
	v43 =	vadd.f32 v63, v43;
	[tilespmem:s0+$0x4140] =	vst v11;
	v46 =	vmul.f32 v56, v8  }
0x103: {  	v36 =	vmul.f32 v36, v7;
	v47 =	vld [tilespmem:s0+$0x10D70];
	[tilespmem:s0+$0x5150] =	vst v44;
	v48 =	vmul.f32 v48, v8;
	v42 =	vadd.f32 v57, v42  }
0x104: {  	v35 =	vmul.f32 v35, v7;
	v62 =	vld [tilespmem:s0+$0x10D20];
	[tilespmem:s0+$0x5140] =	vst v43;
	v54 =	vmul.f32 v58, v8;
	v37 =	vadd.f32 v46, v37  }
0x105: {  	v34 =	vmul.f32 v34, v7;
	v63 =	vld [tilespmem:s0+$0x10D10];
	v45 =	vmul.f32 v59, v8;
	v41 =	vadd.f32 v48, v41;
	[tilespmem:s0+$0x5130] =	vst v42  }
0x106: {  	v33 =	vmul.f32 v33, v7;
	v56 =	vld [tilespmem:s0+$0x10960];
	v44 =	vmul.f32 v60, v8;
	v36 =	vadd.f32 v54, v36;
	[tilespmem:s0+$0x4D60] =	vst v37  }
0x107: {  	v32 =	vmul.f32 v32, v7;
	v53 =	vld [tilespmem:s0+$0x10D00];
	v49 =	vmul.f32 v49, v8;
	v35 =	vadd.f32 v45, v35;
	[tilespmem:s0+$0x5120] =	vst v41  }
0x108: {  	v6 =	vmul.f32 v6, v7;
	v12 =	vld [tilespmem:s0+$0x5560];
	v47 =	vmul.f32 v47, v8;
	v34 =	vadd.f32 v44, v34;
	[tilespmem:s0+$0x4D50] =	vst v36  }
0x109: {  	v5 =	vmul.f32 v5, v8;
	v58 =	vld [tilespmem:s0+$0x10940];
	v43 =	vmul.f32 v62, v8;
	v40 =	vadd.f32 v49, v40;
	[tilespmem:s0+$0x4D40] =	vst v35  }
0x10a: {  	v29 =	vmul.f32 v29, v7;
	v59 =	vld [tilespmem:s0+$0x10930];
	v42 =	vmul.f32 v63, v8;
	v38 =	vadd.f32 v47, v38;
	[tilespmem:s0+$0x4D30] =	vst v34  }
0x10b: {  	v5 =	vadd.f32 v5, v6;
	v6 =	vld [tilespmem:s0+$0x4100];
	v39 =	vmul.f32 v56, v8;
	v33 =	vadd.f32 v43, v33;
	[tilespmem:s0+$0x5110] =	vst v40  }
0x10c: {  	v31 =	vmul.f32 v31, v7;
	v60 =	vld [tilespmem:s0+$0x10920];
	v41 =	vmul.f32 v53, v8;
	v32 =	vadd.f32 v42, v32;
	[tilespmem:s0+$0x4D70] =	vst v38  }
0x10d: {  	v24 =	vmul.f32 v24, v7;
	v57 =	vld [tilespmem:s0+$0x10950];
	v34 =	vmul.f32 v61, v8;
	v29 =	vadd.f32 v39, v29;
	[tilespmem:s0+$0x4D20] =	vst v33  }
0x10e: {  	v27 =	vmul.f32 v27, v7;
	v62 =	vld [tilespmem:s0+$0x10900];
	v37 =	vmul.f32 v58, v8;
	v31 =	vadd.f32 v41, v31;
	[tilespmem:s0+$0x4D10] =	vst v32  }
0x10f: {  	v26 =	vmul.f32 v26, v7;
	v63 =	vld [tilespmem:s0+$0x10570];
	v36 =	vmul.f32 v59, v8;
	v24 =	vadd.f32 v34, v24;
	[tilespmem:s0+$0x4960] =	vst v29  }
0x110: {  	v30 =	vmul.f32 v30, v7;
	v40 =	vmul.f32 v55, v8;
	v27 =	vadd.f32 v37, v27;
	v29 =	vld [tilespmem:s0+$0x10540];
	[tilespmem:s0+$0x4D00] =	vst v31  }
0x111: {  	v25 =	vmul.f32 v25, v7;
	v35 =	vmul.f32 v60, v8;
	v26 =	vadd.f32 v36, v26;
	v31 =	vld [tilespmem:s0+$0x10560];
	[tilespmem:s0+$0x4910] =	vst v24  }
0x112: {  	v28 =	vmul.f32 v28, v7;
	v38 =	vmul.f32 v57, v8;
	v30 =	vadd.f32 v40, v30;
	v24 =	vld [tilespmem:s0+$0x10170];
	[tilespmem:s0+$0x4940] =	vst v27  }
0x113: {  	v23 =	vmul.f32 v23, v7;
	v33 =	vmul.f32 v62, v8;
	v25 =	vadd.f32 v35, v25;
	v27 =	vld [tilespmem:s0+$0x10520];
	[tilespmem:s0+$0x4930] =	vst v26  }
0x114: {  	v22 =	vmul.f32 v22, v7;
	v32 =	vmul.f32 v63, v8;
	v28 =	vadd.f32 v38, v28;
	[tilespmem:s0+$0x4970] =	vst v30;
	v30 =	vld [tilespmem:s0+$0x10550]  }
0x115: {  	v19 =	vmul.f32 v19, v7;
	v23 =	vadd.f32 v33, v23;
	[tilespmem:s0+$0x4920] =	vst v25;
	v25 =	vld [tilespmem:s0+$0x10500];
	v29 =	vmul.f32 v29, v8  }
0x116: {  	v21 =	vmul.f32 v21, v7;
	v22 =	vadd.f32 v32, v22;
	[tilespmem:s0+$0x4950] =	vst v28;
	v28 =	vld [tilespmem:s0+$0x10530];
	v31 =	vmul.f32 v31, v8  }
0x117: {  	v14 =	vmul.f32 v14, v7;
	[tilespmem:s0+$0x4900] =	vst v23;
	v23 =	vld [tilespmem:s0+$0x10160];
	v24 =	vmul.f32 v24, v8;
	v19 =	vadd.f32 v29, v19  }
0x118: {  	v17 =	vmul.f32 v17, v7;
	v26 =	vld [tilespmem:s0+$0x10510];
	[tilespmem:s0+$0x4570] =	vst v22;
	v27 =	vmul.f32 v27, v8;
	v21 =	vadd.f32 v31, v21  }
0x119: {  	v20 =	vmul.f32 v20, v7;
	v22 =	vld [tilespmem:s0+$0x4150];
	v30 =	vmul.f32 v30, v8;
	v14 =	vadd.f32 v24, v14;
	[tilespmem:s0+$0x4540] =	vst v19  }
0x11a: {  	v15 =	vmul.f32 v15, v7;
	v25 =	vmul.f32 v25, v8;
	v17 =	vadd.f32 v27, v17;
	v19 =	vld [tilespmem:s0+$0x11550];
	[tilespmem:s0+$0x4560] =	vst v21  }
0x11b: {  	v18 =	vmul.f32 v18, v7;
	v28 =	vmul.f32 v28, v8;
	v20 =	vadd.f32 v30, v20;
	v21 =	vld [tilespmem:s0+$0x10150];
	[tilespmem:s0+$0x4170] =	vst v14  }
0x11c: {  	v13 =	vmul.f32 v13, v7;
	v23 =	vmul.f32 v23, v8;
	v15 =	vadd.f32 v25, v15;
	[tilespmem:s0+$0x4520] =	vst v17;
	v17 =	vld [tilespmem:s0+$0x5540]  }
0x11d: {  	v16 =	vmul.f32 v16, v7;
	v26 =	vmul.f32 v26, v8;
	v18 =	vadd.f32 v28, v18;
	[tilespmem:s0+$0x4550] =	vst v20;
	v20 =	vld [tilespmem:s0+$0x11540]  }
0x11e: {  	v10 =	vmul.f32 v10, v7;
	v9 =	vmul.f32 v9, v8;
	v13 =	vadd.f32 v23, v13;
	[tilespmem:s0+$0x4500] =	vst v15;
	v15 =	vld [tilespmem:s0+$0x5550]  }
0x11f: {  	v4 =	vmul.f32 v4, v7;
	v3 =	vmul.f32 v3, v8;
	v16 =	vadd.f32 v26, v16;
	[tilespmem:s0+$0x4530] =	vst v18;
	v18 =	vld [tilespmem:s0+$0x11560]  }
0x120: {  	v9 =	vadd.f32 v9, v10;
	v10 =	vmul.f32 v22, v7;
	v14 =	vld [tilespmem:s0+$0x5570];
	[tilespmem:s0+$0x4160] =	vst v13;
	v13 =	vmul.f32 v21, v8  }
0x121: {  	v3 =	vadd.f32 v3, v4;
	[tilespmem:s0+$0x4510] =	vst v16;
	v16 =	vld [tilespmem:s0+$0x11570]  }
0x122: {  	s16 =	simm.s32 $0x0;
	[tilespmem:s0+$0x4130] =	vst v9;
	v9 =	vld [tilespmem:s0+$0x10100];
	v11 =	vmul.f32 v17, v7;
	v17 =	vmul.f32 v20, v8;
	v4 =	vadd.f32 v13, v10  }
0x123: {  	s31 =	smul.u32 $0x1800, s16;
	s1 =	simm.s32 $0x80;
	[tilespmem:s0+$0x4120] =	vst v5;
	v5 =	vmul.f32 v15, v7;
	v10 =	vmul.f32 v19, v8  }
0x124: {  	s14 =	sand.u32 $0x380, s1;
	v11 =	vadd.f32 v17, v11;
	[tilespmem:s0+$0x4150] =	vst v4;
	v4 =	vmul.f32 v12, v7;
	v12 =	vmul.f32 v18, v8  }
0x125: {  	s31 =	sor.u32 s14, s31;
	[tilespmem:s0+$0x4110] =	vst v3;
	v5 =	vadd.f32 v10, v5  }
0x126: {  	v3 =	vld [tilespmem:s31+$0x4110];
	v10 =	vmul.f32 v14, v7;
	[tilespmem:s0+$0x5540] =	vst v11;
	v11 =	vmul.f32 v16, v8;
	v12 =	vadd.f32 v12, v4  }
0x127: {  	v7 =	vmul.f32 v6, v7;
	v8 =	vmul.f32 v9, v8;
	v4 =	vld [tilespmem:s31+$0x10110];
	[tilespmem:s0+$0x5550] =	vst v5  }
0x128: {  	v9 =	vadd.f32 v11, v10;
	v6 =	vld [tilespmem:s31+$0x4120];
	[tilespmem:s0+$0x5560] =	vst v12  }
0x129: {  	v7 =	vadd.f32 v8, v7;
	v5 =	vld [tilespmem:s31+$0x10120]  }
0x12a: {  	v8 =	vld [tilespmem:s31+$0x4130];
	[tilespmem:s0+$0x5570] =	vst v9  }
0x12b: {  	v18 =	vld [tilespmem:s31+$0x4530];
	[tilespmem:s0+$0x4100] =	vst v7  }
0x12c: {  	v7 =	vld [tilespmem:s31+$0x10130]  }
0x12d: {  	v10 =	vld [tilespmem:s31+$0x4140]  }
0x12e: {  	v9 =	vld [tilespmem:s31+$0x10140]  }
0x12f: {  	v12 =	vld [tilespmem:s31+$0x4150]  }
0x130: {  	v11 =	vld [tilespmem:s31+$0x10150]  }
0x131: {  	v13 =	vld [tilespmem:s31+$0x4160]  }
0x132: {  	v14 =	vld [tilespmem:s31+$0x4170]  }
0x133: {  	v15 =	vld [tilespmem:s31+$0x4500]  }
0x134: {  	v16 =	vld [tilespmem:s31+$0x4510]  }
0x135: {  	v17 =	vld [tilespmem:s31+$0x4520]  }
0x136: {  	v19 =	vld [tilespmem:s31+$0x4540]  }
0x137: {  	v20 =	vld [tilespmem:s31+$0x4550]  }
0x138: {  	v21 =	vld [tilespmem:s31+$0x4560]  }
0x139: {  	v22 =	vld [tilespmem:s31+$0x4570]  }
0x13a: {  	v23 =	vld [tilespmem:s31+$0x4900]  }
0x13b: {  	v24 =	vld [tilespmem:s31+$0x4910]  }
0x13c: {  	v25 =	vld [tilespmem:s31+$0x4920]  }
0x13d: {  	v26 =	vld [tilespmem:s31+$0x4930]  }
0x13e: {  	v27 =	vld [tilespmem:s31+$0x4940]  }
0x13f: {  	v28 =	vld [tilespmem:s31+$0x4950]  }
0x140: {  	v29 =	vld [tilespmem:s31+$0x4960]  }
0x141: {  	v30 =	vld [tilespmem:s31+$0x4970]  }
0x142: {  	v31 =	vld [tilespmem:s31+$0x4D00]  }
0x143: {  	v34 =	vld [tilespmem:s31+$0x4D10]  }
0x144: {  	v35 =	vld [tilespmem:s31+$0x4D20]  }
0x145: {  	v36 =	vld [tilespmem:s31+$0x4D30]  }
0x146: {  	v37 =	vld [tilespmem:s31+$0x4D40]  }
0x147: {  	v38 =	vld [tilespmem:s31+$0x4D50]  }
0x148: {  	v39 =	vld [tilespmem:s31+$0x4D60]  }
0x149: {  	v40 =	vld [tilespmem:s31+$0x4D70]  }
0x14a: {  	v41 =	vld [tilespmem:s31+$0x5100]  }
0x14b: {  	v42 =	vld [tilespmem:s31+$0x5110]  }
0x14c: {  	v43 =	vld [tilespmem:s31+$0x5120]  }
0x14d: {  	v44 =	vld [tilespmem:s31+$0x5130]  }
0x14e: {  	v45 =	vld [tilespmem:s31+$0x5140]  }
0x14f: {  	v46 =	vld [tilespmem:s31+$0x5150]  }
0x150: {  	v47 =	vld [tilespmem:s31+$0x5160]  }
0x151: {  	v48 =	vld [tilespmem:s31+$0x5500]  }
0x152: {  	v50 =	vld [tilespmem:s31+$0x5510]  }
0x153: {  	v49 =	vld [tilespmem:s31+$0x11510]  }
0x154: {  	s0 =	simm.s32 $0x2;
	v51 =	vld [tilespmem:s31+$0x11530]  }
.LBB2_2:
0x155: {  	p0 =	sne.s32 s0, $0x3F;
	v52 =	vld [tilespmem:s31+$0x5530]  }
0x156: {  	s29 =	sadd.s32 $0x80, s29;
	v53 =	vld [tilespmem:s31+$0x5520]  }
0x157: {  	s30 =	sadd.s32 $0x80, s30;
	v33 =	vld [tilespmem:s29+$0x0]  }
0x158: {  	v32 =	vld [tilespmem:s30+$0x0]  }
0x159: {  	v54 =	vld [tilespmem:s31+$0x11520]  }
0x15a: {  	v55 =	vld [tilespmem:s31+$0x11500]  }
0x15b: {  	v56 =	vld [tilespmem:s31+$0x5170]  }
0x15c: {  	v57 =	vld [tilespmem:s31+$0x11170];
	v50 =	vmul.f32 v50, v33;
	v53 =	vmul.f32 v53, v33  }
0x15d: {  	v52 =	vmul.f32 v52, v33;
	v58 =	vld [tilespmem:s31+$0x11160];
	v51 =	vmul.f32 v51, v32  }
0x15e: {  	v49 =	vmul.f32 v49, v32;
	v59 =	vld [tilespmem:s31+$0x11150];
	v54 =	vmul.f32 v54, v32  }
0x15f: {  	v48 =	vmul.f32 v48, v33;
	v60 =	vld [tilespmem:s31+$0x11140];
	v55 =	vmul.f32 v55, v32;
	v51 =	vadd.f32 v51, v52  }
0x160: {  	v49 =	vadd.f32 v49, v50;
	v52 =	vld [tilespmem:s31+$0x11130];
	v56 =	vmul.f32 v56, v33;
	v50 =	vadd.f32 v54, v53  }
0x161: {  	v47 =	vmul.f32 v47, v33;
	v53 =	vld [tilespmem:s31+$0x11120];
	v54 =	vmul.f32 v57, v32;
	v48 =	vadd.f32 v55, v48;
	[tilespmem:s31+$0x5530] =	vst v51  }
0x162: {  	v46 =	vmul.f32 v46, v33;
	v51 =	vld [tilespmem:s31+$0x11110];
	v55 =	vmul.f32 v58, v32;
	[tilespmem:s31+$0x5520] =	vst v50  }
0x163: {  	v45 =	vmul.f32 v45, v33;
	v50 =	vld [tilespmem:s31+$0x11100];
	v57 =	vmul.f32 v59, v32;
	v54 =	vadd.f32 v54, v56;
	[tilespmem:s31+$0x5510] =	vst v49  }
0x164: {  	v44 =	vmul.f32 v44, v33;
	v49 =	vld [tilespmem:s31+$0x10D70];
	v56 =	vmul.f32 v60, v32;
	v47 =	vadd.f32 v55, v47;
	[tilespmem:s31+$0x5500] =	vst v48  }
0x165: {  	v43 =	vmul.f32 v43, v33;
	v48 =	vld [tilespmem:s31+$0x10D60];
	v52 =	vmul.f32 v52, v32;
	v46 =	vadd.f32 v57, v46;
	[tilespmem:s31+$0x5170] =	vst v54  }
0x166: {  	v42 =	vmul.f32 v42, v33;
	v54 =	vld [tilespmem:s31+$0x10D50];
	v53 =	vmul.f32 v53, v32;
	v45 =	vadd.f32 v56, v45;
	[tilespmem:s31+$0x5160] =	vst v47  }
0x167: {  	v41 =	vmul.f32 v41, v33;
	v47 =	vld [tilespmem:s31+$0x10D40];
	v51 =	vmul.f32 v51, v32;
	v44 =	vadd.f32 v52, v44;
	[tilespmem:s31+$0x5150] =	vst v46  }
0x168: {  	v40 =	vmul.f32 v40, v33;
	v46 =	vld [tilespmem:s31+$0x10D30];
	v50 =	vmul.f32 v50, v32;
	v43 =	vadd.f32 v53, v43;
	[tilespmem:s31+$0x5140] =	vst v45  }
0x169: {  	v39 =	vmul.f32 v39, v33;
	v45 =	vld [tilespmem:s31+$0x10D20];
	v49 =	vmul.f32 v49, v32;
	v42 =	vadd.f32 v51, v42;
	[tilespmem:s31+$0x5130] =	vst v44  }
0x16a: {  	v38 =	vmul.f32 v38, v33;
	v44 =	vld [tilespmem:s31+$0x10D10];
	v48 =	vmul.f32 v48, v32;
	v41 =	vadd.f32 v50, v41;
	[tilespmem:s31+$0x5120] =	vst v43  }
0x16b: {  	v37 =	vmul.f32 v37, v33;
	v43 =	vld [tilespmem:s31+$0x10D00];
	v50 =	vmul.f32 v54, v32;
	v40 =	vadd.f32 v49, v40;
	[tilespmem:s31+$0x5110] =	vst v42  }
0x16c: {  	v36 =	vmul.f32 v36, v33;
	v42 =	vld [tilespmem:s31+$0x10970];
	v47 =	vmul.f32 v47, v32;
	v39 =	vadd.f32 v48, v39;
	[tilespmem:s31+$0x5100] =	vst v41  }
0x16d: {  	v35 =	vmul.f32 v35, v33;
	v41 =	vld [tilespmem:s31+$0x10960];
	v46 =	vmul.f32 v46, v32;
	v38 =	vadd.f32 v50, v38;
	[tilespmem:s31+$0x4D70] =	vst v40  }
0x16e: {  	v34 =	vmul.f32 v34, v33;
	v40 =	vld [tilespmem:s31+$0x10950];
	v45 =	vmul.f32 v45, v32;
	v37 =	vadd.f32 v47, v37;
	[tilespmem:s31+$0x4D60] =	vst v39  }
0x16f: {  	v31 =	vmul.f32 v31, v33;
	v39 =	vld [tilespmem:s31+$0x10940];
	v44 =	vmul.f32 v44, v32;
	v36 =	vadd.f32 v46, v36;
	[tilespmem:s31+$0x4D50] =	vst v38  }
0x170: {  	v30 =	vmul.f32 v30, v33;
	v38 =	vld [tilespmem:s31+$0x10930];
	v43 =	vmul.f32 v43, v32;
	v35 =	vadd.f32 v45, v35;
	[tilespmem:s31+$0x4D40] =	vst v37  }
0x171: {  	v29 =	vmul.f32 v29, v33;
	v37 =	vld [tilespmem:s31+$0x10920];
	v42 =	vmul.f32 v42, v32;
	v34 =	vadd.f32 v44, v34;
	[tilespmem:s31+$0x4D30] =	vst v36  }
0x172: {  	v28 =	vmul.f32 v28, v33;
	v36 =	vld [tilespmem:s31+$0x10910];
	v41 =	vmul.f32 v41, v32;
	v31 =	vadd.f32 v43, v31;
	[tilespmem:s31+$0x4D20] =	vst v35  }
0x173: {  	v27 =	vmul.f32 v27, v33;
	v35 =	vld [tilespmem:s31+$0x10900];
	v40 =	vmul.f32 v40, v32;
	v30 =	vadd.f32 v42, v30;
	[tilespmem:s31+$0x4D10] =	vst v34  }
0x174: {  	v26 =	vmul.f32 v26, v33;
	v34 =	vld [tilespmem:s31+$0x10570];
	v39 =	vmul.f32 v39, v32;
	v29 =	vadd.f32 v41, v29;
	[tilespmem:s31+$0x4D00] =	vst v31  }
0x175: {  	v25 =	vmul.f32 v25, v33;
	v31 =	vld [tilespmem:s31+$0x10560];
	v38 =	vmul.f32 v38, v32;
	v28 =	vadd.f32 v40, v28;
	[tilespmem:s31+$0x4970] =	vst v30  }
0x176: {  	v24 =	vmul.f32 v24, v33;
	v30 =	vld [tilespmem:s31+$0x10550];
	v37 =	vmul.f32 v37, v32;
	v27 =	vadd.f32 v39, v27;
	[tilespmem:s31+$0x4960] =	vst v29  }
0x177: {  	v23 =	vmul.f32 v23, v33;
	v29 =	vld [tilespmem:s31+$0x10540];
	v36 =	vmul.f32 v36, v32;
	v26 =	vadd.f32 v38, v26;
	[tilespmem:s31+$0x4950] =	vst v28  }
0x178: {  	v22 =	vmul.f32 v22, v33;
	v28 =	vld [tilespmem:s31+$0x10530];
	v35 =	vmul.f32 v35, v32;
	v25 =	vadd.f32 v37, v25;
	[tilespmem:s31+$0x4940] =	vst v27  }
0x179: {  	v21 =	vmul.f32 v21, v33;
	v27 =	vld [tilespmem:s31+$0x10520];
	v34 =	vmul.f32 v34, v32;
	v24 =	vadd.f32 v36, v24;
	[tilespmem:s31+$0x4930] =	vst v26  }
0x17a: {  	v20 =	vmul.f32 v20, v33;
	v26 =	vld [tilespmem:s31+$0x10510];
	v31 =	vmul.f32 v31, v32;
	v23 =	vadd.f32 v35, v23;
	[tilespmem:s31+$0x4920] =	vst v25  }
0x17b: {  	v19 =	vmul.f32 v19, v33;
	v25 =	vld [tilespmem:s31+$0x10500];
	v30 =	vmul.f32 v30, v32;
	v22 =	vadd.f32 v34, v22;
	[tilespmem:s31+$0x4910] =	vst v24  }
0x17c: {  	v18 =	vmul.f32 v18, v33;
	v24 =	vld [tilespmem:s31+$0x10170];
	v29 =	vmul.f32 v29, v32;
	v21 =	vadd.f32 v31, v21;
	[tilespmem:s31+$0x4900] =	vst v23  }
0x17d: {  	v17 =	vmul.f32 v17, v33;
	v23 =	vld [tilespmem:s31+$0x10160];
	v28 =	vmul.f32 v28, v32;
	v20 =	vadd.f32 v30, v20;
	[tilespmem:s31+$0x4570] =	vst v22  }
0x17e: {  	v16 =	vmul.f32 v16, v33;
	v22 =	vmul.f32 v27, v32;
	v19 =	vadd.f32 v29, v19;
	[tilespmem:s31+$0x4560] =	vst v21;
	v21 =	vld [tilespmem:s31+$0x11540]  }
0x17f: {  	v15 =	vmul.f32 v15, v33;
	v26 =	vmul.f32 v26, v32;
	v18 =	vadd.f32 v28, v18;
	[tilespmem:s31+$0x4550] =	vst v20;
	v20 =	vld [tilespmem:s31+$0x11550]  }
0x180: {  	v14 =	vmul.f32 v14, v33;
	v25 =	vmul.f32 v25, v32;
	v17 =	vadd.f32 v22, v17;
	[tilespmem:s31+$0x4540] =	vst v19;
	v19 =	vld [tilespmem:s31+$0x11560]  }
0x181: {  	v13 =	vmul.f32 v13, v33;
	v22 =	vmul.f32 v24, v32;
	v16 =	vadd.f32 v26, v16;
	[tilespmem:s31+$0x4530] =	vst v18;
	v18 =	vld [tilespmem:s31+$0x11570]  }
0x182: {  	v12 =	vmul.f32 v12, v33;
	v23 =	vmul.f32 v23, v32;
	v15 =	vadd.f32 v25, v15;
	[tilespmem:s31+$0x4520] =	vst v17;
	v17 =	vld [tilespmem:s31+$0x5540]  }
0x183: {  	v10 =	vmul.f32 v10, v33;
	v11 =	vmul.f32 v11, v32;
	v14 =	vadd.f32 v22, v14;
	[tilespmem:s31+$0x4510] =	vst v16;
	v16 =	vld [tilespmem:s31+$0x5550]  }
0x184: {  	v8 =	vmul.f32 v8, v33;
	v9 =	vmul.f32 v9, v32;
	v13 =	vadd.f32 v23, v13;
	[tilespmem:s31+$0x4500] =	vst v15;
	v15 =	vld [tilespmem:s31+$0x5560]  }
0x185: {  	v6 =	vmul.f32 v6, v33;
	v7 =	vmul.f32 v7, v32;
	v11 =	vadd.f32 v11, v12;
	[tilespmem:s31+$0x4170] =	vst v14;
	v12 =	vld [tilespmem:s31+$0x5570]  }
0x186: {  	v3 =	vmul.f32 v3, v33;
	v5 =	vmul.f32 v5, v32;
	v9 =	vadd.f32 v9, v10;
	v14 =	vld [tilespmem:s31+$0x4100];
	[tilespmem:s31+$0x4160] =	vst v13  }
0x187: {  	v4 =	vmul.f32 v4, v32;
	v7 =	vadd.f32 v7, v8;
	v10 =	vld [tilespmem:s31+$0x10100];
	[tilespmem:s31+$0x4150] =	vst v11;
	v8 =	vmul.f32 v17, v33  }
0x188: {  	s14 =	sshrl.u32 s0, $0x3;
	v5 =	vadd.f32 v5, v6;
	v6 =	vmul.f32 v21, v32;
	[tilespmem:s31+$0x4140] =	vst v9;
	v9 =	vmul.f32 v16, v33  }
0x189: {  	s1 =	sadd.s32 $0x80, s1;
	s14 =	smul.u32 $0x1800, s14;
	v3 =	vadd.f32 v4, v3;
	v4 =	vmul.f32 v20, v32;
	[tilespmem:s31+$0x4130] =	vst v7;
	v7 =	vmul.f32 v15, v33  }
0x18a: {  	s16 =	sand.u32 $0x380, s1;
	[tilespmem:s31+$0x4120] =	vst v5;
	v5 =	vadd.f32 v6, v8;
	v6 =	vmul.f32 v19, v32;
	v8 =	vmul.f32 v12, v33  }
0x18b: {  	s14 =	sor.u32 s16, s14;
	v9 =	vadd.f32 v4, v9;
	v12 =	vmul.f32 v18, v32;
	v11 =	vmul.f32 v14, v33;
	[tilespmem:s31+$0x4110] =	vst v3  }
0x18c: {  	v3 =	vld [tilespmem:s14+$0x4110];
	v10 =	vmul.f32 v10, v32;
	[tilespmem:s31+$0x5540] =	vst v5;
	v5 =	vadd.f32 v6, v7  }
0x18d: {  	v7 =	vadd.f32 v12, v8;
	v4 =	vld [tilespmem:s14+$0x10110];
	[tilespmem:s31+$0x5550] =	vst v9  }
0x18e: {  	v6 =	vld [tilespmem:s14+$0x4120];
	v9 =	vadd.f32 v10, v11;
	[tilespmem:s31+$0x5560] =	vst v5  }
0x18f: {  	v5 =	vld [tilespmem:s14+$0x10120];
	[tilespmem:s31+$0x5570] =	vst v7  }
0x190: {  	v8 =	vld [tilespmem:s14+$0x4130];
	[tilespmem:s31+$0x4100] =	vst v9;
	s31 =	smov.u32 s14  }
0x191: {  	v7 =	vld [tilespmem:s31+$0x10130]  }
0x192: {  	v10 =	vld [tilespmem:s31+$0x4140]  }
0x193: {  	v9 =	vld [tilespmem:s31+$0x10140]  }
0x194: {  	v12 =	vld [tilespmem:s31+$0x4150]  }
0x195: {  	v11 =	vld [tilespmem:s31+$0x10150]  }
0x196: {  	v13 =	vld [tilespmem:s31+$0x4160]  }
0x197: {  	v14 =	vld [tilespmem:s31+$0x4170]  }
0x198: {  	v15 =	vld [tilespmem:s31+$0x4500]  }
0x199: {  	v16 =	vld [tilespmem:s31+$0x4510]  }
0x19a: {  	v17 =	vld [tilespmem:s31+$0x4520]  }
0x19b: {  	v18 =	vld [tilespmem:s31+$0x4530]  }
0x19c: {  	v19 =	vld [tilespmem:s31+$0x4540]  }
0x19d: {  	v20 =	vld [tilespmem:s31+$0x4550]  }
0x19e: {  	v21 =	vld [tilespmem:s31+$0x4560]  }
0x19f: {  	v22 =	vld [tilespmem:s31+$0x4570]  }
0x1a0: {  	v23 =	vld [tilespmem:s31+$0x4900]  }
0x1a1: {  	v24 =	vld [tilespmem:s31+$0x4910]  }
0x1a2: {  	v25 =	vld [tilespmem:s31+$0x4920]  }
0x1a3: {  	v26 =	vld [tilespmem:s31+$0x4930]  }
0x1a4: {  	v27 =	vld [tilespmem:s31+$0x4940]  }
0x1a5: {  	v28 =	vld [tilespmem:s31+$0x4950]  }
0x1a6: {  	v29 =	vld [tilespmem:s31+$0x4960]  }
0x1a7: {  	v30 =	vld [tilespmem:s31+$0x4970]  }
0x1a8: {  	v31 =	vld [tilespmem:s31+$0x4D00]  }
0x1a9: {  	v34 =	vld [tilespmem:s31+$0x4D10]  }
0x1aa: {  	v35 =	vld [tilespmem:s31+$0x4D20]  }
0x1ab: {  	v36 =	vld [tilespmem:s31+$0x4D30]  }
0x1ac: {  	v37 =	vld [tilespmem:s31+$0x4D40]  }
0x1ad: {  	v38 =	vld [tilespmem:s31+$0x4D50]  }
0x1ae: {  	v39 =	vld [tilespmem:s31+$0x4D60]  }
0x1af: {  	v40 =	vld [tilespmem:s31+$0x4D70]  }
0x1b0: {  	v41 =	vld [tilespmem:s31+$0x5100]  }
0x1b1: {  	v42 =	vld [tilespmem:s31+$0x5110]  }
0x1b2: {  	v43 =	vld [tilespmem:s31+$0x5120]  }
0x1b3: {  	v44 =	vld [tilespmem:s31+$0x5130]  }
0x1b4: {  	v45 =	vld [tilespmem:s31+$0x5140]  }
0x1b5: {  	v46 =	vld [tilespmem:s31+$0x5150]  }
.Ltmp0:
0x1b6: {  	v47 =	vld [tilespmem:s31+$0x5160];
	(pc) =	sbr.rel @p0 .LBB2_2-.Ltmp0, $4  }
0x1b7: {  	v48 =	vld [tilespmem:s31+$0x5500]  }
0x1b8: {  	v50 =	vld [tilespmem:s31+$0x5510]  }
0x1b9: {  	v49 =	vld [tilespmem:s31+$0x11510]  }
0x1ba: {  	s0 =	sadd.s32 $0x1, s0;
	v51 =	vld [tilespmem:s31+$0x11530]  }
0x1bb: {  	v52 =	vld [tilespmem:s31+$0x5530]  }
0x1bc: {  	v53 =	vld [tilespmem:s31+$0x5520];
	s0 =	sadd.s32 $0x80, s29  }
0x1bd: {  	s30 =	sadd.s32 $0x80, s30;
	v32 =	vld [tilespmem:s0+$0x0]  }
0x1be: {  	v33 =	vld [tilespmem:s30+$0x0]  }
0x1bf: {  	v54 =	vld [tilespmem:s31+$0x11520];
	_ =	sdelay $0x1  }
0x1c0: {  	v55 =	vld [tilespmem:s31+$0x11500]  }
0x1c1: {  	v56 =	vld [tilespmem:s31+$0x5170]  }
0x1c2: {  	v58 =	vld [tilespmem:s31+$0x11160];
	v52 =	vmul.f32 v52, v32;
	v51 =	vmul.f32 v51, v33  }
0x1c3: {  	v57 =	vld [tilespmem:s31+$0x11170];
	v53 =	vmul.f32 v53, v32;
	v54 =	vmul.f32 v54, v33  }
0x1c4: {  	v59 =	vld [tilespmem:s31+$0x11150];
	v50 =	vmul.f32 v50, v32;
	v49 =	vmul.f32 v49, v33  }
0x1c5: {  	v60 =	vld [tilespmem:s31+$0x11140];
	v48 =	vmul.f32 v48, v32;
	v62 =	vmul.f32 v55, v33;
	v51 =	vadd.f32 v51, v52  }
0x1c6: {  	v61 =	vld [tilespmem:s31+$0x11120];
	v63 =	vmul.f32 v56, v32;
	v47 =	vmul.f32 v47, v32;
	v53 =	vadd.f32 v54, v53  }
0x1c7: {  	v58 =	vmul.f32 v58, v33;
	v55 =	vld [tilespmem:s31+$0x10560];
	v12 =	vmul.f32 v12, v32;
	v49 =	vadd.f32 v49, v50;
	[tilespmem:s31+$0x5530] =	vst v51  }
0x1c8: {  	v56 =	vld [tilespmem:s31+$0x10550];
	v11 =	vmul.f32 v11, v33;
	v10 =	vmul.f32 v10, v32;
	v48 =	vadd.f32 v62, v48;
	[tilespmem:s31+$0x5520] =	vst v53  }
0x1c9: {  	v9 =	vmul.f32 v9, v33;
	v8 =	vmul.f32 v8, v32;
	v52 =	vld [tilespmem:s31+$0x11130];
	v47 =	vadd.f32 v58, v47;
	[tilespmem:s31+$0x5510] =	vst v49  }
0x1ca: {  	v7 =	vmul.f32 v7, v33;
	v6 =	vmul.f32 v6, v32;
	v50 =	vld [tilespmem:s31+$0x11100];
	v11 =	vadd.f32 v11, v12;
	[tilespmem:s31+$0x5500] =	vst v48  }
0x1cb: {  	v5 =	vmul.f32 v5, v33;
	v3 =	vmul.f32 v3, v32;
	v58 =	vld [tilespmem:s31+$0x10D20];
	v9 =	vadd.f32 v9, v10;
	[tilespmem:s31+$0x5160] =	vst v47  }
0x1cc: {  	v4 =	vmul.f32 v4, v33;
	v62 =	vmul.f32 v59, v33;
	v59 =	vld [tilespmem:s31+$0x10D10];
	v7 =	vadd.f32 v7, v8;
	[tilespmem:s31+$0x4150] =	vst v11  }
0x1cd: {  	v57 =	vmul.f32 v57, v33;
	v54 =	vld [tilespmem:s31+$0x10570];
	v5 =	vadd.f32 v5, v6;
	[tilespmem:s31+$0x4140] =	vst v9  }
0x1ce: {  	v46 =	vmul.f32 v46, v32;
	v3 =	vadd.f32 v4, v3;
	v51 =	vld [tilespmem:s31+$0x11110];
	[tilespmem:s31+$0x4130] =	vst v7  }
0x1cf: {  	v45 =	vmul.f32 v45, v32;
	v49 =	vld [tilespmem:s31+$0x10D70];
	v53 =	vadd.f32 v57, v63;
	v63 =	vmul.f32 v60, v33;
	[tilespmem:s31+$0x4120] =	vst v5  }
0x1d0: {  	v43 =	vmul.f32 v43, v32;
	v48 =	vld [tilespmem:s31+$0x10D60];
	v46 =	vadd.f32 v62, v46;
	v57 =	vmul.f32 v61, v33;
	[tilespmem:s31+$0x4110] =	vst v3  }
0x1d1: {  	v44 =	vmul.f32 v44, v32;
	v47 =	vld [tilespmem:s31+$0x10D40];
	[tilespmem:s31+$0x5170] =	vst v53;
	v45 =	vadd.f32 v63, v45;
	v52 =	vmul.f32 v52, v33  }
0x1d2: {  	v41 =	vmul.f32 v41, v32;
	v60 =	vld [tilespmem:s31+$0x10D00];
	[tilespmem:s31+$0x5150] =	vst v46;
	v43 =	vadd.f32 v57, v43;
	v50 =	vmul.f32 v50, v33  }
0x1d3: {  	v35 =	vmul.f32 v35, v32;
	v61 =	vld [tilespmem:s31+$0x10970];
	[tilespmem:s31+$0x5140] =	vst v45;
	v45 =	vmul.f32 v58, v33;
	v44 =	vadd.f32 v52, v44  }
0x1d4: {  	v42 =	vmul.f32 v42, v32;
	v53 =	vld [tilespmem:s31+$0x10D50];
	[tilespmem:s31+$0x5120] =	vst v43;
	v51 =	vmul.f32 v51, v33;
	v41 =	vadd.f32 v50, v41  }
0x1d5: {  	v40 =	vmul.f32 v40, v32;
	v46 =	vld [tilespmem:s31+$0x10D30];
	v49 =	vmul.f32 v49, v33;
	v35 =	vadd.f32 v45, v35;
	[tilespmem:s31+$0x5130] =	vst v44  }
0x1d6: {  	v39 =	vmul.f32 v39, v32;
	v62 =	vld [tilespmem:s31+$0x10960];
	v48 =	vmul.f32 v48, v33;
	v42 =	vadd.f32 v51, v42;
	[tilespmem:s31+$0x5100] =	vst v41  }
0x1d7: {  	v37 =	vmul.f32 v37, v32;
	v57 =	vld [tilespmem:s31+$0x10540];
	v47 =	vmul.f32 v47, v33;
	v40 =	vadd.f32 v49, v40;
	[tilespmem:s31+$0x4D20] =	vst v35  }
0x1d8: {  	v31 =	vmul.f32 v31, v32;
	v58 =	vld [tilespmem:s31+$0x10530];
	v43 =	vmul.f32 v60, v33;
	v39 =	vadd.f32 v48, v39;
	[tilespmem:s31+$0x5110] =	vst v42  }
0x1d9: {  	v38 =	vmul.f32 v38, v32;
	v50 =	vld [tilespmem:s31+$0x10930];
	v63 =	vmul.f32 v53, v33;
	v37 =	vadd.f32 v47, v37;
	[tilespmem:s31+$0x4D70] =	vst v40  }
0x1da: {  	v36 =	vmul.f32 v36, v32;
	v60 =	vld [tilespmem:s31+$0x10510];
	v46 =	vmul.f32 v46, v33;
	v31 =	vadd.f32 v43, v31;
	[tilespmem:s31+$0x4D60] =	vst v39  }
0x1db: {  	v34 =	vmul.f32 v34, v32;
	v52 =	vld [tilespmem:s31+$0x10910];
	v44 =	vmul.f32 v59, v33;
	v38 =	vadd.f32 v63, v38;
	[tilespmem:s31+$0x4D40] =	vst v37  }
0x1dc: {  	v29 =	vmul.f32 v29, v32;
	v45 =	vld [tilespmem:s31+$0x5540];
	v41 =	vmul.f32 v62, v33;
	v36 =	vadd.f32 v46, v36;
	[tilespmem:s31+$0x4D00] =	vst v31  }
0x1dd: {  	v21 =	vmul.f32 v21, v32;
	v48 =	vld [tilespmem:s31+$0x10950];
	v62 =	vmul.f32 v55, v33;
	v34 =	vadd.f32 v44, v34;
	[tilespmem:s31+$0x4D50] =	vst v38  }
0x1de: {  	v30 =	vmul.f32 v30, v32;
	v49 =	vld [tilespmem:s31+$0x10940];
	v42 =	vmul.f32 v61, v33;
	v29 =	vadd.f32 v41, v29;
	[tilespmem:s31+$0x4D30] =	vst v36  }
0x1df: {  	v16 =	vmul.f32 v16, v32;
	v51 =	vld [tilespmem:s31+$0x10920];
	v21 =	vadd.f32 v62, v21;
	v41 =	vmul.f32 v60, v33;
	[tilespmem:s31+$0x4D10] =	vst v34  }
0x1e0: {  	v26 =	vmul.f32 v26, v32;
	v53 =	vld [tilespmem:s31+$0x10900];
	v30 =	vadd.f32 v42, v30;
	[tilespmem:s31+$0x4960] =	vst v29;
	v38 =	vmul.f32 v50, v33  }
0x1e1: {  	v24 =	vmul.f32 v24, v32;
	v59 =	vld [tilespmem:s31+$0x10520];
	v36 =	vmul.f32 v52, v33;
	[tilespmem:s31+$0x4560] =	vst v21;
	v16 =	vadd.f32 v41, v16  }
0x1e2: {  	v22 =	vmul.f32 v22, v32;
	v43 =	vld [tilespmem:s31+$0x11570];
	v34 =	vmul.f32 v54, v33;
	[tilespmem:s31+$0x4970] =	vst v30;
	v26 =	vadd.f32 v38, v26  }
0x1e3: {  	v28 =	vmul.f32 v28, v32;
	v61 =	vld [tilespmem:s31+$0x10500];
	v40 =	vmul.f32 v48, v33;
	v24 =	vadd.f32 v36, v24;
	[tilespmem:s31+$0x4510] =	vst v16  }
0x1e4: {  	v27 =	vmul.f32 v27, v32;
	v63 =	vld [tilespmem:s31+$0x10170];
	v39 =	vmul.f32 v49, v33;
	v22 =	vadd.f32 v34, v22;
	[tilespmem:s31+$0x4930] =	vst v26  }
0x1e5: {  	v25 =	vmul.f32 v25, v32;
	v46 =	vld [tilespmem:s31+$0x5550];
	v37 =	vmul.f32 v51, v33;
	v28 =	vadd.f32 v40, v28;
	[tilespmem:s31+$0x4910] =	vst v24  }
0x1e6: {  	v23 =	vmul.f32 v23, v32;
	v50 =	vld [tilespmem:s31+$0x10100];
	v35 =	vmul.f32 v53, v33;
	v27 =	vadd.f32 v39, v27;
	[tilespmem:s31+$0x4570] =	vst v22  }
0x1e7: {  	v20 =	vmul.f32 v20, v32;
	v48 =	vld [tilespmem:s31+$0x5560];
	v30 =	vmul.f32 v56, v33;
	v25 =	vadd.f32 v37, v25;
	[tilespmem:s31+$0x4950] =	vst v28  }
0x1e8: {  	v19 =	vmul.f32 v19, v32;
	v51 =	vld [tilespmem:s31+$0x4100];
	v23 =	vadd.f32 v35, v23;
	v35 =	vmul.f32 v57, v33;
	[tilespmem:s31+$0x4940] =	vst v27  }
0x1e9: {  	v18 =	vmul.f32 v18, v32;
	v34 =	vld [tilespmem:s31+$0x10160];
	v37 =	vmul.f32 v58, v33;
	v20 =	vadd.f32 v30, v20;
	[tilespmem:s31+$0x4920] =	vst v25  }
0x1ea: {  	v17 =	vmul.f32 v17, v32;
	v36 =	vld [tilespmem:s31+$0x11540];
	v39 =	vmul.f32 v59, v33;
	[tilespmem:s31+$0x4900] =	vst v23;
	v19 =	vadd.f32 v35, v19  }
0x1eb: {  	v15 =	vmul.f32 v15, v32;
	v38 =	vld [tilespmem:s31+$0x11550];
	v42 =	vmul.f32 v61, v33;
	v18 =	vadd.f32 v37, v18;
	[tilespmem:s31+$0x4550] =	vst v20  }
0x1ec: {  	v14 =	vmul.f32 v14, v32;
	v40 =	vld [tilespmem:s31+$0x11560];
	v44 =	vmul.f32 v63, v33;
	v17 =	vadd.f32 v39, v17;
	[tilespmem:s31+$0x4540] =	vst v19  }
0x1ed: {  	v49 =	vld [tilespmem:s31+$0x5570];
	v15 =	vadd.f32 v42, v15;
	v10 =	vmul.f32 v50, v33;
	v61 =	vmul.f32 v51, v32;
	[tilespmem:s31+$0x4530] =	vst v18  }
0x1ee: {  	v13 =	vmul.f32 v13, v32;
	v14 =	vadd.f32 v44, v14;
	[tilespmem:s31+$0x4520] =	vst v17;
	v47 =	vmul.f32 v34, v33  }
0x1ef: {  	v52 =	vmul.f32 v45, v32;
	[tilespmem:s31+$0x4500] =	vst v15;
	v53 =	vmul.f32 v36, v33;
	v63 =	vadd.f32 v10, v61  }
0x1f0: {  	v54 =	vmul.f32 v46, v32;
	[tilespmem:s31+$0x4170] =	vst v14;
	v55 =	vmul.f32 v38, v33;
	v13 =	vadd.f32 v47, v13  }
0x1f1: {  	v56 =	vmul.f32 v48, v32;
	v58 =	vmul.f32 v40, v33;
	v57 =	vadd.f32 v53, v52;
	[tilespmem:s31+$0x4100] =	vst v63  }
0x1f2: {  	v60 =	vmul.f32 v43, v33;
	v59 =	vmul.f32 v49, v32;
	v3 =	vadd.f32 v55, v54;
	[tilespmem:s31+$0x4160] =	vst v13  }
0x1f3: {  	v62 =	vadd.f32 v58, v56;
	[tilespmem:s31+$0x5540] =	vst v57  }
0x1f4: {  	s28 =	sadd.s32 $0x1, s28;
	[tilespmem:s31+$0x5550] =	vst v3;
	v3 =	vadd.f32 v60, v59  }
0x1f5: {  	p0 =	sne.s32 s28, s12;
	[tilespmem:s31+$0x5560] =	vst v62  }
.Ltmp1:
0x1f6: {  	[tilespmem:s31+$0x5570] =	vst v3;
	(pc) =	sbr.rel @p0 .LBB2_1-.Ltmp1, $4  }
0x1f7: {  	[hbm4b:s11+s2] =	stream.linear.scatter [tilespmem:s15], [sflag:$0x2], $0xC000, $0x38;
	[tilespmem:$0x1C100] =	vst v63  }
0x1f8: {  	_ =	swait.ge [sflag:s13], $0xC000  }
0x1f9: {  	[sflag:s13] =	ssyncset.done $0x0  }
0x1fa: {  	[sflag:s13] =	ssyncadd.s32 $0xFFFF4000  }
0x1fb: {  	_ =	sfence.sel $0x180000  }
0x1fc: {  	[bflag:$0x0] =	sbarrier.arrive $0xFFFF  }
0x1fd: {  	_ =	strace $0x9000004A  }
0x1fe: {  	s0 =	stileid.u32;
	[bflag:$0x2] =	sbarrier.arrive $0xFFFF  }
0x1ff: {  	p0 =	sne.s32 s0, $0x0;
	s0 =	rddreg [dreg:$0x2]  }
0x200: {  	s0 =	sadd.s32 @!p0 $0x100000, s0  }
0x201: {  	[sflag:s0] =	ssyncadd.tile.s32 @!p0 $0x1;
	_ =	shalt  }
.Lfunc_end2:
_tile_overlayer_lowered:
.L_overlay_start_2:
0x202: {  	(tag) =	ssettag $0x2  }
0x203: {  	s0 =	rddreg [dreg:$0x0];
	s2 =	stileid.u32  }
0x204: {  	s1 =	rddreg [dreg:$0x1];
	p0 =	sne.s32 s2, $0x0  }
0x205: {  	s3 =	rddreg [dreg:$0x2];
	[bflag:$0x3] =	sbarrier.arrive $0xFFFF;
	s2 =	simm.s32 @!p0 $0x1C02  }
0x206: {  	[timem:s3], [sflag:s2] =	dma.local @!p0 [hbm:s0], s1  }
0x207: {  	s0 =	simm.s32 @!p0 $0x2  }
0x208: {  	_ =	swait.ge @!p0 [sflag:s0], s1  }
0x209: {  	s1 =	ssub.s32 @!p0 $0x0, s1;
	[sflag:s0] =	ssyncset.done @!p0 $0x0  }
0x20a: {  	[sflag:s0] =	ssyncadd.s32 @!p0 s1  }
0x20b: {  	[bflag:$0x3] =	sbarrier.arrive $0xFFFF  }
0x20c: {  	_ =	shalt  }

</sc_bundles>
